<compile_context>
chip_gen: v7x
topology: tpu7x:2x2x1
jax: 0.10.2.dev20260603
libtpu: 0.0.44.dev20260713+nightly
codegen_flags: <defaults>
</compile_context>

<pallas_src>
import functools

import jax
import jax.numpy as jnp
from jax import lax
from jax.experimental import pallas as pl
from jax.experimental.pallas import tpu as pltpu
from jax.experimental.pallas import tpu_sc as plsc

NC = 2
NS = 16
NW = NC * NS
CHUNK = 128
K = 5
LANES = 16
TW = 64


@functools.cache
def _build_transpose(V, D):
    n_full = V // 128
    rem = V - n_full * 128
    vpad = (n_full + (1 if rem else 0)) * 128
    twords = 128 * TW
    n_iter = (n_full - 1) // NW + 1
    if n_iter % 2:
        n_iter += 1
    mesh = plsc.VectorSubcoreMesh(core_axis_name="c", subcore_axis_name="s")

    @functools.partial(
        pl.kernel,
        out_type=jax.ShapeDtypeStruct((vpad * TW,), jnp.float32),
        mesh=mesh,
        scratch_types=[
            pltpu.VMEM((2, D, 128), jnp.float32),
            pltpu.VMEM((twords,), jnp.float32),
            pltpu.VMEM((twords,), jnp.float32),
            pltpu.SemaphoreType.DMA,
            pltpu.SemaphoreType.DMA,
            pltpu.SemaphoreType.DMA,
            pltpu.SemaphoreType.DMA,
        ],
        compiler_params=pltpu.CompilerParams(needs_layout_passes=False),
    )
    def tr_kernel(wt_hbm, wtail_hbm, wd_hbm, tbuf, obuf_a, obuf_b,
                  isem_a, isem_b, osem_a, osem_b):
        obufs = (obuf_a, obuf_b)
        wid = lax.axis_index("s") * NC + lax.axis_index("c")
        isems = (isem_a, isem_b)
        osems = (osem_a, osem_b)
        lane = jnp.arange(16, dtype=jnp.int32)
        vbase = [(16 * j + lane) * TW for j in range(8)]
        lbase = [16 * j + lane for j in range(8)]

        def tile_of(k):
            return wid + NW * k

        def fire_in(k, par):
            @pl.when(tile_of(k) < n_full)
            def _():
                pltpu.async_copy(
                    wt_hbm.at[:, pl.ds(128 * tile_of(k), 128)],
                    tbuf.at[par], isems[par])

        def wait_in(par):
            pltpu.make_async_copy(
                wt_hbm.at[:, pl.ds(0, 128)], tbuf.at[par], isems[par]).wait()

        def fire_out(k, par):
            pltpu.async_copy(
                obufs[par], wd_hbm.at[pl.ds(twords * tile_of(k), twords)],
                osems[par])

        def wait_out(par):
            pltpu.make_async_copy(
                obufs[par], wd_hbm.at[pl.ds(0, twords)], osems[par]).wait()

        def compute(par):
            @pl.loop(0, D)
            def _(d0):
                dvec = (d0 + lane) & (D - 1)
                vs = [plsc.load_gather(tbuf.at[par], [dvec, lbase[j]])
                      for j in range(8)]
                for j in range(8):
                    plsc.store_scatter(obufs[par], [vbase[j] + dvec], vs[j])

        def step(k, par):
            fire_in(k + 1, 1 - par)

            @pl.when(tile_of(k) < n_full)
            def _():
                wait_in(par)

            @pl.when(jnp.logical_and(k >= 2, tile_of(k - 2) < n_full))
            def _():
                wait_out(par)

            @pl.when(tile_of(k) < n_full)
            def _():
                compute(par)
                fire_out(k, par)

        fire_in(0, 0)

        @pl.loop(0, n_iter, step=2)
        def _(k):
            step(k, 0)
            step(k + 1, 1)

        for m in (n_iter - 2, n_iter - 1):
            @pl.when(tile_of(m) < n_full)
            def _():
                wait_out(m % 2)

        if rem:
            nw_tail = rem * TW

            @pl.when(wid == NW - 1)
            def _():
                stage = obuf_a.at[pl.ds(0, nw_tail)]
                pltpu.sync_copy(wtail_hbm, stage)
                pltpu.sync_copy(
                    stage, wd_hbm.at[pl.ds(TW * 128 * n_full, nw_tail)])

    return tr_kernel, vpad, rem


@functools.cache
def _build_gather(n_chunks, D):
    n_groups = n_chunks // K
    assert n_groups % 2 == 0 and n_groups >= 4
    mesh = plsc.VectorSubcoreMesh(core_axis_name="c", subcore_axis_name="s")

    @functools.partial(
        pl.kernel,
        out_type=jax.ShapeDtypeStruct((NW, n_chunks, CHUNK, D), jnp.float32),
        mesh=mesh,
        scratch_types=[
            pltpu.VMEM((n_chunks, CHUNK), jnp.int32),
            pltpu.VMEM((2, K, CHUNK, TW), jnp.float32),
            pltpu.SemaphoreType.DMA,
            pltpu.SemaphoreType.DMA,
            pltpu.SemaphoreType.DMA,
            pltpu.SemaphoreType.DMA,
        ],
        compiler_params=pltpu.CompilerParams(use_tc_tiling_on_sc=False),
    )
    def emb_kernel(idx_hbm, table_hbm, out_hbm, idx_v, rows_v,
                   gsem_a, gsem_b, ssem_a, ssem_b):
        wid = lax.axis_index("s") * NC + lax.axis_index("c")
        pltpu.sync_copy(idx_hbm.at[wid], idx_v)

        def fire_gathers(g, half, sem):
            for b in range(K):
                pltpu.async_copy(
                    table_hbm.at[idx_v.at[g * K + b]], rows_v.at[half, b], sem)

        def drain_gathers(half, sem):
            for b in range(K):
                pltpu.make_async_copy(
                    table_hbm.at[idx_v.at[0]], rows_v.at[half, b], sem).wait()

        def fire_stores(g, half, sem):
            for b in range(K):
                pltpu.async_copy(
                    rows_v.at[half, b, :, pl.ds(0, D)],
                    out_hbm.at[wid, g * K + b], sem)

        def drain_stores(half, sem):
            for b in range(K):
                pltpu.make_async_copy(
                    rows_v.at[half, b, :, pl.ds(0, D)],
                    out_hbm.at[wid, b], sem).wait()

        fire_gathers(0, 0, gsem_a)
        drain_gathers(0, gsem_a)
        fire_gathers(1, 1, gsem_b)
        fire_stores(0, 0, ssem_a)

        @pl.loop(1, n_groups - 1, step=2)
        def _(g):
            drain_gathers(1, gsem_b)
            drain_stores(0, ssem_a)
            fire_gathers(g + 1, 0, gsem_a)
            fire_stores(g, 1, ssem_b)

            drain_gathers(0, gsem_a)
            drain_stores(1, ssem_b)
            fire_gathers(g + 2, 1, gsem_b)
            fire_stores(g + 1, 0, ssem_a)

        drain_gathers(1, gsem_b)
        drain_stores(0, ssem_a)
        fire_stores(n_groups - 1, 1, ssem_b)
        drain_stores(1, ssem_b)

    return emb_kernel


def kernel(x, W):
    B, H = x.shape
    V, D = W.shape
    n_flat = B * H
    assert n_flat % (NW * CHUNK) == 0 and D == 64
    n_chunks = n_flat // (NW * CHUNK)

    tr, vpad, rem = _build_transpose(V, D)
    assert rem > 0 and rem % 2 == 0
    wtail = W[V - rem:].reshape(-1)
    Wd = tr(W.T, wtail)
    table = Wd.reshape(vpad, TW)

    idx = x.reshape(NW, n_chunks, CHUNK)
    out = _build_gather(n_chunks, D)(idx, table)
    return out.reshape(B, H * D)

# --- scband reference (transcript-rebuilt; emitter-appended) ---
"""Pipeline reference for scband-embedding-layer-2843268350187 (READ-ONLY COPY).

The authoritative reference and input builder live on the scoring server;
editing this copy changes nothing except your own understanding.
"""

import jax, jax.numpy as jnp
import numpy as np

VOCAB = 1000000
EMBED_DIM = 64
BATCH = 16384
HIST = 20

def setup_inputs(seed: int = 0) -> dict:
    key = jax.random.key(seed)
    k1, k2 = jax.random.split(key)
    x = jax.random.randint(k1, (BATCH, HIST), 0, VOCAB, dtype=jnp.int32)
    # learned parameter: embedding table (embedding_matrix from __init__)
    W = jax.random.normal(k2, (VOCAB, EMBED_DIM), dtype=jnp.float32) * 0.02
    return {"x": x, "W": W}

def reference(x, W):
    # nn.Embedding lookup (padding_idx=0 only affects grads, not forward),
    # followed by .view(x.size(0), -1)
    out = jnp.take(W, x, axis=0)
    return out.reshape(x.shape[0], -1)

if __name__ == "__main__":
    import jax
    _d = setup_inputs()
    print(jax.jit(kernel)(*tuple(_d.values())))

</pallas_src>

<mosaic_0001>
#map = affine_map<(d0, d1) -> (0, 0)>
#map1 = affine_map<(d0, d1) -> (0)>
module attributes {stable_mosaic.version = 14 : i64} {
  func.func @tr_kernel(%arg0: i32, %arg1: i32, %arg2: memref<64x1000000xf32, #tpu.memory_space<hbm>>, %arg3: memref<4096xf32, #tpu.memory_space<hbm>>, %arg4: memref<64004096xf32, #tpu.memory_space<hbm>>, %arg5: memref<2x64x128xf32, #tpu.memory_space<vmem>>, %arg6: memref<8192xf32, #tpu.memory_space<vmem>>, %arg7: memref<8192xf32, #tpu.memory_space<vmem>>, %arg8: memref<!tpu.dma_semaphore, #tpu.memory_space<semaphore_mem>>, %arg9: memref<!tpu.dma_semaphore, #tpu.memory_space<semaphore_mem>>, %arg10: memref<!tpu.dma_semaphore, #tpu.memory_space<semaphore_mem>>, %arg11: memref<!tpu.dma_semaphore, #tpu.memory_space<semaphore_mem>>) attributes {dimension_semantics = [#tpu.dimension_semantics<core_parallel>, #tpu.dimension_semantics<subcore_parallel>], iteration_bounds = array<i64: 2, 16>, scalar_prefetch = 0 : i64, scratch_operands = 7 : i64, tpu.core_type = #tpu.core_type<sc_vector_subcore>, window_params = [{transform_indices = #map}, {transform_indices = #map1}, {transform_indices = #map1}]} {
    %mul3A = arith.constant 2 : i32
    %mul3A_0 = arith.muli %arg1, %mul3A : i32
    %add3A = arith.addi %mul3A_0, %arg0 : i32
    %iota3A = tpu.iota {dimensions = array<i32: 0>} : vector<16xi32>
    %add3A_1 = arith.constant 0 : i32
    %add3A_2 = vector.broadcast %add3A_1 : i32 to vector<16xi32>
    %add3A_3 = arith.addi %add3A_2, %iota3A : vector<16xi32>
    %mul3A_4 = arith.constant 64 : i32
    %mul3A_5 = vector.broadcast %mul3A_4 : i32 to vector<16xi32>
    %mul3A_6 = arith.muli %add3A_3, %mul3A_5 : vector<16xi32>
    %add3A_7 = arith.constant 16 : i32
    %add3A_8 = vector.broadcast %add3A_7 : i32 to vector<16xi32>
    %add3A_9 = arith.addi %add3A_8, %iota3A : vector<16xi32>
    %mul3A_10 = arith.constant 64 : i32
    %mul3A_11 = vector.broadcast %mul3A_10 : i32 to vector<16xi32>
    %mul3A_12 = arith.muli %add3A_9, %mul3A_11 : vector<16xi32>
    %add3A_13 = arith.constant 32 : i32
    %add3A_14 = vector.broadcast %add3A_13 : i32 to vector<16xi32>
    %add3A_15 = arith.addi %add3A_14, %iota3A : vector<16xi32>
    %mul3A_16 = arith.constant 64 : i32
    %mul3A_17 = vector.broadcast %mul3A_16 : i32 to vector<16xi32>
    %mul3A_18 = arith.muli %add3A_15, %mul3A_17 : vector<16xi32>
    %add3A_19 = arith.constant 48 : i32
    %add3A_20 = vector.broadcast %add3A_19 : i32 to vector<16xi32>
    %add3A_21 = arith.addi %add3A_20, %iota3A : vector<16xi32>
    %mul3A_22 = arith.constant 64 : i32
    %mul3A_23 = vector.broadcast %mul3A_22 : i32 to vector<16xi32>
    %mul3A_24 = arith.muli %add3A_21, %mul3A_23 : vector<16xi32>
    %add3A_25 = arith.constant 64 : i32
    %add3A_26 = vector.broadcast %add3A_25 : i32 to vector<16xi32>
    %add3A_27 = arith.addi %add3A_26, %iota3A : vector<16xi32>
    %mul3A_28 = arith.constant 64 : i32
    %mul3A_29 = vector.broadcast %mul3A_28 : i32 to vector<16xi32>
    %mul3A_30 = arith.muli %add3A_27, %mul3A_29 : vector<16xi32>
    %add3A_31 = arith.constant 80 : i32
    %add3A_32 = vector.broadcast %add3A_31 : i32 to vector<16xi32>
    %add3A_33 = arith.addi %add3A_32, %iota3A : vector<16xi32>
    %mul3A_34 = arith.constant 64 : i32
    %mul3A_35 = vector.broadcast %mul3A_34 : i32 to vector<16xi32>
    %mul3A_36 = arith.muli %add3A_33, %mul3A_35 : vector<16xi32>
    %add3A_37 = arith.constant 96 : i32
    %add3A_38 = vector.broadcast %add3A_37 : i32 to vector<16xi32>
    %add3A_39 = arith.addi %add3A_38, %iota3A : vector<16xi32>
    %mul3A_40 = arith.constant 64 : i32
    %mul3A_41 = vector.broadcast %mul3A_40 : i32 to vector<16xi32>
    %mul3A_42 = arith.muli %add3A_39, %mul3A_41 : vector<16xi32>
    %add3A_43 = arith.constant 112 : i32
    %add3A_44 = vector.broadcast %add3A_43 : i32 to vector<16xi32>
    %add3A_45 = arith.addi %add3A_44, %iota3A : vector<16xi32>
    %mul3A_46 = arith.constant 64 : i32
    %mul3A_47 = vector.broadcast %mul3A_46 : i32 to vector<16xi32>
    %mul3A_48 = arith.muli %add3A_45, %mul3A_47 : vector<16xi32>
    %add3A_49 = arith.constant 0 : i32
    %add3A_50 = vector.broadcast %add3A_49 : i32 to vector<16xi32>
    %add3A_51 = arith.addi %add3A_50, %iota3A : vector<16xi32>
    %add3A_52 = arith.constant 16 : i32
    %add3A_53 = vector.broadcast %add3A_52 : i32 to vector<16xi32>
    %add3A_54 = arith.addi %add3A_53, %iota3A : vector<16xi32>
    %add3A_55 = arith.constant 32 : i32
    %add3A_56 = vector.broadcast %add3A_55 : i32 to vector<16xi32>
    %add3A_57 = arith.addi %add3A_56, %iota3A : vector<16xi32>
    %add3A_58 = arith.constant 48 : i32
    %add3A_59 = vector.broadcast %add3A_58 : i32 to vector<16xi32>
    %add3A_60 = arith.addi %add3A_59, %iota3A : vector<16xi32>
    %add3A_61 = arith.constant 64 : i32
    %add3A_62 = vector.broadcast %add3A_61 : i32 to vector<16xi32>
    %add3A_63 = arith.addi %add3A_62, %iota3A : vector<16xi32>
    %add3A_64 = arith.constant 80 : i32
    %add3A_65 = vector.broadcast %add3A_64 : i32 to vector<16xi32>
    %add3A_66 = arith.addi %add3A_65, %iota3A : vector<16xi32>
    %add3A_67 = arith.constant 96 : i32
    %add3A_68 = vector.broadcast %add3A_67 : i32 to vector<16xi32>
    %add3A_69 = arith.addi %add3A_68, %iota3A : vector<16xi32>
    %add3A_70 = arith.constant 112 : i32
    %add3A_71 = vector.broadcast %add3A_70 : i32 to vector<16xi32>
    %add3A_72 = arith.addi %add3A_71, %iota3A : vector<16xi32>
    %add3A_73 = arith.constant 0 : i32
    %add3A_74 = arith.addi %add3A, %add3A_73 : i32
    %lt3A = arith.constant 7812 : i32
    %lt3A_75 = arith.cmpi slt, %add3A_74, %lt3A : i32
    %convert_element_type3A = arith.extui %lt3A_75 : i1 to i32
    %cond3A = arith.constant 0 : i32
    %cond3A_76 = arith.cmpi ne, %convert_element_type3A, %cond3A : i32
    scf.if %cond3A_76 {
      %add3A_99 = arith.constant 0 : i32
      %add3A_100 = arith.addi %add3A, %add3A_99 : i32
      %mul3A_101 = arith.constant 128 : i32
      %mul3A_102 = arith.muli %mul3A_101, %add3A_100 : i32
      %dma_start3A = arith.constant 0 : i32
      %dma_start3A_103 = arith.constant 0 : i32
      %dma_start3A_104 = arith.constant 0 : i32
      %dma_start3A_105 = tpu.memref_slice %arg5[%dma_start3A, %dma_start3A_103, %dma_start3A_104] : memref<2x64x128xf32, #tpu.memory_space<vmem>> -> memref<1x64x128xf32, #tpu.memory_space<vmem>>
      %dma_start3A_106 = tpu.memref_squeeze %dma_start3A_105 : memref<1x64x128xf32, #tpu.memory_space<vmem>> -> memref<64x128xf32, #tpu.memory_space<vmem>>
      %dma_start3A_107 = arith.constant 0 : i32
      %dma_start3A_108 = tpu.memref_slice %arg2[%dma_start3A_107, %mul3A_102] : memref<64x1000000xf32, #tpu.memory_space<hbm>> -> memref<64x128xf32, #tpu.memory_space<hbm>>
      %dma_start3A_109 = arith.constant 0 : i32
      %dma_start3A_110 = arith.constant 0 : i32
      %dma_start3A_111 = tpu.memref_slice %arg5[%dma_start3A, %dma_start3A_109, %dma_start3A_110] : memref<2x64x128xf32, #tpu.memory_space<vmem>> -> memref<1x64x128xf32, #tpu.memory_space<vmem>>
      %dma_start3A_112 = tpu.memref_squeeze %dma_start3A_111 : memref<1x64x128xf32, #tpu.memory_space<vmem>> -> memref<64x128xf32, #tpu.memory_space<vmem>>
      %dma_start3A_113 = arith.constant 0 : i32
      %dma_start3A_114 = tpu.memref_slice %arg2[%dma_start3A_113, %mul3A_102] : memref<64x1000000xf32, #tpu.memory_space<hbm>> -> memref<64x128xf32, #tpu.memory_space<hbm>>
      tpu.enqueue_dma source(%dma_start3A_114 : memref<64x128xf32, #tpu.memory_space<hbm>>) target(%dma_start3A_112 : memref<64x128xf32, #tpu.memory_space<vmem>>) target_semaphore(%arg8 : memref<!tpu.dma_semaphore, #tpu.memory_space<semaphore_mem>>)
    } else {
    }
    %scan3A = arith.constant 0 : i32
    %scan3A_77 = arith.constant 123 : i32
    %scan3A_78 = arith.addi %scan3A, %scan3A_77 : i32
    %scan3A_79 = arith.constant 1 : i32
    scf.for %scan3A_99 = %scan3A to %scan3A_78 step %scan3A_79  : i32 {
      %mul3A_100 = arith.constant 2 : i32
      %mul3A_101 = arith.muli %scan3A_99, %mul3A_100 : i32
      %add3A_102 = arith.constant 0 : i32
      %add3A_103 = arith.addi %add3A_102, %mul3A_101 : i32
      %add3A_104 = arith.constant 1 : i32
      %add3A_105 = arith.addi %add3A_103, %add3A_104 : i32
      %mul3A_106 = arith.constant 32 : i32
      %mul3A_107 = arith.muli %mul3A_106, %add3A_105 : i32
      %add3A_108 = arith.addi %add3A, %mul3A_107 : i32
      %lt3A_109 = arith.constant 7812 : i32
      %lt3A_110 = arith.cmpi slt, %add3A_108, %lt3A_109 : i32
      %convert_element_type3A_111 = arith.extui %lt3A_110 : i1 to i32
      %cond3A_112 = arith.constant 0 : i32
      %cond3A_113 = arith.cmpi ne, %convert_element_type3A_111, %cond3A_112 : i32
      scf.if %cond3A_113 {
        %mul3A_181 = arith.constant 32 : i32
        %mul3A_182 = arith.muli %mul3A_181, %add3A_105 : i32
        %add3A_183 = arith.addi %add3A, %mul3A_182 : i32
        %mul3A_184 = arith.constant 128 : i32
        %mul3A_185 = arith.muli %mul3A_184, %add3A_183 : i32
        %dma_start3A = arith.constant 1 : i32
        %dma_start3A_186 = arith.constant 0 : i32
        %dma_start3A_187 = arith.constant 0 : i32
        %dma_start3A_188 = tpu.memref_slice %arg5[%dma_start3A, %dma_start3A_186, %dma_start3A_187] : memref<2x64x128xf32, #tpu.memory_space<vmem>> -> memref<1x64x128xf32, #tpu.memory_space<vmem>>
        %dma_start3A_189 = tpu.memref_squeeze %dma_start3A_188 : memref<1x64x128xf32, #tpu.memory_space<vmem>> -> memref<64x128xf32, #tpu.memory_space<vmem>>
        %dma_start3A_190 = arith.constant 0 : i32
        %dma_start3A_191 = tpu.memref_slice %arg2[%dma_start3A_190, %mul3A_185] : memref<64x1000000xf32, #tpu.memory_space<hbm>> -> memref<64x128xf32, #tpu.memory_space<hbm>>
        %dma_start3A_192 = arith.constant 0 : i32
        %dma_start3A_193 = arith.constant 0 : i32
        %dma_start3A_194 = tpu.memref_slice %arg5[%dma_start3A, %dma_start3A_192, %dma_start3A_193] : memref<2x64x128xf32, #tpu.memory_space<vmem>> -> memref<1x64x128xf32, #tpu.memory_space<vmem>>
        %dma_start3A_195 = tpu.memref_squeeze %dma_start3A_194 : memref<1x64x128xf32, #tpu.memory_space<vmem>> -> memref<64x128xf32, #tpu.memory_space<vmem>>
        %dma_start3A_196 = arith.constant 0 : i32
        %dma_start3A_197 = tpu.memref_slice %arg2[%dma_start3A_196, %mul3A_185] : memref<64x1000000xf32, #tpu.memory_space<hbm>> -> memref<64x128xf32, #tpu.memory_space<hbm>>
        tpu.enqueue_dma source(%dma_start3A_197 : memref<64x128xf32, #tpu.memory_space<hbm>>) target(%dma_start3A_195 : memref<64x128xf32, #tpu.memory_space<vmem>>) target_semaphore(%arg9 : memref<!tpu.dma_semaphore, #tpu.memory_space<semaphore_mem>>)
      } else {
      }
      %mul3A_114 = arith.constant 32 : i32
      %mul3A_115 = arith.muli %mul3A_114, %add3A_103 : i32
      %add3A_116 = arith.addi %add3A, %mul3A_115 : i32
      %lt3A_117 = arith.constant 7812 : i32
      %lt3A_118 = arith.cmpi slt, %add3A_116, %lt3A_117 : i32
      %convert_element_type3A_119 = arith.extui %lt3A_118 : i1 to i32
      %cond3A_120 = arith.constant 0 : i32
      %cond3A_121 = arith.cmpi ne, %convert_element_type3A_119, %cond3A_120 : i32
      scf.if %cond3A_121 {
        %dma_wait3A = arith.constant 0 : i32
        %dma_wait3A_181 = arith.constant 0 : i32
        %dma_wait3A_182 = arith.constant 0 : i32
        %dma_wait3A_183 = tpu.memref_slice %arg5[%dma_wait3A, %dma_wait3A_181, %dma_wait3A_182] : memref<2x64x128xf32, #tpu.memory_space<vmem>> -> memref<1x64x128xf32, #tpu.memory_space<vmem>>
        %dma_wait3A_184 = tpu.memref_squeeze %dma_wait3A_183 : memref<1x64x128xf32, #tpu.memory_space<vmem>> -> memref<64x128xf32, #tpu.memory_space<vmem>>
        %dma_wait3A_185 = arith.constant 0 : i32
        %dma_wait3A_186 = arith.constant 0 : i32
        %dma_wait3A_187 = tpu.memref_slice %arg2[%dma_wait3A_185, %dma_wait3A_186] : memref<64x1000000xf32, #tpu.memory_space<hbm>> -> memref<64x128xf32, #tpu.memory_space<hbm>>
        %dma_wait3A_188 = arith.constant 0 : i32
        %dma_wait3A_189 = arith.constant 0 : i32
        %dma_wait3A_190 = tpu.memref_slice %arg5[%dma_wait3A, %dma_wait3A_188, %dma_wait3A_189] : memref<2x64x128xf32, #tpu.memory_space<vmem>> -> memref<1x64x128xf32, #tpu.memory_space<vmem>>
        %dma_wait3A_191 = tpu.memref_squeeze %dma_wait3A_190 : memref<1x64x128xf32, #tpu.memory_space<vmem>> -> memref<64x128xf32, #tpu.memory_space<vmem>>
        %dma_wait3A_192 = arith.constant 0 : i32
        %dma_wait3A_193 = arith.constant 0 : i32
        %dma_wait3A_194 = tpu.memref_slice %arg2[%dma_wait3A_192, %dma_wait3A_193] : memref<64x1000000xf32, #tpu.memory_space<hbm>> -> memref<64x128xf32, #tpu.memory_space<hbm>>
        tpu.wait_dma2 semaphore(%arg8 : memref<!tpu.dma_semaphore, #tpu.memory_space<semaphore_mem>>) src(%dma_wait3A_194 : memref<64x128xf32, #tpu.memory_space<hbm>>) dst(%dma_wait3A_191 : memref<64x128xf32, #tpu.memory_space<vmem>>)
      } else {
      }
      %ge3A = arith.constant 2 : i32
      %ge3A_122 = arith.cmpi sge, %add3A_103, %ge3A : i32
      %sub3A = arith.constant 2 : i32
      %sub3A_123 = arith.subi %add3A_103, %sub3A : i32
      %mul3A_124 = arith.constant 32 : i32
      %mul3A_125 = arith.muli %mul3A_124, %sub3A_123 : i32
      %add3A_126 = arith.addi %add3A, %mul3A_125 : i32
      %lt3A_127 = arith.constant 7812 : i32
      %lt3A_128 = arith.cmpi slt, %add3A_126, %lt3A_127 : i32
      %and3A = arith.andi %ge3A_122, %lt3A_128 : i1
      %convert_element_type3A_129 = arith.extui %and3A : i1 to i32
      %cond3A_130 = arith.constant 0 : i32
      %cond3A_131 = arith.cmpi ne, %convert_element_type3A_129, %cond3A_130 : i32
      scf.if %cond3A_131 {
        %dma_wait3A = arith.constant 0 : i32
        %dma_wait3A_181 = tpu.memref_slice %arg4[%dma_wait3A] : memref<64004096xf32, #tpu.memory_space<hbm>> -> memref<8192xf32, #tpu.memory_space<hbm>>
        %dma_wait3A_182 = arith.constant 0 : i32
        %dma_wait3A_183 = tpu.memref_slice %arg4[%dma_wait3A_182] : memref<64004096xf32, #tpu.memory_space<hbm>> -> memref<8192xf32, #tpu.memory_space<hbm>>
        tpu.wait_dma2 semaphore(%arg10 : memref<!tpu.dma_semaphore, #tpu.memory_space<semaphore_mem>>) src(%arg6 : memref<8192xf32, #tpu.memory_space<vmem>>) dst(%dma_wait3A_183 : memref<8192xf32, #tpu.memory_space<hbm>>)
      } else {
      }
      %mul3A_132 = arith.constant 32 : i32
      %mul3A_133 = arith.muli %mul3A_132, %add3A_103 : i32
      %add3A_134 = arith.addi %add3A, %mul3A_133 : i32
      %lt3A_135 = arith.constant 7812 : i32
      %lt3A_136 = arith.cmpi slt, %add3A_134, %lt3A_135 : i32
      %convert_element_type3A_137 = arith.extui %lt3A_136 : i1 to i32
      %cond3A_138 = arith.constant 0 : i32
      %cond3A_139 = arith.cmpi ne, %convert_element_type3A_137, %cond3A_138 : i32
      scf.if %cond3A_139 {
        %scan3A_181 = arith.constant 0 : i32
        %scan3A_182 = arith.constant 64 : i32
        %scan3A_183 = arith.addi %scan3A_181, %scan3A_182 : i32
        %scan3A_184 = arith.constant 1 : i32
        scf.for %scan3A_192 = %scan3A_181 to %scan3A_183 step %scan3A_184  : i32 {
          %mul3A_193 = arith.constant 1 : i32
          %mul3A_194 = arith.muli %scan3A_192, %mul3A_193 : i32
          %add3A_195 = arith.constant 0 : i32
          %add3A_196 = arith.addi %add3A_195, %mul3A_194 : i32
          %add3A_197 = vector.broadcast %add3A_196 : i32 to vector<16xi32>
          %add3A_198 = arith.addi %add3A_197, %iota3A : vector<16xi32>
          %and3A_199 = arith.constant 63 : i32
          %and3A_200 = vector.broadcast %and3A_199 : i32 to vector<16xi32>
          %and3A_201 = arith.andi %add3A_198, %and3A_200 : vector<16xi32>
          %gather3A = arith.constant 0 : i32
          %gather3A_202 = arith.constant 0 : i32
          %gather3A_203 = arith.constant 0 : i32
          %gather3A_204 = tpu.memref_slice %arg5[%gather3A, %gather3A_202, %gather3A_203] : memref<2x64x128xf32, #tpu.memory_space<vmem>> -> memref<1x64x128xf32, #tpu.memory_space<vmem>>
          %gather3A_205 = tpu.memref_squeeze %gather3A_204 : memref<1x64x128xf32, #tpu.memory_space<vmem>> -> memref<64x128xf32, #tpu.memory_space<vmem>>
          %gather3A_206 = tpu.vector_load_idx %gather3A_205[%and3A_201, %add3A_51] : memref<64x128xf32, #tpu.memory_space<vmem>>[vector<16xi32>, vector<16xi32>], vector<16xf32>,
          %gather3A_207 = arith.constant 0 : i32
          %gather3A_208 = arith.constant 0 : i32
          %gather3A_209 = arith.constant 0 : i32
          %gather3A_210 = tpu.memref_slice %arg5[%gather3A_207, %gather3A_208, %gather3A_209] : memref<2x64x128xf32, #tpu.memory_space<vmem>> -> memref<1x64x128xf32, #tpu.memory_space<vmem>>
          %gather3A_211 = tpu.memref_squeeze %gather3A_210 : memref<1x64x128xf32, #tpu.memory_space<vmem>> -> memref<64x128xf32, #tpu.memory_space<vmem>>
          %gather3A_212 = tpu.vector_load_idx %gather3A_211[%and3A_201, %add3A_54] : memref<64x128xf32, #tpu.memory_space<vmem>>[vector<16xi32>, vector<16xi32>], vector<16xf32>,
          %gather3A_213 = arith.constant 0 : i32
          %gather3A_214 = arith.constant 0 : i32
          %gather3A_215 = arith.constant 0 : i32
          %gather3A_216 = tpu.memref_slice %arg5[%gather3A_213, %gather3A_214, %gather3A_215] : memref<2x64x128xf32, #tpu.memory_space<vmem>> -> memref<1x64x128xf32, #tpu.memory_space<vmem>>
          %gather3A_217 = tpu.memref_squeeze %gather3A_216 : memref<1x64x128xf32, #tpu.memory_space<vmem>> -> memref<64x128xf32, #tpu.memory_space<vmem>>
          %gather3A_218 = tpu.vector_load_idx %gather3A_217[%and3A_201, %add3A_57] : memref<64x128xf32, #tpu.memory_space<vmem>>[vector<16xi32>, vector<16xi32>], vector<16xf32>,
          %gather3A_219 = arith.constant 0 : i32
          %gather3A_220 = arith.constant 0 : i32
          %gather3A_221 = arith.constant 0 : i32
          %gather3A_222 = tpu.memref_slice %arg5[%gather3A_219, %gather3A_220, %gather3A_221] : memref<2x64x128xf32, #tpu.memory_space<vmem>> -> memref<1x64x128xf32, #tpu.memory_space<vmem>>
          %gather3A_223 = tpu.memref_squeeze %gather3A_222 : memref<1x64x128xf32, #tpu.memory_space<vmem>> -> memref<64x128xf32, #tpu.memory_space<vmem>>
          %gather3A_224 = tpu.vector_load_idx %gather3A_223[%and3A_201, %add3A_60] : memref<64x128xf32, #tpu.memory_space<vmem>>[vector<16xi32>, vector<16xi32>], vector<16xf32>,
          %gather3A_225 = arith.constant 0 : i32
          %gather3A_226 = arith.constant 0 : i32
          %gather3A_227 = arith.constant 0 : i32
          %gather3A_228 = tpu.memref_slice %arg5[%gather3A_225, %gather3A_226, %gather3A_227] : memref<2x64x128xf32, #tpu.memory_space<vmem>> -> memref<1x64x128xf32, #tpu.memory_space<vmem>>
          %gather3A_229 = tpu.memref_squeeze %gather3A_228 : memref<1x64x128xf32, #tpu.memory_space<vmem>> -> memref<64x128xf32, #tpu.memory_space<vmem>>
          %gather3A_230 = tpu.vector_load_idx %gather3A_229[%and3A_201, %add3A_63] : memref<64x128xf32, #tpu.memory_space<vmem>>[vector<16xi32>, vector<16xi32>], vector<16xf32>,
          %gather3A_231 = arith.constant 0 : i32
          %gather3A_232 = arith.constant 0 : i32
          %gather3A_233 = arith.constant 0 : i32
          %gather3A_234 = tpu.memref_slice %arg5[%gather3A_231, %gather3A_232, %gather3A_233] : memref<2x64x128xf32, #tpu.memory_space<vmem>> -> memref<1x64x128xf32, #tpu.memory_space<vmem>>
          %gather3A_235 = tpu.memref_squeeze %gather3A_234 : memref<1x64x128xf32, #tpu.memory_space<vmem>> -> memref<64x128xf32, #tpu.memory_space<vmem>>
          %gather3A_236 = tpu.vector_load_idx %gather3A_235[%and3A_201, %add3A_66] : memref<64x128xf32, #tpu.memory_space<vmem>>[vector<16xi32>, vector<16xi32>], vector<16xf32>,
          %gather3A_237 = arith.constant 0 : i32
          %gather3A_238 = arith.constant 0 : i32
          %gather3A_239 = arith.constant 0 : i32
          %gather3A_240 = tpu.memref_slice %arg5[%gather3A_237, %gather3A_238, %gather3A_239] : memref<2x64x128xf32, #tpu.memory_space<vmem>> -> memref<1x64x128xf32, #tpu.memory_space<vmem>>
          %gather3A_241 = tpu.memref_squeeze %gather3A_240 : memref<1x64x128xf32, #tpu.memory_space<vmem>> -> memref<64x128xf32, #tpu.memory_space<vmem>>
          %gather3A_242 = tpu.vector_load_idx %gather3A_241[%and3A_201, %add3A_69] : memref<64x128xf32, #tpu.memory_space<vmem>>[vector<16xi32>, vector<16xi32>], vector<16xf32>,
          %gather3A_243 = arith.constant 0 : i32
          %gather3A_244 = arith.constant 0 : i32
          %gather3A_245 = arith.constant 0 : i32
          %gather3A_246 = tpu.memref_slice %arg5[%gather3A_243, %gather3A_244, %gather3A_245] : memref<2x64x128xf32, #tpu.memory_space<vmem>> -> memref<1x64x128xf32, #tpu.memory_space<vmem>>
          %gather3A_247 = tpu.memref_squeeze %gather3A_246 : memref<1x64x128xf32, #tpu.memory_space<vmem>> -> memref<64x128xf32, #tpu.memory_space<vmem>>
          %gather3A_248 = tpu.vector_load_idx %gather3A_247[%and3A_201, %add3A_72] : memref<64x128xf32, #tpu.memory_space<vmem>>[vector<16xi32>, vector<16xi32>], vector<16xf32>,
          %add3A_249 = arith.addi %mul3A_6, %and3A_201 : vector<16xi32>
          tpu.vector_store_idx %arg6[%add3A_249], %gather3A_206 : memref<8192xf32, #tpu.memory_space<vmem>>[vector<16xi32>], vector<16xf32>,
          %add3A_250 = arith.addi %mul3A_12, %and3A_201 : vector<16xi32>
          tpu.vector_store_idx %arg6[%add3A_250], %gather3A_212 : memref<8192xf32, #tpu.memory_space<vmem>>[vector<16xi32>], vector<16xf32>,
          %add3A_251 = arith.addi %mul3A_18, %and3A_201 : vector<16xi32>
          tpu.vector_store_idx %arg6[%add3A_251], %gather3A_218 : memref<8192xf32, #tpu.memory_space<vmem>>[vector<16xi32>], vector<16xf32>,
          %add3A_252 = arith.addi %mul3A_24, %and3A_201 : vector<16xi32>
          tpu.vector_store_idx %arg6[%add3A_252], %gather3A_224 : memref<8192xf32, #tpu.memory_space<vmem>>[vector<16xi32>], vector<16xf32>,
          %add3A_253 = arith.addi %mul3A_30, %and3A_201 : vector<16xi32>
          tpu.vector_store_idx %arg6[%add3A_253], %gather3A_230 : memref<8192xf32, #tpu.memory_space<vmem>>[vector<16xi32>], vector<16xf32>,
          %add3A_254 = arith.addi %mul3A_36, %and3A_201 : vector<16xi32>
          tpu.vector_store_idx %arg6[%add3A_254], %gather3A_236 : memref<8192xf32, #tpu.memory_space<vmem>>[vector<16xi32>], vector<16xf32>,
          %add3A_255 = arith.addi %mul3A_42, %and3A_201 : vector<16xi32>
          tpu.vector_store_idx %arg6[%add3A_255], %gather3A_242 : memref<8192xf32, #tpu.memory_space<vmem>>[vector<16xi32>], vector<16xf32>,
          %add3A_256 = arith.addi %mul3A_48, %and3A_201 : vector<16xi32>
          tpu.vector_store_idx %arg6[%add3A_256], %gather3A_248 : memref<8192xf32, #tpu.memory_space<vmem>>[vector<16xi32>], vector<16xf32>,
        }
        %scan3A_185 = arith.constant 64 : i32
        %mul3A_186 = arith.constant 32 : i32
        %mul3A_187 = arith.muli %mul3A_186, %add3A_103 : i32
        %add3A_188 = arith.addi %add3A, %mul3A_187 : i32
        %mul3A_189 = arith.constant 8192 : i32
        %mul3A_190 = arith.muli %mul3A_189, %add3A_188 : i32
        %dma_start3A = tpu.memref_slice %arg4[%mul3A_190] : memref<64004096xf32, #tpu.memory_space<hbm>> -> memref<8192xf32, #tpu.memory_space<hbm>>
        %dma_start3A_191 = tpu.memref_slice %arg4[%mul3A_190] : memref<64004096xf32, #tpu.memory_space<hbm>> -> memref<8192xf32, #tpu.memory_space<hbm>>
        tpu.enqueue_dma source(%arg6 : memref<8192xf32, #tpu.memory_space<vmem>>) target(%dma_start3A_191 : memref<8192xf32, #tpu.memory_space<hbm>>) target_semaphore(%arg10 : memref<!tpu.dma_semaphore, #tpu.memory_space<semaphore_mem>>)
      } else {
      }
      %add3A_140 = arith.constant 1 : i32
      %add3A_141 = arith.addi %add3A_103, %add3A_140 : i32
      %add3A_142 = arith.constant 1 : i32
      %add3A_143 = arith.addi %add3A_141, %add3A_142 : i32
      %mul3A_144 = arith.constant 32 : i32
      %mul3A_145 = arith.muli %mul3A_144, %add3A_143 : i32
      %add3A_146 = arith.addi %add3A, %mul3A_145 : i32
      %lt3A_147 = arith.constant 7812 : i32
      %lt3A_148 = arith.cmpi slt, %add3A_146, %lt3A_147 : i32
      %convert_element_type3A_149 = arith.extui %lt3A_148 : i1 to i32
      %cond3A_150 = arith.constant 0 : i32
      %cond3A_151 = arith.cmpi ne, %convert_element_type3A_149, %cond3A_150 : i32
      scf.if %cond3A_151 {
        %mul3A_181 = arith.constant 32 : i32
        %mul3A_182 = arith.muli %mul3A_181, %add3A_143 : i32
        %add3A_183 = arith.addi %add3A, %mul3A_182 : i32
        %mul3A_184 = arith.constant 128 : i32
        %mul3A_185 = arith.muli %mul3A_184, %add3A_183 : i32
        %dma_start3A = arith.constant 0 : i32
        %dma_start3A_186 = arith.constant 0 : i32
        %dma_start3A_187 = arith.constant 0 : i32
        %dma_start3A_188 = tpu.memref_slice %arg5[%dma_start3A, %dma_start3A_186, %dma_start3A_187] : memref<2x64x128xf32, #tpu.memory_space<vmem>> -> memref<1x64x128xf32, #tpu.memory_space<vmem>>
        %dma_start3A_189 = tpu.memref_squeeze %dma_start3A_188 : memref<1x64x128xf32, #tpu.memory_space<vmem>> -> memref<64x128xf32, #tpu.memory_space<vmem>>
        %dma_start3A_190 = arith.constant 0 : i32
        %dma_start3A_191 = tpu.memref_slice %arg2[%dma_start3A_190, %mul3A_185] : memref<64x1000000xf32, #tpu.memory_space<hbm>> -> memref<64x128xf32, #tpu.memory_space<hbm>>
        %dma_start3A_192 = arith.constant 0 : i32
        %dma_start3A_193 = arith.constant 0 : i32
        %dma_start3A_194 = tpu.memref_slice %arg5[%dma_start3A, %dma_start3A_192, %dma_start3A_193] : memref<2x64x128xf32, #tpu.memory_space<vmem>> -> memref<1x64x128xf32, #tpu.memory_space<vmem>>
        %dma_start3A_195 = tpu.memref_squeeze %dma_start3A_194 : memref<1x64x128xf32, #tpu.memory_space<vmem>> -> memref<64x128xf32, #tpu.memory_space<vmem>>
        %dma_start3A_196 = arith.constant 0 : i32
        %dma_start3A_197 = tpu.memref_slice %arg2[%dma_start3A_196, %mul3A_185] : memref<64x1000000xf32, #tpu.memory_space<hbm>> -> memref<64x128xf32, #tpu.memory_space<hbm>>
        tpu.enqueue_dma source(%dma_start3A_197 : memref<64x128xf32, #tpu.memory_space<hbm>>) target(%dma_start3A_195 : memref<64x128xf32, #tpu.memory_space<vmem>>) target_semaphore(%arg8 : memref<!tpu.dma_semaphore, #tpu.memory_space<semaphore_mem>>)
      } else {
      }
      %mul3A_152 = arith.constant 32 : i32
      %mul3A_153 = arith.muli %mul3A_152, %add3A_141 : i32
      %add3A_154 = arith.addi %add3A, %mul3A_153 : i32
      %lt3A_155 = arith.constant 7812 : i32
      %lt3A_156 = arith.cmpi slt, %add3A_154, %lt3A_155 : i32
      %convert_element_type3A_157 = arith.extui %lt3A_156 : i1 to i32
      %cond3A_158 = arith.constant 0 : i32
      %cond3A_159 = arith.cmpi ne, %convert_element_type3A_157, %cond3A_158 : i32
      scf.if %cond3A_159 {
        %dma_wait3A = arith.constant 1 : i32
        %dma_wait3A_181 = arith.constant 0 : i32
        %dma_wait3A_182 = arith.constant 0 : i32
        %dma_wait3A_183 = tpu.memref_slice %arg5[%dma_wait3A, %dma_wait3A_181, %dma_wait3A_182] : memref<2x64x128xf32, #tpu.memory_space<vmem>> -> memref<1x64x128xf32, #tpu.memory_space<vmem>>
        %dma_wait3A_184 = tpu.memref_squeeze %dma_wait3A_183 : memref<1x64x128xf32, #tpu.memory_space<vmem>> -> memref<64x128xf32, #tpu.memory_space<vmem>>
        %dma_wait3A_185 = arith.constant 0 : i32
        %dma_wait3A_186 = arith.constant 0 : i32
        %dma_wait3A_187 = tpu.memref_slice %arg2[%dma_wait3A_185, %dma_wait3A_186] : memref<64x1000000xf32, #tpu.memory_space<hbm>> -> memref<64x128xf32, #tpu.memory_space<hbm>>
        %dma_wait3A_188 = arith.constant 0 : i32
        %dma_wait3A_189 = arith.constant 0 : i32
        %dma_wait3A_190 = tpu.memref_slice %arg5[%dma_wait3A, %dma_wait3A_188, %dma_wait3A_189] : memref<2x64x128xf32, #tpu.memory_space<vmem>> -> memref<1x64x128xf32, #tpu.memory_space<vmem>>
        %dma_wait3A_191 = tpu.memref_squeeze %dma_wait3A_190 : memref<1x64x128xf32, #tpu.memory_space<vmem>> -> memref<64x128xf32, #tpu.memory_space<vmem>>
        %dma_wait3A_192 = arith.constant 0 : i32
        %dma_wait3A_193 = arith.constant 0 : i32
        %dma_wait3A_194 = tpu.memref_slice %arg2[%dma_wait3A_192, %dma_wait3A_193] : memref<64x1000000xf32, #tpu.memory_space<hbm>> -> memref<64x128xf32, #tpu.memory_space<hbm>>
        tpu.wait_dma2 semaphore(%arg9 : memref<!tpu.dma_semaphore, #tpu.memory_space<semaphore_mem>>) src(%dma_wait3A_194 : memref<64x128xf32, #tpu.memory_space<hbm>>) dst(%dma_wait3A_191 : memref<64x128xf32, #tpu.memory_space<vmem>>)
      } else {
      }
      %ge3A_160 = arith.constant 2 : i32
      %ge3A_161 = arith.cmpi sge, %add3A_141, %ge3A_160 : i32
      %sub3A_162 = arith.constant 2 : i32
      %sub3A_163 = arith.subi %add3A_141, %sub3A_162 : i32
      %mul3A_164 = arith.constant 32 : i32
      %mul3A_165 = arith.muli %mul3A_164, %sub3A_163 : i32
      %add3A_166 = arith.addi %add3A, %mul3A_165 : i32
      %lt3A_167 = arith.constant 7812 : i32
      %lt3A_168 = arith.cmpi slt, %add3A_166, %lt3A_167 : i32
      %and3A_169 = arith.andi %ge3A_161, %lt3A_168 : i1
      %convert_element_type3A_170 = arith.extui %and3A_169 : i1 to i32
      %cond3A_171 = arith.constant 0 : i32
      %cond3A_172 = arith.cmpi ne, %convert_element_type3A_170, %cond3A_171 : i32
      scf.if %cond3A_172 {
        %dma_wait3A = arith.constant 0 : i32
        %dma_wait3A_181 = tpu.memref_slice %arg4[%dma_wait3A] : memref<64004096xf32, #tpu.memory_space<hbm>> -> memref<8192xf32, #tpu.memory_space<hbm>>
        %dma_wait3A_182 = arith.constant 0 : i32
        %dma_wait3A_183 = tpu.memref_slice %arg4[%dma_wait3A_182] : memref<64004096xf32, #tpu.memory_space<hbm>> -> memref<8192xf32, #tpu.memory_space<hbm>>
        tpu.wait_dma2 semaphore(%arg11 : memref<!tpu.dma_semaphore, #tpu.memory_space<semaphore_mem>>) src(%arg7 : memref<8192xf32, #tpu.memory_space<vmem>>) dst(%dma_wait3A_183 : memref<8192xf32, #tpu.memory_space<hbm>>)
      } else {
      }
      %mul3A_173 = arith.constant 32 : i32
      %mul3A_174 = arith.muli %mul3A_173, %add3A_141 : i32
      %add3A_175 = arith.addi %add3A, %mul3A_174 : i32
      %lt3A_176 = arith.constant 7812 : i32
      %lt3A_177 = arith.cmpi slt, %add3A_175, %lt3A_176 : i32
      %convert_element_type3A_178 = arith.extui %lt3A_177 : i1 to i32
      %cond3A_179 = arith.constant 0 : i32
      %cond3A_180 = arith.cmpi ne, %convert_element_type3A_178, %cond3A_179 : i32
      scf.if %cond3A_180 {
        %scan3A_181 = arith.constant 0 : i32
        %scan3A_182 = arith.constant 64 : i32
        %scan3A_183 = arith.addi %scan3A_181, %scan3A_182 : i32
        %scan3A_184 = arith.constant 1 : i32
        scf.for %scan3A_192 = %scan3A_181 to %scan3A_183 step %scan3A_184  : i32 {
          %mul3A_193 = arith.constant 1 : i32
          %mul3A_194 = arith.muli %scan3A_192, %mul3A_193 : i32
          %add3A_195 = arith.constant 0 : i32
          %add3A_196 = arith.addi %add3A_195, %mul3A_194 : i32
          %add3A_197 = vector.broadcast %add3A_196 : i32 to vector<16xi32>
          %add3A_198 = arith.addi %add3A_197, %iota3A : vector<16xi32>
          %and3A_199 = arith.constant 63 : i32
          %and3A_200 = vector.broadcast %and3A_199 : i32 to vector<16xi32>
          %and3A_201 = arith.andi %add3A_198, %and3A_200 : vector<16xi32>
          %gather3A = arith.constant 1 : i32
          %gather3A_202 = arith.constant 0 : i32
          %gather3A_203 = arith.constant 0 : i32
          %gather3A_204 = tpu.memref_slice %arg5[%gather3A, %gather3A_202, %gather3A_203] : memref<2x64x128xf32, #tpu.memory_space<vmem>> -> memref<1x64x128xf32, #tpu.memory_space<vmem>>
          %gather3A_205 = tpu.memref_squeeze %gather3A_204 : memref<1x64x128xf32, #tpu.memory_space<vmem>> -> memref<64x128xf32, #tpu.memory_space<vmem>>
          %gather3A_206 = tpu.vector_load_idx %gather3A_205[%and3A_201, %add3A_51] : memref<64x128xf32, #tpu.memory_space<vmem>>[vector<16xi32>, vector<16xi32>], vector<16xf32>,
          %gather3A_207 = arith.constant 1 : i32
          %gather3A_208 = arith.constant 0 : i32
          %gather3A_209 = arith.constant 0 : i32
          %gather3A_210 = tpu.memref_slice %arg5[%gather3A_207, %gather3A_208, %gather3A_209] : memref<2x64x128xf32, #tpu.memory_space<vmem>> -> memref<1x64x128xf32, #tpu.memory_space<vmem>>
          %gather3A_211 = tpu.memref_squeeze %gather3A_210 : memref<1x64x128xf32, #tpu.memory_space<vmem>> -> memref<64x128xf32, #tpu.memory_space<vmem>>
          %gather3A_212 = tpu.vector_load_idx %gather3A_211[%and3A_201, %add3A_54] : memref<64x128xf32, #tpu.memory_space<vmem>>[vector<16xi32>, vector<16xi32>], vector<16xf32>,
          %gather3A_213 = arith.constant 1 : i32
          %gather3A_214 = arith.constant 0 : i32
          %gather3A_215 = arith.constant 0 : i32
          %gather3A_216 = tpu.memref_slice %arg5[%gather3A_213, %gather3A_214, %gather3A_215] : memref<2x64x128xf32, #tpu.memory_space<vmem>> -> memref<1x64x128xf32, #tpu.memory_space<vmem>>
          %gather3A_217 = tpu.memref_squeeze %gather3A_216 : memref<1x64x128xf32, #tpu.memory_space<vmem>> -> memref<64x128xf32, #tpu.memory_space<vmem>>
          %gather3A_218 = tpu.vector_load_idx %gather3A_217[%and3A_201, %add3A_57] : memref<64x128xf32, #tpu.memory_space<vmem>>[vector<16xi32>, vector<16xi32>], vector<16xf32>,
          %gather3A_219 = arith.constant 1 : i32
          %gather3A_220 = arith.constant 0 : i32
          %gather3A_221 = arith.constant 0 : i32
          %gather3A_222 = tpu.memref_slice %arg5[%gather3A_219, %gather3A_220, %gather3A_221] : memref<2x64x128xf32, #tpu.memory_space<vmem>> -> memref<1x64x128xf32, #tpu.memory_space<vmem>>
          %gather3A_223 = tpu.memref_squeeze %gather3A_222 : memref<1x64x128xf32, #tpu.memory_space<vmem>> -> memref<64x128xf32, #tpu.memory_space<vmem>>
          %gather3A_224 = tpu.vector_load_idx %gather3A_223[%and3A_201, %add3A_60] : memref<64x128xf32, #tpu.memory_space<vmem>>[vector<16xi32>, vector<16xi32>], vector<16xf32>,
          %gather3A_225 = arith.constant 1 : i32
          %gather3A_226 = arith.constant 0 : i32
          %gather3A_227 = arith.constant 0 : i32
          %gather3A_228 = tpu.memref_slice %arg5[%gather3A_225, %gather3A_226, %gather3A_227] : memref<2x64x128xf32, #tpu.memory_space<vmem>> -> memref<1x64x128xf32, #tpu.memory_space<vmem>>
          %gather3A_229 = tpu.memref_squeeze %gather3A_228 : memref<1x64x128xf32, #tpu.memory_space<vmem>> -> memref<64x128xf32, #tpu.memory_space<vmem>>
          %gather3A_230 = tpu.vector_load_idx %gather3A_229[%and3A_201, %add3A_63] : memref<64x128xf32, #tpu.memory_space<vmem>>[vector<16xi32>, vector<16xi32>], vector<16xf32>,
          %gather3A_231 = arith.constant 1 : i32
          %gather3A_232 = arith.constant 0 : i32
          %gather3A_233 = arith.constant 0 : i32
          %gather3A_234 = tpu.memref_slice %arg5[%gather3A_231, %gather3A_232, %gather3A_233] : memref<2x64x128xf32, #tpu.memory_space<vmem>> -> memref<1x64x128xf32, #tpu.memory_space<vmem>>
          %gather3A_235 = tpu.memref_squeeze %gather3A_234 : memref<1x64x128xf32, #tpu.memory_space<vmem>> -> memref<64x128xf32, #tpu.memory_space<vmem>>
          %gather3A_236 = tpu.vector_load_idx %gather3A_235[%and3A_201, %add3A_66] : memref<64x128xf32, #tpu.memory_space<vmem>>[vector<16xi32>, vector<16xi32>], vector<16xf32>,
          %gather3A_237 = arith.constant 1 : i32
          %gather3A_238 = arith.constant 0 : i32
          %gather3A_239 = arith.constant 0 : i32
          %gather3A_240 = tpu.memref_slice %arg5[%gather3A_237, %gather3A_238, %gather3A_239] : memref<2x64x128xf32, #tpu.memory_space<vmem>> -> memref<1x64x128xf32, #tpu.memory_space<vmem>>
          %gather3A_241 = tpu.memref_squeeze %gather3A_240 : memref<1x64x128xf32, #tpu.memory_space<vmem>> -> memref<64x128xf32, #tpu.memory_space<vmem>>
          %gather3A_242 = tpu.vector_load_idx %gather3A_241[%and3A_201, %add3A_69] : memref<64x128xf32, #tpu.memory_space<vmem>>[vector<16xi32>, vector<16xi32>], vector<16xf32>,
          %gather3A_243 = arith.constant 1 : i32
          %gather3A_244 = arith.constant 0 : i32
          %gather3A_245 = arith.constant 0 : i32
          %gather3A_246 = tpu.memref_slice %arg5[%gather3A_243, %gather3A_244, %gather3A_245] : memref<2x64x128xf32, #tpu.memory_space<vmem>> -> memref<1x64x128xf32, #tpu.memory_space<vmem>>
          %gather3A_247 = tpu.memref_squeeze %gather3A_246 : memref<1x64x128xf32, #tpu.memory_space<vmem>> -> memref<64x128xf32, #tpu.memory_space<vmem>>
          %gather3A_248 = tpu.vector_load_idx %gather3A_247[%and3A_201, %add3A_72] : memref<64x128xf32, #tpu.memory_space<vmem>>[vector<16xi32>, vector<16xi32>], vector<16xf32>,
          %add3A_249 = arith.addi %mul3A_6, %and3A_201 : vector<16xi32>
          tpu.vector_store_idx %arg7[%add3A_249], %gather3A_206 : memref<8192xf32, #tpu.memory_space<vmem>>[vector<16xi32>], vector<16xf32>,
          %add3A_250 = arith.addi %mul3A_12, %and3A_201 : vector<16xi32>
          tpu.vector_store_idx %arg7[%add3A_250], %gather3A_212 : memref<8192xf32, #tpu.memory_space<vmem>>[vector<16xi32>], vector<16xf32>,
          %add3A_251 = arith.addi %mul3A_18, %and3A_201 : vector<16xi32>
          tpu.vector_store_idx %arg7[%add3A_251], %gather3A_218 : memref<8192xf32, #tpu.memory_space<vmem>>[vector<16xi32>], vector<16xf32>,
          %add3A_252 = arith.addi %mul3A_24, %and3A_201 : vector<16xi32>
          tpu.vector_store_idx %arg7[%add3A_252], %gather3A_224 : memref<8192xf32, #tpu.memory_space<vmem>>[vector<16xi32>], vector<16xf32>,
          %add3A_253 = arith.addi %mul3A_30, %and3A_201 : vector<16xi32>
          tpu.vector_store_idx %arg7[%add3A_253], %gather3A_230 : memref<8192xf32, #tpu.memory_space<vmem>>[vector<16xi32>], vector<16xf32>,
          %add3A_254 = arith.addi %mul3A_36, %and3A_201 : vector<16xi32>
          tpu.vector_store_idx %arg7[%add3A_254], %gather3A_236 : memref<8192xf32, #tpu.memory_space<vmem>>[vector<16xi32>], vector<16xf32>,
          %add3A_255 = arith.addi %mul3A_42, %and3A_201 : vector<16xi32>
          tpu.vector_store_idx %arg7[%add3A_255], %gather3A_242 : memref<8192xf32, #tpu.memory_space<vmem>>[vector<16xi32>], vector<16xf32>,
          %add3A_256 = arith.addi %mul3A_48, %and3A_201 : vector<16xi32>
          tpu.vector_store_idx %arg7[%add3A_256], %gather3A_248 : memref<8192xf32, #tpu.memory_space<vmem>>[vector<16xi32>], vector<16xf32>,
        }
        %scan3A_185 = arith.constant 64 : i32
        %mul3A_186 = arith.constant 32 : i32
        %mul3A_187 = arith.muli %mul3A_186, %add3A_141 : i32
        %add3A_188 = arith.addi %add3A, %mul3A_187 : i32
        %mul3A_189 = arith.constant 8192 : i32
        %mul3A_190 = arith.muli %mul3A_189, %add3A_188 : i32
        %dma_start3A = tpu.memref_slice %arg4[%mul3A_190] : memref<64004096xf32, #tpu.memory_space<hbm>> -> memref<8192xf32, #tpu.memory_space<hbm>>
        %dma_start3A_191 = tpu.memref_slice %arg4[%mul3A_190] : memref<64004096xf32, #tpu.memory_space<hbm>> -> memref<8192xf32, #tpu.memory_space<hbm>>
        tpu.enqueue_dma source(%arg7 : memref<8192xf32, #tpu.memory_space<vmem>>) target(%dma_start3A_191 : memref<8192xf32, #tpu.memory_space<hbm>>) target_semaphore(%arg11 : memref<!tpu.dma_semaphore, #tpu.memory_space<semaphore_mem>>)
      } else {
      }
    }
    %scan3A_80 = arith.constant 123 : i32
    %add3A_81 = arith.constant 7808 : i32
    %add3A_82 = arith.addi %add3A, %add3A_81 : i32
    %lt3A_83 = arith.constant 7812 : i32
    %lt3A_84 = arith.cmpi slt, %add3A_82, %lt3A_83 : i32
    %convert_element_type3A_85 = arith.extui %lt3A_84 : i1 to i32
    %cond3A_86 = arith.constant 0 : i32
    %cond3A_87 = arith.cmpi ne, %convert_element_type3A_85, %cond3A_86 : i32
    scf.if %cond3A_87 {
      %dma_wait3A = arith.constant 0 : i32
      %dma_wait3A_99 = tpu.memref_slice %arg4[%dma_wait3A] : memref<64004096xf32, #tpu.memory_space<hbm>> -> memref<8192xf32, #tpu.memory_space<hbm>>
      %dma_wait3A_100 = arith.constant 0 : i32
      %dma_wait3A_101 = tpu.memref_slice %arg4[%dma_wait3A_100] : memref<64004096xf32, #tpu.memory_space<hbm>> -> memref<8192xf32, #tpu.memory_space<hbm>>
      tpu.wait_dma2 semaphore(%arg10 : memref<!tpu.dma_semaphore, #tpu.memory_space<semaphore_mem>>) src(%arg6 : memref<8192xf32, #tpu.memory_space<vmem>>) dst(%dma_wait3A_101 : memref<8192xf32, #tpu.memory_space<hbm>>)
    } else {
    }
    %add3A_88 = arith.constant 7840 : i32
    %add3A_89 = arith.addi %add3A, %add3A_88 : i32
    %lt3A_90 = arith.constant 7812 : i32
    %lt3A_91 = arith.cmpi slt, %add3A_89, %lt3A_90 : i32
    %convert_element_type3A_92 = arith.extui %lt3A_91 : i1 to i32
    %cond3A_93 = arith.constant 0 : i32
    %cond3A_94 = arith.cmpi ne, %convert_element_type3A_92, %cond3A_93 : i32
    scf.if %cond3A_94 {
      %dma_wait3A = arith.constant 0 : i32
      %dma_wait3A_99 = tpu.memref_slice %arg4[%dma_wait3A] : memref<64004096xf32, #tpu.memory_space<hbm>> -> memref<8192xf32, #tpu.memory_space<hbm>>
      %dma_wait3A_100 = arith.constant 0 : i32
      %dma_wait3A_101 = tpu.memref_slice %arg4[%dma_wait3A_100] : memref<64004096xf32, #tpu.memory_space<hbm>> -> memref<8192xf32, #tpu.memory_space<hbm>>
      tpu.wait_dma2 semaphore(%arg11 : memref<!tpu.dma_semaphore, #tpu.memory_space<semaphore_mem>>) src(%arg7 : memref<8192xf32, #tpu.memory_space<vmem>>) dst(%dma_wait3A_101 : memref<8192xf32, #tpu.memory_space<hbm>>)
    } else {
    }
    %eq3A = arith.constant 31 : i32
    %eq3A_95 = arith.cmpi eq, %add3A, %eq3A : i32
    %convert_element_type3A_96 = arith.extui %eq3A_95 : i1 to i32
    %cond3A_97 = arith.constant 0 : i32
    %cond3A_98 = arith.cmpi ne, %convert_element_type3A_96, %cond3A_97 : i32
    scf.if %cond3A_98 {
      "tpu.region"() ({
        %run_scoped3A = tpu.sem_alloc : memref<!tpu.dma_semaphore, #tpu.memory_space<semaphore_mem>>
        %dma_start3A = arith.constant 0 : i32
        %dma_start3A_99 = tpu.memref_slice %arg6[%dma_start3A] : memref<8192xf32, #tpu.memory_space<vmem>> -> memref<4096xf32, #tpu.memory_space<vmem>>
        %dma_start3A_100 = arith.constant 0 : i32
        %dma_start3A_101 = tpu.memref_slice %arg6[%dma_start3A_100] : memref<8192xf32, #tpu.memory_space<vmem>> -> memref<4096xf32, #tpu.memory_space<vmem>>
        tpu.enqueue_dma source(%arg3 : memref<4096xf32, #tpu.memory_space<hbm>>) target(%dma_start3A_101 : memref<4096xf32, #tpu.memory_space<vmem>>) target_semaphore(%run_scoped3A : memref<!tpu.dma_semaphore, #tpu.memory_space<semaphore_mem>>)
        %dma_wait3A = arith.constant 0 : i32
        %dma_wait3A_102 = tpu.memref_slice %arg6[%dma_wait3A] : memref<8192xf32, #tpu.memory_space<vmem>> -> memref<4096xf32, #tpu.memory_space<vmem>>
        %dma_wait3A_103 = arith.constant 0 : i32
        %dma_wait3A_104 = tpu.memref_slice %arg6[%dma_wait3A_103] : memref<8192xf32, #tpu.memory_space<vmem>> -> memref<4096xf32, #tpu.memory_space<vmem>>
        tpu.wait_dma2 semaphore(%run_scoped3A : memref<!tpu.dma_semaphore, #tpu.memory_space<semaphore_mem>>) src(%arg3 : memref<4096xf32, #tpu.memory_space<hbm>>) dst(%dma_wait3A_104 : memref<4096xf32, #tpu.memory_space<vmem>>)
        tpu.yield
      }) : () -> ()
      "tpu.region"() ({
        %run_scoped3A = tpu.sem_alloc : memref<!tpu.dma_semaphore, #tpu.memory_space<semaphore_mem>>
        %dma_start3A = arith.constant 0 : i32
        %dma_start3A_99 = tpu.memref_slice %arg6[%dma_start3A] : memref<8192xf32, #tpu.memory_space<vmem>> -> memref<4096xf32, #tpu.memory_space<vmem>>
        %dma_start3A_100 = arith.constant 63995904 : i32
        %dma_start3A_101 = tpu.memref_slice %arg4[%dma_start3A_100] : memref<64004096xf32, #tpu.memory_space<hbm>> -> memref<4096xf32, #tpu.memory_space<hbm>>
        %dma_start3A_102 = arith.constant 63995904 : i32
        %dma_start3A_103 = tpu.memref_slice %arg4[%dma_start3A_102] : memref<64004096xf32, #tpu.memory_space<hbm>> -> memref<4096xf32, #tpu.memory_space<hbm>>
        %dma_start3A_104 = arith.constant 0 : i32
        %dma_start3A_105 = tpu.memref_slice %arg6[%dma_start3A_104] : memref<8192xf32, #tpu.memory_space<vmem>> -> memref<4096xf32, #tpu.memory_space<vmem>>
        tpu.enqueue_dma source(%dma_start3A_105 : memref<4096xf32, #tpu.memory_space<vmem>>) target(%dma_start3A_103 : memref<4096xf32, #tpu.memory_space<hbm>>) target_semaphore(%run_scoped3A : memref<!tpu.dma_semaphore, #tpu.memory_space<semaphore_mem>>)
        %dma_wait3A = arith.constant 0 : i32
        %dma_wait3A_106 = tpu.memref_slice %arg6[%dma_wait3A] : memref<8192xf32, #tpu.memory_space<vmem>> -> memref<4096xf32, #tpu.memory_space<vmem>>
        %dma_wait3A_107 = arith.constant 63995904 : i32
        %dma_wait3A_108 = tpu.memref_slice %arg4[%dma_wait3A_107] : memref<64004096xf32, #tpu.memory_space<hbm>> -> memref<4096xf32, #tpu.memory_space<hbm>>
        %dma_wait3A_109 = arith.constant 63995904 : i32
        %dma_wait3A_110 = tpu.memref_slice %arg4[%dma_wait3A_109] : memref<64004096xf32, #tpu.memory_space<hbm>> -> memref<4096xf32, #tpu.memory_space<hbm>>
        %dma_wait3A_111 = arith.constant 0 : i32
        %dma_wait3A_112 = tpu.memref_slice %arg6[%dma_wait3A_111] : memref<8192xf32, #tpu.memory_space<vmem>> -> memref<4096xf32, #tpu.memory_space<vmem>>
        tpu.wait_dma2 semaphore(%run_scoped3A : memref<!tpu.dma_semaphore, #tpu.memory_space<semaphore_mem>>) src(%dma_wait3A_112 : memref<4096xf32, #tpu.memory_space<vmem>>) dst(%dma_wait3A_110 : memref<4096xf32, #tpu.memory_space<hbm>>)
        tpu.yield
      }) : () -> ()
    } else {
    }
    return
  }
}

#map = affine_map<(d0, d1) -> (0, 0, 0)>
#map1 = affine_map<(d0, d1) -> (0, 0)>
#map2 = affine_map<(d0, d1) -> (0, 0, 0, 0)>
module attributes {stable_mosaic.version = 14 : i64} {
  func.func @emb_kernel(%arg0: i32, %arg1: i32, %arg2: memref<32x80x128xi32, #tpu.memory_space<hbm>>, %arg3: memref<1000064x64xf32, #tpu.memory_space<hbm>>, %arg4: memref<32x80x128x64xf32, #tpu.memory_space<hbm>>, %arg5: memref<80x128xi32, #tpu.memory_space<vmem>>, %arg6: memref<2x5x128x64xf32, #tpu.memory_space<vmem>>, %arg7: memref<!tpu.dma_semaphore, #tpu.memory_space<semaphore_mem>>, %arg8: memref<!tpu.dma_semaphore, #tpu.memory_space<semaphore_mem>>, %arg9: memref<!tpu.dma_semaphore, #tpu.memory_space<semaphore_mem>>, %arg10: memref<!tpu.dma_semaphore, #tpu.memory_space<semaphore_mem>>) attributes {dimension_semantics = [#tpu.dimension_semantics<core_parallel>, #tpu.dimension_semantics<subcore_parallel>], iteration_bounds = array<i64: 2, 16>, scalar_prefetch = 0 : i64, scratch_operands = 6 : i64, tpu.core_type = #tpu.core_type<sc_vector_subcore>, window_params = [{transform_indices = #map}, {transform_indices = #map1}, {transform_indices = #map2}]} {
    %mul3A = arith.constant 2 : i32
    %mul3A_0 = arith.muli %arg1, %mul3A : i32
    %add3A = arith.addi %mul3A_0, %arg0 : i32
    "tpu.region"() ({
      %run_scoped3A = tpu.sem_alloc : memref<!tpu.dma_semaphore, #tpu.memory_space<semaphore_mem>>
      %dma_start3A_643 = arith.constant 0 : i32
      %dma_start3A_644 = arith.constant 0 : i32
      %dma_start3A_645 = tpu.memref_slice %arg2[%add3A, %dma_start3A_643, %dma_start3A_644] : memref<32x80x128xi32, #tpu.memory_space<hbm>> -> memref<1x80x128xi32, #tpu.memory_space<hbm>>
      %dma_start3A_646 = tpu.memref_squeeze %dma_start3A_645 : memref<1x80x128xi32, #tpu.memory_space<hbm>> -> memref<80x128xi32, #tpu.memory_space<hbm>>
      %dma_start3A_647 = arith.constant 0 : i32
      %dma_start3A_648 = arith.constant 0 : i32
      %dma_start3A_649 = tpu.memref_slice %arg2[%add3A, %dma_start3A_647, %dma_start3A_648] : memref<32x80x128xi32, #tpu.memory_space<hbm>> -> memref<1x80x128xi32, #tpu.memory_space<hbm>>
      %dma_start3A_650 = tpu.memref_squeeze %dma_start3A_649 : memref<1x80x128xi32, #tpu.memory_space<hbm>> -> memref<80x128xi32, #tpu.memory_space<hbm>>
      tpu.enqueue_dma source(%dma_start3A_650 : memref<80x128xi32, #tpu.memory_space<hbm>>) target(%arg5 : memref<80x128xi32, #tpu.memory_space<vmem>>) target_semaphore(%run_scoped3A : memref<!tpu.dma_semaphore, #tpu.memory_space<semaphore_mem>>)
      %dma_wait3A_651 = arith.constant 0 : i32
      %dma_wait3A_652 = arith.constant 0 : i32
      %dma_wait3A_653 = tpu.memref_slice %arg2[%add3A, %dma_wait3A_651, %dma_wait3A_652] : memref<32x80x128xi32, #tpu.memory_space<hbm>> -> memref<1x80x128xi32, #tpu.memory_space<hbm>>
      %dma_wait3A_654 = tpu.memref_squeeze %dma_wait3A_653 : memref<1x80x128xi32, #tpu.memory_space<hbm>> -> memref<80x128xi32, #tpu.memory_space<hbm>>
      %dma_wait3A_655 = arith.constant 0 : i32
      %dma_wait3A_656 = arith.constant 0 : i32
      %dma_wait3A_657 = tpu.memref_slice %arg2[%add3A, %dma_wait3A_655, %dma_wait3A_656] : memref<32x80x128xi32, #tpu.memory_space<hbm>> -> memref<1x80x128xi32, #tpu.memory_space<hbm>>
      %dma_wait3A_658 = tpu.memref_squeeze %dma_wait3A_657 : memref<1x80x128xi32, #tpu.memory_space<hbm>> -> memref<80x128xi32, #tpu.memory_space<hbm>>
      tpu.wait_dma2 semaphore(%run_scoped3A : memref<!tpu.dma_semaphore, #tpu.memory_space<semaphore_mem>>) src(%dma_wait3A_658 : memref<80x128xi32, #tpu.memory_space<hbm>>) dst(%arg5 : memref<80x128xi32, #tpu.memory_space<vmem>>)
      tpu.yield
    }) : () -> ()
    %dma_start3A = arith.constant 0 : i32
    %dma_start3A_1 = arith.constant 0 : i32
    %dma_start3A_2 = arith.constant 0 : i32
    %dma_start3A_3 = arith.constant 0 : i32
    %dma_start3A_4 = arith.constant 0 : i32
    %dma_start3A_5 = tpu.memref_slice %arg6[%dma_start3A_1, %dma_start3A_2, %dma_start3A_3, %dma_start3A_4] : memref<2x5x128x64xf32, #tpu.memory_space<vmem>> -> memref<1x1x128x64xf32, #tpu.memory_space<vmem>>
    %dma_start3A_6 = tpu.memref_squeeze %dma_start3A_5 : memref<1x1x128x64xf32, #tpu.memory_space<vmem>> -> memref<128x64xf32, #tpu.memory_space<vmem>>
    %dma_start3A_7 = arith.constant 0 : i32
    %dma_start3A_8 = tpu.memref_slice %arg5[%dma_start3A, %dma_start3A_7] : memref<80x128xi32, #tpu.memory_space<vmem>> -> memref<1x128xi32, #tpu.memory_space<vmem>>
    %dma_start3A_9 = tpu.memref_squeeze %dma_start3A_8 : memref<1x128xi32, #tpu.memory_space<vmem>> -> memref<128xi32, #tpu.memory_space<vmem>>
    %dma_start3A_10 = arith.constant 0 : i32
    %dma_start3A_11 = arith.constant 0 : i32
    %dma_start3A_12 = tpu.memref_slice %arg3[%dma_start3A_10, %dma_start3A_11] : memref<1000064x64xf32, #tpu.memory_space<hbm>> -> memref<1000064x64xf32, #tpu.memory_space<hbm>>
    tpu.enqueue_indirect_dma source(%dma_start3A_12 : memref<1000064x64xf32, #tpu.memory_space<hbm>>) target(%dma_start3A_6 : memref<128x64xf32, #tpu.memory_space<vmem>>) offsets(%dma_start3A_9 : memref<128xi32, #tpu.memory_space<vmem>>) semaphore(%arg7 : memref<!tpu.dma_semaphore, #tpu.memory_space<semaphore_mem>>)
    %dma_start3A_13 = arith.constant 1 : i32
    %dma_start3A_14 = arith.constant 0 : i32
    %dma_start3A_15 = arith.constant 1 : i32
    %dma_start3A_16 = arith.constant 0 : i32
    %dma_start3A_17 = arith.constant 0 : i32
    %dma_start3A_18 = tpu.memref_slice %arg6[%dma_start3A_14, %dma_start3A_15, %dma_start3A_16, %dma_start3A_17] : memref<2x5x128x64xf32, #tpu.memory_space<vmem>> -> memref<1x1x128x64xf32, #tpu.memory_space<vmem>>
    %dma_start3A_19 = tpu.memref_squeeze %dma_start3A_18 : memref<1x1x128x64xf32, #tpu.memory_space<vmem>> -> memref<128x64xf32, #tpu.memory_space<vmem>>
    %dma_start3A_20 = arith.constant 0 : i32
    %dma_start3A_21 = tpu.memref_slice %arg5[%dma_start3A_13, %dma_start3A_20] : memref<80x128xi32, #tpu.memory_space<vmem>> -> memref<1x128xi32, #tpu.memory_space<vmem>>
    %dma_start3A_22 = tpu.memref_squeeze %dma_start3A_21 : memref<1x128xi32, #tpu.memory_space<vmem>> -> memref<128xi32, #tpu.memory_space<vmem>>
    %dma_start3A_23 = arith.constant 0 : i32
    %dma_start3A_24 = arith.constant 0 : i32
    %dma_start3A_25 = tpu.memref_slice %arg3[%dma_start3A_23, %dma_start3A_24] : memref<1000064x64xf32, #tpu.memory_space<hbm>> -> memref<1000064x64xf32, #tpu.memory_space<hbm>>
    tpu.enqueue_indirect_dma source(%dma_start3A_25 : memref<1000064x64xf32, #tpu.memory_space<hbm>>) target(%dma_start3A_19 : memref<128x64xf32, #tpu.memory_space<vmem>>) offsets(%dma_start3A_22 : memref<128xi32, #tpu.memory_space<vmem>>) semaphore(%arg7 : memref<!tpu.dma_semaphore, #tpu.memory_space<semaphore_mem>>)
    %dma_start3A_26 = arith.constant 2 : i32
    %dma_start3A_27 = arith.constant 0 : i32
    %dma_start3A_28 = arith.constant 2 : i32
    %dma_start3A_29 = arith.constant 0 : i32
    %dma_start3A_30 = arith.constant 0 : i32
    %dma_start3A_31 = tpu.memref_slice %arg6[%dma_start3A_27, %dma_start3A_28, %dma_start3A_29, %dma_start3A_30] : memref<2x5x128x64xf32, #tpu.memory_space<vmem>> -> memref<1x1x128x64xf32, #tpu.memory_space<vmem>>
    %dma_start3A_32 = tpu.memref_squeeze %dma_start3A_31 : memref<1x1x128x64xf32, #tpu.memory_space<vmem>> -> memref<128x64xf32, #tpu.memory_space<vmem>>
    %dma_start3A_33 = arith.constant 0 : i32
    %dma_start3A_34 = tpu.memref_slice %arg5[%dma_start3A_26, %dma_start3A_33] : memref<80x128xi32, #tpu.memory_space<vmem>> -> memref<1x128xi32, #tpu.memory_space<vmem>>
    %dma_start3A_35 = tpu.memref_squeeze %dma_start3A_34 : memref<1x128xi32, #tpu.memory_space<vmem>> -> memref<128xi32, #tpu.memory_space<vmem>>
    %dma_start3A_36 = arith.constant 0 : i32
    %dma_start3A_37 = arith.constant 0 : i32
    %dma_start3A_38 = tpu.memref_slice %arg3[%dma_start3A_36, %dma_start3A_37] : memref<1000064x64xf32, #tpu.memory_space<hbm>> -> memref<1000064x64xf32, #tpu.memory_space<hbm>>
    tpu.enqueue_indirect_dma source(%dma_start3A_38 : memref<1000064x64xf32, #tpu.memory_space<hbm>>) target(%dma_start3A_32 : memref<128x64xf32, #tpu.memory_space<vmem>>) offsets(%dma_start3A_35 : memref<128xi32, #tpu.memory_space<vmem>>) semaphore(%arg7 : memref<!tpu.dma_semaphore, #tpu.memory_space<semaphore_mem>>)
    %dma_start3A_39 = arith.constant 3 : i32
    %dma_start3A_40 = arith.constant 0 : i32
    %dma_start3A_41 = arith.constant 3 : i32
    %dma_start3A_42 = arith.constant 0 : i32
    %dma_start3A_43 = arith.constant 0 : i32
    %dma_start3A_44 = tpu.memref_slice %arg6[%dma_start3A_40, %dma_start3A_41, %dma_start3A_42, %dma_start3A_43] : memref<2x5x128x64xf32, #tpu.memory_space<vmem>> -> memref<1x1x128x64xf32, #tpu.memory_space<vmem>>
    %dma_start3A_45 = tpu.memref_squeeze %dma_start3A_44 : memref<1x1x128x64xf32, #tpu.memory_space<vmem>> -> memref<128x64xf32, #tpu.memory_space<vmem>>
    %dma_start3A_46 = arith.constant 0 : i32
    %dma_start3A_47 = tpu.memref_slice %arg5[%dma_start3A_39, %dma_start3A_46] : memref<80x128xi32, #tpu.memory_space<vmem>> -> memref<1x128xi32, #tpu.memory_space<vmem>>
    %dma_start3A_48 = tpu.memref_squeeze %dma_start3A_47 : memref<1x128xi32, #tpu.memory_space<vmem>> -> memref<128xi32, #tpu.memory_space<vmem>>
    %dma_start3A_49 = arith.constant 0 : i32
    %dma_start3A_50 = arith.constant 0 : i32
    %dma_start3A_51 = tpu.memref_slice %arg3[%dma_start3A_49, %dma_start3A_50] : memref<1000064x64xf32, #tpu.memory_space<hbm>> -> memref<1000064x64xf32, #tpu.memory_space<hbm>>
    tpu.enqueue_indirect_dma source(%dma_start3A_51 : memref<1000064x64xf32, #tpu.memory_space<hbm>>) target(%dma_start3A_45 : memref<128x64xf32, #tpu.memory_space<vmem>>) offsets(%dma_start3A_48 : memref<128xi32, #tpu.memory_space<vmem>>) semaphore(%arg7 : memref<!tpu.dma_semaphore, #tpu.memory_space<semaphore_mem>>)
    %dma_start3A_52 = arith.constant 4 : i32
    %dma_start3A_53 = arith.constant 0 : i32
    %dma_start3A_54 = arith.constant 4 : i32
    %dma_start3A_55 = arith.constant 0 : i32
    %dma_start3A_56 = arith.constant 0 : i32
    %dma_start3A_57 = tpu.memref_slice %arg6[%dma_start3A_53, %dma_start3A_54, %dma_start3A_55, %dma_start3A_56] : memref<2x5x128x64xf32, #tpu.memory_space<vmem>> -> memref<1x1x128x64xf32, #tpu.memory_space<vmem>>
    %dma_start3A_58 = tpu.memref_squeeze %dma_start3A_57 : memref<1x1x128x64xf32, #tpu.memory_space<vmem>> -> memref<128x64xf32, #tpu.memory_space<vmem>>
    %dma_start3A_59 = arith.constant 0 : i32
    %dma_start3A_60 = tpu.memref_slice %arg5[%dma_start3A_52, %dma_start3A_59] : memref<80x128xi32, #tpu.memory_space<vmem>> -> memref<1x128xi32, #tpu.memory_space<vmem>>
    %dma_start3A_61 = tpu.memref_squeeze %dma_start3A_60 : memref<1x128xi32, #tpu.memory_space<vmem>> -> memref<128xi32, #tpu.memory_space<vmem>>
    %dma_start3A_62 = arith.constant 0 : i32
    %dma_start3A_63 = arith.constant 0 : i32
    %dma_start3A_64 = tpu.memref_slice %arg3[%dma_start3A_62, %dma_start3A_63] : memref<1000064x64xf32, #tpu.memory_space<hbm>> -> memref<1000064x64xf32, #tpu.memory_space<hbm>>
    tpu.enqueue_indirect_dma source(%dma_start3A_64 : memref<1000064x64xf32, #tpu.memory_space<hbm>>) target(%dma_start3A_58 : memref<128x64xf32, #tpu.memory_space<vmem>>) offsets(%dma_start3A_61 : memref<128xi32, #tpu.memory_space<vmem>>) semaphore(%arg7 : memref<!tpu.dma_semaphore, #tpu.memory_space<semaphore_mem>>)
    %dma_wait3A = arith.constant 0 : i32
    %dma_wait3A_65 = arith.constant 0 : i32
    %dma_wait3A_66 = arith.constant 0 : i32
    %dma_wait3A_67 = arith.constant 0 : i32
    %dma_wait3A_68 = arith.constant 0 : i32
    %dma_wait3A_69 = tpu.memref_slice %arg6[%dma_wait3A_65, %dma_wait3A_66, %dma_wait3A_67, %dma_wait3A_68] : memref<2x5x128x64xf32, #tpu.memory_space<vmem>> -> memref<1x1x128x64xf32, #tpu.memory_space<vmem>>
    %dma_wait3A_70 = tpu.memref_squeeze %dma_wait3A_69 : memref<1x1x128x64xf32, #tpu.memory_space<vmem>> -> memref<128x64xf32, #tpu.memory_space<vmem>>
    %dma_wait3A_71 = arith.constant 0 : i32
    %dma_wait3A_72 = tpu.memref_slice %arg5[%dma_wait3A, %dma_wait3A_71] : memref<80x128xi32, #tpu.memory_space<vmem>> -> memref<1x128xi32, #tpu.memory_space<vmem>>
    %dma_wait3A_73 = tpu.memref_squeeze %dma_wait3A_72 : memref<1x128xi32, #tpu.memory_space<vmem>> -> memref<128xi32, #tpu.memory_space<vmem>>
    %dma_wait3A_74 = arith.constant 0 : i32
    %dma_wait3A_75 = arith.constant 0 : i32
    %dma_wait3A_76 = tpu.memref_slice %arg3[%dma_wait3A_74, %dma_wait3A_75] : memref<1000064x64xf32, #tpu.memory_space<hbm>> -> memref<1000064x64xf32, #tpu.memory_space<hbm>>
    tpu.wait_indirect_dma semaphore(%arg7 : memref<!tpu.dma_semaphore, #tpu.memory_space<semaphore_mem>>) src(%dma_wait3A_76 : memref<1000064x64xf32, #tpu.memory_space<hbm>>) dst(%dma_wait3A_70 : memref<128x64xf32, #tpu.memory_space<vmem>>)
    %dma_wait3A_77 = arith.constant 0 : i32
    %dma_wait3A_78 = arith.constant 0 : i32
    %dma_wait3A_79 = arith.constant 1 : i32
    %dma_wait3A_80 = arith.constant 0 : i32
    %dma_wait3A_81 = arith.constant 0 : i32
    %dma_wait3A_82 = tpu.memref_slice %arg6[%dma_wait3A_78, %dma_wait3A_79, %dma_wait3A_80, %dma_wait3A_81] : memref<2x5x128x64xf32, #tpu.memory_space<vmem>> -> memref<1x1x128x64xf32, #tpu.memory_space<vmem>>
    %dma_wait3A_83 = tpu.memref_squeeze %dma_wait3A_82 : memref<1x1x128x64xf32, #tpu.memory_space<vmem>> -> memref<128x64xf32, #tpu.memory_space<vmem>>
    %dma_wait3A_84 = arith.constant 0 : i32
    %dma_wait3A_85 = tpu.memref_slice %arg5[%dma_wait3A_77, %dma_wait3A_84] : memref<80x128xi32, #tpu.memory_space<vmem>> -> memref<1x128xi32, #tpu.memory_space<vmem>>
    %dma_wait3A_86 = tpu.memref_squeeze %dma_wait3A_85 : memref<1x128xi32, #tpu.memory_space<vmem>> -> memref<128xi32, #tpu.memory_space<vmem>>
    %dma_wait3A_87 = arith.constant 0 : i32
    %dma_wait3A_88 = arith.constant 0 : i32
    %dma_wait3A_89 = tpu.memref_slice %arg3[%dma_wait3A_87, %dma_wait3A_88] : memref<1000064x64xf32, #tpu.memory_space<hbm>> -> memref<1000064x64xf32, #tpu.memory_space<hbm>>
    tpu.wait_indirect_dma semaphore(%arg7 : memref<!tpu.dma_semaphore, #tpu.memory_space<semaphore_mem>>) src(%dma_wait3A_89 : memref<1000064x64xf32, #tpu.memory_space<hbm>>) dst(%dma_wait3A_83 : memref<128x64xf32, #tpu.memory_space<vmem>>)
    %dma_wait3A_90 = arith.constant 0 : i32
    %dma_wait3A_91 = arith.constant 0 : i32
    %dma_wait3A_92 = arith.constant 2 : i32
    %dma_wait3A_93 = arith.constant 0 : i32
    %dma_wait3A_94 = arith.constant 0 : i32
    %dma_wait3A_95 = tpu.memref_slice %arg6[%dma_wait3A_91, %dma_wait3A_92, %dma_wait3A_93, %dma_wait3A_94] : memref<2x5x128x64xf32, #tpu.memory_space<vmem>> -> memref<1x1x128x64xf32, #tpu.memory_space<vmem>>
    %dma_wait3A_96 = tpu.memref_squeeze %dma_wait3A_95 : memref<1x1x128x64xf32, #tpu.memory_space<vmem>> -> memref<128x64xf32, #tpu.memory_space<vmem>>
    %dma_wait3A_97 = arith.constant 0 : i32
    %dma_wait3A_98 = tpu.memref_slice %arg5[%dma_wait3A_90, %dma_wait3A_97] : memref<80x128xi32, #tpu.memory_space<vmem>> -> memref<1x128xi32, #tpu.memory_space<vmem>>
    %dma_wait3A_99 = tpu.memref_squeeze %dma_wait3A_98 : memref<1x128xi32, #tpu.memory_space<vmem>> -> memref<128xi32, #tpu.memory_space<vmem>>
    %dma_wait3A_100 = arith.constant 0 : i32
    %dma_wait3A_101 = arith.constant 0 : i32
    %dma_wait3A_102 = tpu.memref_slice %arg3[%dma_wait3A_100, %dma_wait3A_101] : memref<1000064x64xf32, #tpu.memory_space<hbm>> -> memref<1000064x64xf32, #tpu.memory_space<hbm>>
    tpu.wait_indirect_dma semaphore(%arg7 : memref<!tpu.dma_semaphore, #tpu.memory_space<semaphore_mem>>) src(%dma_wait3A_102 : memref<1000064x64xf32, #tpu.memory_space<hbm>>) dst(%dma_wait3A_96 : memref<128x64xf32, #tpu.memory_space<vmem>>)
    %dma_wait3A_103 = arith.constant 0 : i32
    %dma_wait3A_104 = arith.constant 0 : i32
    %dma_wait3A_105 = arith.constant 3 : i32
    %dma_wait3A_106 = arith.constant 0 : i32
    %dma_wait3A_107 = arith.constant 0 : i32
    %dma_wait3A_108 = tpu.memref_slice %arg6[%dma_wait3A_104, %dma_wait3A_105, %dma_wait3A_106, %dma_wait3A_107] : memref<2x5x128x64xf32, #tpu.memory_space<vmem>> -> memref<1x1x128x64xf32, #tpu.memory_space<vmem>>
    %dma_wait3A_109 = tpu.memref_squeeze %dma_wait3A_108 : memref<1x1x128x64xf32, #tpu.memory_space<vmem>> -> memref<128x64xf32, #tpu.memory_space<vmem>>
    %dma_wait3A_110 = arith.constant 0 : i32
    %dma_wait3A_111 = tpu.memref_slice %arg5[%dma_wait3A_103, %dma_wait3A_110] : memref<80x128xi32, #tpu.memory_space<vmem>> -> memref<1x128xi32, #tpu.memory_space<vmem>>
    %dma_wait3A_112 = tpu.memref_squeeze %dma_wait3A_111 : memref<1x128xi32, #tpu.memory_space<vmem>> -> memref<128xi32, #tpu.memory_space<vmem>>
    %dma_wait3A_113 = arith.constant 0 : i32
    %dma_wait3A_114 = arith.constant 0 : i32
    %dma_wait3A_115 = tpu.memref_slice %arg3[%dma_wait3A_113, %dma_wait3A_114] : memref<1000064x64xf32, #tpu.memory_space<hbm>> -> memref<1000064x64xf32, #tpu.memory_space<hbm>>
    tpu.wait_indirect_dma semaphore(%arg7 : memref<!tpu.dma_semaphore, #tpu.memory_space<semaphore_mem>>) src(%dma_wait3A_115 : memref<1000064x64xf32, #tpu.memory_space<hbm>>) dst(%dma_wait3A_109 : memref<128x64xf32, #tpu.memory_space<vmem>>)
    %dma_wait3A_116 = arith.constant 0 : i32
    %dma_wait3A_117 = arith.constant 0 : i32
    %dma_wait3A_118 = arith.constant 4 : i32
    %dma_wait3A_119 = arith.constant 0 : i32
    %dma_wait3A_120 = arith.constant 0 : i32
    %dma_wait3A_121 = tpu.memref_slice %arg6[%dma_wait3A_117, %dma_wait3A_118, %dma_wait3A_119, %dma_wait3A_120] : memref<2x5x128x64xf32, #tpu.memory_space<vmem>> -> memref<1x1x128x64xf32, #tpu.memory_space<vmem>>
    %dma_wait3A_122 = tpu.memref_squeeze %dma_wait3A_121 : memref<1x1x128x64xf32, #tpu.memory_space<vmem>> -> memref<128x64xf32, #tpu.memory_space<vmem>>
    %dma_wait3A_123 = arith.constant 0 : i32
    %dma_wait3A_124 = tpu.memref_slice %arg5[%dma_wait3A_116, %dma_wait3A_123] : memref<80x128xi32, #tpu.memory_space<vmem>> -> memref<1x128xi32, #tpu.memory_space<vmem>>
    %dma_wait3A_125 = tpu.memref_squeeze %dma_wait3A_124 : memref<1x128xi32, #tpu.memory_space<vmem>> -> memref<128xi32, #tpu.memory_space<vmem>>
    %dma_wait3A_126 = arith.constant 0 : i32
    %dma_wait3A_127 = arith.constant 0 : i32
    %dma_wait3A_128 = tpu.memref_slice %arg3[%dma_wait3A_126, %dma_wait3A_127] : memref<1000064x64xf32, #tpu.memory_space<hbm>> -> memref<1000064x64xf32, #tpu.memory_space<hbm>>
    tpu.wait_indirect_dma semaphore(%arg7 : memref<!tpu.dma_semaphore, #tpu.memory_space<semaphore_mem>>) src(%dma_wait3A_128 : memref<1000064x64xf32, #tpu.memory_space<hbm>>) dst(%dma_wait3A_122 : memref<128x64xf32, #tpu.memory_space<vmem>>)
    %dma_start3A_129 = arith.constant 5 : i32
    %dma_start3A_130 = arith.constant 1 : i32
    %dma_start3A_131 = arith.constant 0 : i32
    %dma_start3A_132 = arith.constant 0 : i32
    %dma_start3A_133 = arith.constant 0 : i32
    %dma_start3A_134 = tpu.memref_slice %arg6[%dma_start3A_130, %dma_start3A_131, %dma_start3A_132, %dma_start3A_133] : memref<2x5x128x64xf32, #tpu.memory_space<vmem>> -> memref<1x1x128x64xf32, #tpu.memory_space<vmem>>
    %dma_start3A_135 = tpu.memref_squeeze %dma_start3A_134 : memref<1x1x128x64xf32, #tpu.memory_space<vmem>> -> memref<128x64xf32, #tpu.memory_space<vmem>>
    %dma_start3A_136 = arith.constant 0 : i32
    %dma_start3A_137 = tpu.memref_slice %arg5[%dma_start3A_129, %dma_start3A_136] : memref<80x128xi32, #tpu.memory_space<vmem>> -> memref<1x128xi32, #tpu.memory_space<vmem>>
    %dma_start3A_138 = tpu.memref_squeeze %dma_start3A_137 : memref<1x128xi32, #tpu.memory_space<vmem>> -> memref<128xi32, #tpu.memory_space<vmem>>
    %dma_start3A_139 = arith.constant 0 : i32
    %dma_start3A_140 = arith.constant 0 : i32
    %dma_start3A_141 = tpu.memref_slice %arg3[%dma_start3A_139, %dma_start3A_140] : memref<1000064x64xf32, #tpu.memory_space<hbm>> -> memref<1000064x64xf32, #tpu.memory_space<hbm>>
    tpu.enqueue_indirect_dma source(%dma_start3A_141 : memref<1000064x64xf32, #tpu.memory_space<hbm>>) target(%dma_start3A_135 : memref<128x64xf32, #tpu.memory_space<vmem>>) offsets(%dma_start3A_138 : memref<128xi32, #tpu.memory_space<vmem>>) semaphore(%arg8 : memref<!tpu.dma_semaphore, #tpu.memory_space<semaphore_mem>>)
    %dma_start3A_142 = arith.constant 6 : i32
    %dma_start3A_143 = arith.constant 1 : i32
    %dma_start3A_144 = arith.constant 1 : i32
    %dma_start3A_145 = arith.constant 0 : i32
    %dma_start3A_146 = arith.constant 0 : i32
    %dma_start3A_147 = tpu.memref_slice %arg6[%dma_start3A_143, %dma_start3A_144, %dma_start3A_145, %dma_start3A_146] : memref<2x5x128x64xf32, #tpu.memory_space<vmem>> -> memref<1x1x128x64xf32, #tpu.memory_space<vmem>>
    %dma_start3A_148 = tpu.memref_squeeze %dma_start3A_147 : memref<1x1x128x64xf32, #tpu.memory_space<vmem>> -> memref<128x64xf32, #tpu.memory_space<vmem>>
    %dma_start3A_149 = arith.constant 0 : i32
    %dma_start3A_150 = tpu.memref_slice %arg5[%dma_start3A_142, %dma_start3A_149] : memref<80x128xi32, #tpu.memory_space<vmem>> -> memref<1x128xi32, #tpu.memory_space<vmem>>
    %dma_start3A_151 = tpu.memref_squeeze %dma_start3A_150 : memref<1x128xi32, #tpu.memory_space<vmem>> -> memref<128xi32, #tpu.memory_space<vmem>>
    %dma_start3A_152 = arith.constant 0 : i32
    %dma_start3A_153 = arith.constant 0 : i32
    %dma_start3A_154 = tpu.memref_slice %arg3[%dma_start3A_152, %dma_start3A_153] : memref<1000064x64xf32, #tpu.memory_space<hbm>> -> memref<1000064x64xf32, #tpu.memory_space<hbm>>
    tpu.enqueue_indirect_dma source(%dma_start3A_154 : memref<1000064x64xf32, #tpu.memory_space<hbm>>) target(%dma_start3A_148 : memref<128x64xf32, #tpu.memory_space<vmem>>) offsets(%dma_start3A_151 : memref<128xi32, #tpu.memory_space<vmem>>) semaphore(%arg8 : memref<!tpu.dma_semaphore, #tpu.memory_space<semaphore_mem>>)
    %dma_start3A_155 = arith.constant 7 : i32
    %dma_start3A_156 = arith.constant 1 : i32
    %dma_start3A_157 = arith.constant 2 : i32
    %dma_start3A_158 = arith.constant 0 : i32
    %dma_start3A_159 = arith.constant 0 : i32
    %dma_start3A_160 = tpu.memref_slice %arg6[%dma_start3A_156, %dma_start3A_157, %dma_start3A_158, %dma_start3A_159] : memref<2x5x128x64xf32, #tpu.memory_space<vmem>> -> memref<1x1x128x64xf32, #tpu.memory_space<vmem>>
    %dma_start3A_161 = tpu.memref_squeeze %dma_start3A_160 : memref<1x1x128x64xf32, #tpu.memory_space<vmem>> -> memref<128x64xf32, #tpu.memory_space<vmem>>
    %dma_start3A_162 = arith.constant 0 : i32
    %dma_start3A_163 = tpu.memref_slice %arg5[%dma_start3A_155, %dma_start3A_162] : memref<80x128xi32, #tpu.memory_space<vmem>> -> memref<1x128xi32, #tpu.memory_space<vmem>>
    %dma_start3A_164 = tpu.memref_squeeze %dma_start3A_163 : memref<1x128xi32, #tpu.memory_space<vmem>> -> memref<128xi32, #tpu.memory_space<vmem>>
    %dma_start3A_165 = arith.constant 0 : i32
    %dma_start3A_166 = arith.constant 0 : i32
    %dma_start3A_167 = tpu.memref_slice %arg3[%dma_start3A_165, %dma_start3A_166] : memref<1000064x64xf32, #tpu.memory_space<hbm>> -> memref<1000064x64xf32, #tpu.memory_space<hbm>>
    tpu.enqueue_indirect_dma source(%dma_start3A_167 : memref<1000064x64xf32, #tpu.memory_space<hbm>>) target(%dma_start3A_161 : memref<128x64xf32, #tpu.memory_space<vmem>>) offsets(%dma_start3A_164 : memref<128xi32, #tpu.memory_space<vmem>>) semaphore(%arg8 : memref<!tpu.dma_semaphore, #tpu.memory_space<semaphore_mem>>)
    %dma_start3A_168 = arith.constant 8 : i32
    %dma_start3A_169 = arith.constant 1 : i32
    %dma_start3A_170 = arith.constant 3 : i32
    %dma_start3A_171 = arith.constant 0 : i32
    %dma_start3A_172 = arith.constant 0 : i32
    %dma_start3A_173 = tpu.memref_slice %arg6[%dma_start3A_169, %dma_start3A_170, %dma_start3A_171, %dma_start3A_172] : memref<2x5x128x64xf32, #tpu.memory_space<vmem>> -> memref<1x1x128x64xf32, #tpu.memory_space<vmem>>
    %dma_start3A_174 = tpu.memref_squeeze %dma_start3A_173 : memref<1x1x128x64xf32, #tpu.memory_space<vmem>> -> memref<128x64xf32, #tpu.memory_space<vmem>>
    %dma_start3A_175 = arith.constant 0 : i32
    %dma_start3A_176 = tpu.memref_slice %arg5[%dma_start3A_168, %dma_start3A_175] : memref<80x128xi32, #tpu.memory_space<vmem>> -> memref<1x128xi32, #tpu.memory_space<vmem>>
    %dma_start3A_177 = tpu.memref_squeeze %dma_start3A_176 : memref<1x128xi32, #tpu.memory_space<vmem>> -> memref<128xi32, #tpu.memory_space<vmem>>
    %dma_start3A_178 = arith.constant 0 : i32
    %dma_start3A_179 = arith.constant 0 : i32
    %dma_start3A_180 = tpu.memref_slice %arg3[%dma_start3A_178, %dma_start3A_179] : memref<1000064x64xf32, #tpu.memory_space<hbm>> -> memref<1000064x64xf32, #tpu.memory_space<hbm>>
    tpu.enqueue_indirect_dma source(%dma_start3A_180 : memref<1000064x64xf32, #tpu.memory_space<hbm>>) target(%dma_start3A_174 : memref<128x64xf32, #tpu.memory_space<vmem>>) offsets(%dma_start3A_177 : memref<128xi32, #tpu.memory_space<vmem>>) semaphore(%arg8 : memref<!tpu.dma_semaphore, #tpu.memory_space<semaphore_mem>>)
    %dma_start3A_181 = arith.constant 9 : i32
    %dma_start3A_182 = arith.constant 1 : i32
    %dma_start3A_183 = arith.constant 4 : i32
    %dma_start3A_184 = arith.constant 0 : i32
    %dma_start3A_185 = arith.constant 0 : i32
    %dma_start3A_186 = tpu.memref_slice %arg6[%dma_start3A_182, %dma_start3A_183, %dma_start3A_184, %dma_start3A_185] : memref<2x5x128x64xf32, #tpu.memory_space<vmem>> -> memref<1x1x128x64xf32, #tpu.memory_space<vmem>>
    %dma_start3A_187 = tpu.memref_squeeze %dma_start3A_186 : memref<1x1x128x64xf32, #tpu.memory_space<vmem>> -> memref<128x64xf32, #tpu.memory_space<vmem>>
    %dma_start3A_188 = arith.constant 0 : i32
    %dma_start3A_189 = tpu.memref_slice %arg5[%dma_start3A_181, %dma_start3A_188] : memref<80x128xi32, #tpu.memory_space<vmem>> -> memref<1x128xi32, #tpu.memory_space<vmem>>
    %dma_start3A_190 = tpu.memref_squeeze %dma_start3A_189 : memref<1x128xi32, #tpu.memory_space<vmem>> -> memref<128xi32, #tpu.memory_space<vmem>>
    %dma_start3A_191 = arith.constant 0 : i32
    %dma_start3A_192 = arith.constant 0 : i32
    %dma_start3A_193 = tpu.memref_slice %arg3[%dma_start3A_191, %dma_start3A_192] : memref<1000064x64xf32, #tpu.memory_space<hbm>> -> memref<1000064x64xf32, #tpu.memory_space<hbm>>
    tpu.enqueue_indirect_dma source(%dma_start3A_193 : memref<1000064x64xf32, #tpu.memory_space<hbm>>) target(%dma_start3A_187 : memref<128x64xf32, #tpu.memory_space<vmem>>) offsets(%dma_start3A_190 : memref<128xi32, #tpu.memory_space<vmem>>) semaphore(%arg8 : memref<!tpu.dma_semaphore, #tpu.memory_space<semaphore_mem>>)
    %dma_start3A_194 = arith.constant 0 : i32
    %dma_start3A_195 = arith.constant 0 : i32
    %dma_start3A_196 = arith.constant 0 : i32
    %dma_start3A_197 = arith.constant 0 : i32
    %dma_start3A_198 = arith.constant 0 : i32
    %dma_start3A_199 = tpu.memref_slice %arg6[%dma_start3A_194, %dma_start3A_195, %dma_start3A_197, %dma_start3A_198] : memref<2x5x128x64xf32, #tpu.memory_space<vmem>> -> memref<1x1x128x64xf32, #tpu.memory_space<vmem>>
    %dma_start3A_200 = tpu.memref_squeeze %dma_start3A_199 : memref<1x1x128x64xf32, #tpu.memory_space<vmem>> -> memref<128x64xf32, #tpu.memory_space<vmem>>
    %dma_start3A_201 = arith.constant 0 : i32
    %dma_start3A_202 = arith.constant 0 : i32
    %dma_start3A_203 = tpu.memref_slice %arg4[%add3A, %dma_start3A_196, %dma_start3A_201, %dma_start3A_202] : memref<32x80x128x64xf32, #tpu.memory_space<hbm>> -> memref<1x1x128x64xf32, #tpu.memory_space<hbm>>
    %dma_start3A_204 = tpu.memref_squeeze %dma_start3A_203 : memref<1x1x128x64xf32, #tpu.memory_space<hbm>> -> memref<128x64xf32, #tpu.memory_space<hbm>>
    %dma_start3A_205 = arith.constant 0 : i32
    %dma_start3A_206 = arith.constant 0 : i32
    %dma_start3A_207 = tpu.memref_slice %arg4[%add3A, %dma_start3A_196, %dma_start3A_205, %dma_start3A_206] : memref<32x80x128x64xf32, #tpu.memory_space<hbm>> -> memref<1x1x128x64xf32, #tpu.memory_space<hbm>>
    %dma_start3A_208 = tpu.memref_squeeze %dma_start3A_207 : memref<1x1x128x64xf32, #tpu.memory_space<hbm>> -> memref<128x64xf32, #tpu.memory_space<hbm>>
    %dma_start3A_209 = arith.constant 0 : i32
    %dma_start3A_210 = arith.constant 0 : i32
    %dma_start3A_211 = tpu.memref_slice %arg6[%dma_start3A_194, %dma_start3A_195, %dma_start3A_209, %dma_start3A_210] : memref<2x5x128x64xf32, #tpu.memory_space<vmem>> -> memref<1x1x128x64xf32, #tpu.memory_space<vmem>>
    %dma_start3A_212 = tpu.memref_squeeze %dma_start3A_211 : memref<1x1x128x64xf32, #tpu.memory_space<vmem>> -> memref<128x64xf32, #tpu.memory_space<vmem>>
    tpu.enqueue_dma source(%dma_start3A_212 : memref<128x64xf32, #tpu.memory_space<vmem>>) target(%dma_start3A_208 : memref<128x64xf32, #tpu.memory_space<hbm>>) target_semaphore(%arg9 : memref<!tpu.dma_semaphore, #tpu.memory_space<semaphore_mem>>)
    %dma_start3A_213 = arith.constant 0 : i32
    %dma_start3A_214 = arith.constant 1 : i32
    %dma_start3A_215 = arith.constant 1 : i32
    %dma_start3A_216 = arith.constant 0 : i32
    %dma_start3A_217 = arith.constant 0 : i32
    %dma_start3A_218 = tpu.memref_slice %arg6[%dma_start3A_213, %dma_start3A_214, %dma_start3A_216, %dma_start3A_217] : memref<2x5x128x64xf32, #tpu.memory_space<vmem>> -> memref<1x1x128x64xf32, #tpu.memory_space<vmem>>
    %dma_start3A_219 = tpu.memref_squeeze %dma_start3A_218 : memref<1x1x128x64xf32, #tpu.memory_space<vmem>> -> memref<128x64xf32, #tpu.memory_space<vmem>>
    %dma_start3A_220 = arith.constant 0 : i32
    %dma_start3A_221 = arith.constant 0 : i32
    %dma_start3A_222 = tpu.memref_slice %arg4[%add3A, %dma_start3A_215, %dma_start3A_220, %dma_start3A_221] : memref<32x80x128x64xf32, #tpu.memory_space<hbm>> -> memref<1x1x128x64xf32, #tpu.memory_space<hbm>>
    %dma_start3A_223 = tpu.memref_squeeze %dma_start3A_222 : memref<1x1x128x64xf32, #tpu.memory_space<hbm>> -> memref<128x64xf32, #tpu.memory_space<hbm>>
    %dma_start3A_224 = arith.constant 0 : i32
    %dma_start3A_225 = arith.constant 0 : i32
    %dma_start3A_226 = tpu.memref_slice %arg4[%add3A, %dma_start3A_215, %dma_start3A_224, %dma_start3A_225] : memref<32x80x128x64xf32, #tpu.memory_space<hbm>> -> memref<1x1x128x64xf32, #tpu.memory_space<hbm>>
    %dma_start3A_227 = tpu.memref_squeeze %dma_start3A_226 : memref<1x1x128x64xf32, #tpu.memory_space<hbm>> -> memref<128x64xf32, #tpu.memory_space<hbm>>
    %dma_start3A_228 = arith.constant 0 : i32
    %dma_start3A_229 = arith.constant 0 : i32
    %dma_start3A_230 = tpu.memref_slice %arg6[%dma_start3A_213, %dma_start3A_214, %dma_start3A_228, %dma_start3A_229] : memref<2x5x128x64xf32, #tpu.memory_space<vmem>> -> memref<1x1x128x64xf32, #tpu.memory_space<vmem>>
    %dma_start3A_231 = tpu.memref_squeeze %dma_start3A_230 : memref<1x1x128x64xf32, #tpu.memory_space<vmem>> -> memref<128x64xf32, #tpu.memory_space<vmem>>
    tpu.enqueue_dma source(%dma_start3A_231 : memref<128x64xf32, #tpu.memory_space<vmem>>) target(%dma_start3A_227 : memref<128x64xf32, #tpu.memory_space<hbm>>) target_semaphore(%arg9 : memref<!tpu.dma_semaphore, #tpu.memory_space<semaphore_mem>>)
    %dma_start3A_232 = arith.constant 0 : i32
    %dma_start3A_233 = arith.constant 2 : i32
    %dma_start3A_234 = arith.constant 2 : i32
    %dma_start3A_235 = arith.constant 0 : i32
    %dma_start3A_236 = arith.constant 0 : i32
    %dma_start3A_237 = tpu.memref_slice %arg6[%dma_start3A_232, %dma_start3A_233, %dma_start3A_235, %dma_start3A_236] : memref<2x5x128x64xf32, #tpu.memory_space<vmem>> -> memref<1x1x128x64xf32, #tpu.memory_space<vmem>>
    %dma_start3A_238 = tpu.memref_squeeze %dma_start3A_237 : memref<1x1x128x64xf32, #tpu.memory_space<vmem>> -> memref<128x64xf32, #tpu.memory_space<vmem>>
    %dma_start3A_239 = arith.constant 0 : i32
    %dma_start3A_240 = arith.constant 0 : i32
    %dma_start3A_241 = tpu.memref_slice %arg4[%add3A, %dma_start3A_234, %dma_start3A_239, %dma_start3A_240] : memref<32x80x128x64xf32, #tpu.memory_space<hbm>> -> memref<1x1x128x64xf32, #tpu.memory_space<hbm>>
    %dma_start3A_242 = tpu.memref_squeeze %dma_start3A_241 : memref<1x1x128x64xf32, #tpu.memory_space<hbm>> -> memref<128x64xf32, #tpu.memory_space<hbm>>
    %dma_start3A_243 = arith.constant 0 : i32
    %dma_start3A_244 = arith.constant 0 : i32
    %dma_start3A_245 = tpu.memref_slice %arg4[%add3A, %dma_start3A_234, %dma_start3A_243, %dma_start3A_244] : memref<32x80x128x64xf32, #tpu.memory_space<hbm>> -> memref<1x1x128x64xf32, #tpu.memory_space<hbm>>
    %dma_start3A_246 = tpu.memref_squeeze %dma_start3A_245 : memref<1x1x128x64xf32, #tpu.memory_space<hbm>> -> memref<128x64xf32, #tpu.memory_space<hbm>>
    %dma_start3A_247 = arith.constant 0 : i32
    %dma_start3A_248 = arith.constant 0 : i32
    %dma_start3A_249 = tpu.memref_slice %arg6[%dma_start3A_232, %dma_start3A_233, %dma_start3A_247, %dma_start3A_248] : memref<2x5x128x64xf32, #tpu.memory_space<vmem>> -> memref<1x1x128x64xf32, #tpu.memory_space<vmem>>
    %dma_start3A_250 = tpu.memref_squeeze %dma_start3A_249 : memref<1x1x128x64xf32, #tpu.memory_space<vmem>> -> memref<128x64xf32, #tpu.memory_space<vmem>>
    tpu.enqueue_dma source(%dma_start3A_250 : memref<128x64xf32, #tpu.memory_space<vmem>>) target(%dma_start3A_246 : memref<128x64xf32, #tpu.memory_space<hbm>>) target_semaphore(%arg9 : memref<!tpu.dma_semaphore, #tpu.memory_space<semaphore_mem>>)
    %dma_start3A_251 = arith.constant 0 : i32
    %dma_start3A_252 = arith.constant 3 : i32
    %dma_start3A_253 = arith.constant 3 : i32
    %dma_start3A_254 = arith.constant 0 : i32
    %dma_start3A_255 = arith.constant 0 : i32
    %dma_start3A_256 = tpu.memref_slice %arg6[%dma_start3A_251, %dma_start3A_252, %dma_start3A_254, %dma_start3A_255] : memref<2x5x128x64xf32, #tpu.memory_space<vmem>> -> memref<1x1x128x64xf32, #tpu.memory_space<vmem>>
    %dma_start3A_257 = tpu.memref_squeeze %dma_start3A_256 : memref<1x1x128x64xf32, #tpu.memory_space<vmem>> -> memref<128x64xf32, #tpu.memory_space<vmem>>
    %dma_start3A_258 = arith.constant 0 : i32
    %dma_start3A_259 = arith.constant 0 : i32
    %dma_start3A_260 = tpu.memref_slice %arg4[%add3A, %dma_start3A_253, %dma_start3A_258, %dma_start3A_259] : memref<32x80x128x64xf32, #tpu.memory_space<hbm>> -> memref<1x1x128x64xf32, #tpu.memory_space<hbm>>
    %dma_start3A_261 = tpu.memref_squeeze %dma_start3A_260 : memref<1x1x128x64xf32, #tpu.memory_space<hbm>> -> memref<128x64xf32, #tpu.memory_space<hbm>>
    %dma_start3A_262 = arith.constant 0 : i32
    %dma_start3A_263 = arith.constant 0 : i32
    %dma_start3A_264 = tpu.memref_slice %arg4[%add3A, %dma_start3A_253, %dma_start3A_262, %dma_start3A_263] : memref<32x80x128x64xf32, #tpu.memory_space<hbm>> -> memref<1x1x128x64xf32, #tpu.memory_space<hbm>>
    %dma_start3A_265 = tpu.memref_squeeze %dma_start3A_264 : memref<1x1x128x64xf32, #tpu.memory_space<hbm>> -> memref<128x64xf32, #tpu.memory_space<hbm>>
    %dma_start3A_266 = arith.constant 0 : i32
    %dma_start3A_267 = arith.constant 0 : i32
    %dma_start3A_268 = tpu.memref_slice %arg6[%dma_start3A_251, %dma_start3A_252, %dma_start3A_266, %dma_start3A_267] : memref<2x5x128x64xf32, #tpu.memory_space<vmem>> -> memref<1x1x128x64xf32, #tpu.memory_space<vmem>>
    %dma_start3A_269 = tpu.memref_squeeze %dma_start3A_268 : memref<1x1x128x64xf32, #tpu.memory_space<vmem>> -> memref<128x64xf32, #tpu.memory_space<vmem>>
    tpu.enqueue_dma source(%dma_start3A_269 : memref<128x64xf32, #tpu.memory_space<vmem>>) target(%dma_start3A_265 : memref<128x64xf32, #tpu.memory_space<hbm>>) target_semaphore(%arg9 : memref<!tpu.dma_semaphore, #tpu.memory_space<semaphore_mem>>)
    %dma_start3A_270 = arith.constant 0 : i32
    %dma_start3A_271 = arith.constant 4 : i32
    %dma_start3A_272 = arith.constant 4 : i32
    %dma_start3A_273 = arith.constant 0 : i32
    %dma_start3A_274 = arith.constant 0 : i32
    %dma_start3A_275 = tpu.memref_slice %arg6[%dma_start3A_270, %dma_start3A_271, %dma_start3A_273, %dma_start3A_274] : memref<2x5x128x64xf32, #tpu.memory_space<vmem>> -> memref<1x1x128x64xf32, #tpu.memory_space<vmem>>
    %dma_start3A_276 = tpu.memref_squeeze %dma_start3A_275 : memref<1x1x128x64xf32, #tpu.memory_space<vmem>> -> memref<128x64xf32, #tpu.memory_space<vmem>>
    %dma_start3A_277 = arith.constant 0 : i32
    %dma_start3A_278 = arith.constant 0 : i32
    %dma_start3A_279 = tpu.memref_slice %arg4[%add3A, %dma_start3A_272, %dma_start3A_277, %dma_start3A_278] : memref<32x80x128x64xf32, #tpu.memory_space<hbm>> -> memref<1x1x128x64xf32, #tpu.memory_space<hbm>>
    %dma_start3A_280 = tpu.memref_squeeze %dma_start3A_279 : memref<1x1x128x64xf32, #tpu.memory_space<hbm>> -> memref<128x64xf32, #tpu.memory_space<hbm>>
    %dma_start3A_281 = arith.constant 0 : i32
    %dma_start3A_282 = arith.constant 0 : i32
    %dma_start3A_283 = tpu.memref_slice %arg4[%add3A, %dma_start3A_272, %dma_start3A_281, %dma_start3A_282] : memref<32x80x128x64xf32, #tpu.memory_space<hbm>> -> memref<1x1x128x64xf32, #tpu.memory_space<hbm>>
    %dma_start3A_284 = tpu.memref_squeeze %dma_start3A_283 : memref<1x1x128x64xf32, #tpu.memory_space<hbm>> -> memref<128x64xf32, #tpu.memory_space<hbm>>
    %dma_start3A_285 = arith.constant 0 : i32
    %dma_start3A_286 = arith.constant 0 : i32
    %dma_start3A_287 = tpu.memref_slice %arg6[%dma_start3A_270, %dma_start3A_271, %dma_start3A_285, %dma_start3A_286] : memref<2x5x128x64xf32, #tpu.memory_space<vmem>> -> memref<1x1x128x64xf32, #tpu.memory_space<vmem>>
    %dma_start3A_288 = tpu.memref_squeeze %dma_start3A_287 : memref<1x1x128x64xf32, #tpu.memory_space<vmem>> -> memref<128x64xf32, #tpu.memory_space<vmem>>
    tpu.enqueue_dma source(%dma_start3A_288 : memref<128x64xf32, #tpu.memory_space<vmem>>) target(%dma_start3A_284 : memref<128x64xf32, #tpu.memory_space<hbm>>) target_semaphore(%arg9 : memref<!tpu.dma_semaphore, #tpu.memory_space<semaphore_mem>>)
    %scan3A = arith.constant 0 : i32
    %scan3A_289 = arith.constant 7 : i32
    %scan3A_290 = arith.addi %scan3A, %scan3A_289 : i32
    %scan3A_291 = arith.constant 1 : i32
    scf.for %scan3A_643 = %scan3A to %scan3A_290 step %scan3A_291  : i32 {
      %mul3A_644 = arith.constant 2 : i32
      %mul3A_645 = arith.muli %scan3A_643, %mul3A_644 : i32
      %add3A_646 = arith.constant 1 : i32
      %add3A_647 = arith.addi %add3A_646, %mul3A_645 : i32
      %dma_wait3A_648 = arith.constant 0 : i32
      %dma_wait3A_649 = arith.constant 1 : i32
      %dma_wait3A_650 = arith.constant 0 : i32
      %dma_wait3A_651 = arith.constant 0 : i32
      %dma_wait3A_652 = arith.constant 0 : i32
      %dma_wait3A_653 = tpu.memref_slice %arg6[%dma_wait3A_649, %dma_wait3A_650, %dma_wait3A_651, %dma_wait3A_652] : memref<2x5x128x64xf32, #tpu.memory_space<vmem>> -> memref<1x1x128x64xf32, #tpu.memory_space<vmem>>
      %dma_wait3A_654 = tpu.memref_squeeze %dma_wait3A_653 : memref<1x1x128x64xf32, #tpu.memory_space<vmem>> -> memref<128x64xf32, #tpu.memory_space<vmem>>
      %dma_wait3A_655 = arith.constant 0 : i32
      %dma_wait3A_656 = tpu.memref_slice %arg5[%dma_wait3A_648, %dma_wait3A_655] : memref<80x128xi32, #tpu.memory_space<vmem>> -> memref<1x128xi32, #tpu.memory_space<vmem>>
      %dma_wait3A_657 = tpu.memref_squeeze %dma_wait3A_656 : memref<1x128xi32, #tpu.memory_space<vmem>> -> memref<128xi32, #tpu.memory_space<vmem>>
      %dma_wait3A_658 = arith.constant 0 : i32
      %dma_wait3A_659 = arith.constant 0 : i32
      %dma_wait3A_660 = tpu.memref_slice %arg3[%dma_wait3A_658, %dma_wait3A_659] : memref<1000064x64xf32, #tpu.memory_space<hbm>> -> memref<1000064x64xf32, #tpu.memory_space<hbm>>
      tpu.wait_indirect_dma semaphore(%arg8 : memref<!tpu.dma_semaphore, #tpu.memory_space<semaphore_mem>>) src(%dma_wait3A_660 : memref<1000064x64xf32, #tpu.memory_space<hbm>>) dst(%dma_wait3A_654 : memref<128x64xf32, #tpu.memory_space<vmem>>)
      %dma_wait3A_661 = arith.constant 0 : i32
      %dma_wait3A_662 = arith.constant 1 : i32
      %dma_wait3A_663 = arith.constant 1 : i32
      %dma_wait3A_664 = arith.constant 0 : i32
      %dma_wait3A_665 = arith.constant 0 : i32
      %dma_wait3A_666 = tpu.memref_slice %arg6[%dma_wait3A_662, %dma_wait3A_663, %dma_wait3A_664, %dma_wait3A_665] : memref<2x5x128x64xf32, #tpu.memory_space<vmem>> -> memref<1x1x128x64xf32, #tpu.memory_space<vmem>>
      %dma_wait3A_667 = tpu.memref_squeeze %dma_wait3A_666 : memref<1x1x128x64xf32, #tpu.memory_space<vmem>> -> memref<128x64xf32, #tpu.memory_space<vmem>>
      %dma_wait3A_668 = arith.constant 0 : i32
      %dma_wait3A_669 = tpu.memref_slice %arg5[%dma_wait3A_661, %dma_wait3A_668] : memref<80x128xi32, #tpu.memory_space<vmem>> -> memref<1x128xi32, #tpu.memory_space<vmem>>
      %dma_wait3A_670 = tpu.memref_squeeze %dma_wait3A_669 : memref<1x128xi32, #tpu.memory_space<vmem>> -> memref<128xi32, #tpu.memory_space<vmem>>
      %dma_wait3A_671 = arith.constant 0 : i32
      %dma_wait3A_672 = arith.constant 0 : i32
      %dma_wait3A_673 = tpu.memref_slice %arg3[%dma_wait3A_671, %dma_wait3A_672] : memref<1000064x64xf32, #tpu.memory_space<hbm>> -> memref<1000064x64xf32, #tpu.memory_space<hbm>>
      tpu.wait_indirect_dma semaphore(%arg8 : memref<!tpu.dma_semaphore, #tpu.memory_space<semaphore_mem>>) src(%dma_wait3A_673 : memref<1000064x64xf32, #tpu.memory_space<hbm>>) dst(%dma_wait3A_667 : memref<128x64xf32, #tpu.memory_space<vmem>>)
      %dma_wait3A_674 = arith.constant 0 : i32
      %dma_wait3A_675 = arith.constant 1 : i32
      %dma_wait3A_676 = arith.constant 2 : i32
      %dma_wait3A_677 = arith.constant 0 : i32
      %dma_wait3A_678 = arith.constant 0 : i32
      %dma_wait3A_679 = tpu.memref_slice %arg6[%dma_wait3A_675, %dma_wait3A_676, %dma_wait3A_677, %dma_wait3A_678] : memref<2x5x128x64xf32, #tpu.memory_space<vmem>> -> memref<1x1x128x64xf32, #tpu.memory_space<vmem>>
      %dma_wait3A_680 = tpu.memref_squeeze %dma_wait3A_679 : memref<1x1x128x64xf32, #tpu.memory_space<vmem>> -> memref<128x64xf32, #tpu.memory_space<vmem>>
      %dma_wait3A_681 = arith.constant 0 : i32
      %dma_wait3A_682 = tpu.memref_slice %arg5[%dma_wait3A_674, %dma_wait3A_681] : memref<80x128xi32, #tpu.memory_space<vmem>> -> memref<1x128xi32, #tpu.memory_space<vmem>>
      %dma_wait3A_683 = tpu.memref_squeeze %dma_wait3A_682 : memref<1x128xi32, #tpu.memory_space<vmem>> -> memref<128xi32, #tpu.memory_space<vmem>>
      %dma_wait3A_684 = arith.constant 0 : i32
      %dma_wait3A_685 = arith.constant 0 : i32
      %dma_wait3A_686 = tpu.memref_slice %arg3[%dma_wait3A_684, %dma_wait3A_685] : memref<1000064x64xf32, #tpu.memory_space<hbm>> -> memref<1000064x64xf32, #tpu.memory_space<hbm>>
      tpu.wait_indirect_dma semaphore(%arg8 : memref<!tpu.dma_semaphore, #tpu.memory_space<semaphore_mem>>) src(%dma_wait3A_686 : memref<1000064x64xf32, #tpu.memory_space<hbm>>) dst(%dma_wait3A_680 : memref<128x64xf32, #tpu.memory_space<vmem>>)
      %dma_wait3A_687 = arith.constant 0 : i32
      %dma_wait3A_688 = arith.constant 1 : i32
      %dma_wait3A_689 = arith.constant 3 : i32
      %dma_wait3A_690 = arith.constant 0 : i32
      %dma_wait3A_691 = arith.constant 0 : i32
      %dma_wait3A_692 = tpu.memref_slice %arg6[%dma_wait3A_688, %dma_wait3A_689, %dma_wait3A_690, %dma_wait3A_691] : memref<2x5x128x64xf32, #tpu.memory_space<vmem>> -> memref<1x1x128x64xf32, #tpu.memory_space<vmem>>
      %dma_wait3A_693 = tpu.memref_squeeze %dma_wait3A_692 : memref<1x1x128x64xf32, #tpu.memory_space<vmem>> -> memref<128x64xf32, #tpu.memory_space<vmem>>
      %dma_wait3A_694 = arith.constant 0 : i32
      %dma_wait3A_695 = tpu.memref_slice %arg5[%dma_wait3A_687, %dma_wait3A_694] : memref<80x128xi32, #tpu.memory_space<vmem>> -> memref<1x128xi32, #tpu.memory_space<vmem>>
      %dma_wait3A_696 = tpu.memref_squeeze %dma_wait3A_695 : memref<1x128xi32, #tpu.memory_space<vmem>> -> memref<128xi32, #tpu.memory_space<vmem>>
      %dma_wait3A_697 = arith.constant 0 : i32
      %dma_wait3A_698 = arith.constant 0 : i32
      %dma_wait3A_699 = tpu.memref_slice %arg3[%dma_wait3A_697, %dma_wait3A_698] : memref<1000064x64xf32, #tpu.memory_space<hbm>> -> memref<1000064x64xf32, #tpu.memory_space<hbm>>
      tpu.wait_indirect_dma semaphore(%arg8 : memref<!tpu.dma_semaphore, #tpu.memory_space<semaphore_mem>>) src(%dma_wait3A_699 : memref<1000064x64xf32, #tpu.memory_space<hbm>>) dst(%dma_wait3A_693 : memref<128x64xf32, #tpu.memory_space<vmem>>)
      %dma_wait3A_700 = arith.constant 0 : i32
      %dma_wait3A_701 = arith.constant 1 : i32
      %dma_wait3A_702 = arith.constant 4 : i32
      %dma_wait3A_703 = arith.constant 0 : i32
      %dma_wait3A_704 = arith.constant 0 : i32
      %dma_wait3A_705 = tpu.memref_slice %arg6[%dma_wait3A_701, %dma_wait3A_702, %dma_wait3A_703, %dma_wait3A_704] : memref<2x5x128x64xf32, #tpu.memory_space<vmem>> -> memref<1x1x128x64xf32, #tpu.memory_space<vmem>>
      %dma_wait3A_706 = tpu.memref_squeeze %dma_wait3A_705 : memref<1x1x128x64xf32, #tpu.memory_space<vmem>> -> memref<128x64xf32, #tpu.memory_space<vmem>>
      %dma_wait3A_707 = arith.constant 0 : i32
      %dma_wait3A_708 = tpu.memref_slice %arg5[%dma_wait3A_700, %dma_wait3A_707] : memref<80x128xi32, #tpu.memory_space<vmem>> -> memref<1x128xi32, #tpu.memory_space<vmem>>
      %dma_wait3A_709 = tpu.memref_squeeze %dma_wait3A_708 : memref<1x128xi32, #tpu.memory_space<vmem>> -> memref<128xi32, #tpu.memory_space<vmem>>
      %dma_wait3A_710 = arith.constant 0 : i32
      %dma_wait3A_711 = arith.constant 0 : i32
      %dma_wait3A_712 = tpu.memref_slice %arg3[%dma_wait3A_710, %dma_wait3A_711] : memref<1000064x64xf32, #tpu.memory_space<hbm>> -> memref<1000064x64xf32, #tpu.memory_space<hbm>>
      tpu.wait_indirect_dma semaphore(%arg8 : memref<!tpu.dma_semaphore, #tpu.memory_space<semaphore_mem>>) src(%dma_wait3A_712 : memref<1000064x64xf32, #tpu.memory_space<hbm>>) dst(%dma_wait3A_706 : memref<128x64xf32, #tpu.memory_space<vmem>>)
      %dma_wait3A_713 = arith.constant 0 : i32
      %dma_wait3A_714 = arith.constant 0 : i32
      %dma_wait3A_715 = arith.constant 0 : i32
      %dma_wait3A_716 = arith.constant 0 : i32
      %dma_wait3A_717 = arith.constant 0 : i32
      %dma_wait3A_718 = tpu.memref_slice %arg6[%dma_wait3A_713, %dma_wait3A_714, %dma_wait3A_716, %dma_wait3A_717] : memref<2x5x128x64xf32, #tpu.memory_space<vmem>> -> memref<1x1x128x64xf32, #tpu.memory_space<vmem>>
      %dma_wait3A_719 = tpu.memref_squeeze %dma_wait3A_718 : memref<1x1x128x64xf32, #tpu.memory_space<vmem>> -> memref<128x64xf32, #tpu.memory_space<vmem>>
      %dma_wait3A_720 = arith.constant 0 : i32
      %dma_wait3A_721 = arith.constant 0 : i32
      %dma_wait3A_722 = tpu.memref_slice %arg4[%add3A, %dma_wait3A_715, %dma_wait3A_720, %dma_wait3A_721] : memref<32x80x128x64xf32, #tpu.memory_space<hbm>> -> memref<1x1x128x64xf32, #tpu.memory_space<hbm>>
      %dma_wait3A_723 = tpu.memref_squeeze %dma_wait3A_722 : memref<1x1x128x64xf32, #tpu.memory_space<hbm>> -> memref<128x64xf32, #tpu.memory_space<hbm>>
      %dma_wait3A_724 = arith.constant 0 : i32
      %dma_wait3A_725 = arith.constant 0 : i32
      %dma_wait3A_726 = tpu.memref_slice %arg4[%add3A, %dma_wait3A_715, %dma_wait3A_724, %dma_wait3A_725] : memref<32x80x128x64xf32, #tpu.memory_space<hbm>> -> memref<1x1x128x64xf32, #tpu.memory_space<hbm>>
      %dma_wait3A_727 = tpu.memref_squeeze %dma_wait3A_726 : memref<1x1x128x64xf32, #tpu.memory_space<hbm>> -> memref<128x64xf32, #tpu.memory_space<hbm>>
      %dma_wait3A_728 = arith.constant 0 : i32
      %dma_wait3A_729 = arith.constant 0 : i32
      %dma_wait3A_730 = tpu.memref_slice %arg6[%dma_wait3A_713, %dma_wait3A_714, %dma_wait3A_728, %dma_wait3A_729] : memref<2x5x128x64xf32, #tpu.memory_space<vmem>> -> memref<1x1x128x64xf32, #tpu.memory_space<vmem>>
      %dma_wait3A_731 = tpu.memref_squeeze %dma_wait3A_730 : memref<1x1x128x64xf32, #tpu.memory_space<vmem>> -> memref<128x64xf32, #tpu.memory_space<vmem>>
      tpu.wait_dma2 semaphore(%arg9 : memref<!tpu.dma_semaphore, #tpu.memory_space<semaphore_mem>>) src(%dma_wait3A_731 : memref<128x64xf32, #tpu.memory_space<vmem>>) dst(%dma_wait3A_727 : memref<128x64xf32, #tpu.memory_space<hbm>>)
      %dma_wait3A_732 = arith.constant 0 : i32
      %dma_wait3A_733 = arith.constant 1 : i32
      %dma_wait3A_734 = arith.constant 1 : i32
      %dma_wait3A_735 = arith.constant 0 : i32
      %dma_wait3A_736 = arith.constant 0 : i32
      %dma_wait3A_737 = tpu.memref_slice %arg6[%dma_wait3A_732, %dma_wait3A_733, %dma_wait3A_735, %dma_wait3A_736] : memref<2x5x128x64xf32, #tpu.memory_space<vmem>> -> memref<1x1x128x64xf32, #tpu.memory_space<vmem>>
      %dma_wait3A_738 = tpu.memref_squeeze %dma_wait3A_737 : memref<1x1x128x64xf32, #tpu.memory_space<vmem>> -> memref<128x64xf32, #tpu.memory_space<vmem>>
      %dma_wait3A_739 = arith.constant 0 : i32
      %dma_wait3A_740 = arith.constant 0 : i32
      %dma_wait3A_741 = tpu.memref_slice %arg4[%add3A, %dma_wait3A_734, %dma_wait3A_739, %dma_wait3A_740] : memref<32x80x128x64xf32, #tpu.memory_space<hbm>> -> memref<1x1x128x64xf32, #tpu.memory_space<hbm>>
      %dma_wait3A_742 = tpu.memref_squeeze %dma_wait3A_741 : memref<1x1x128x64xf32, #tpu.memory_space<hbm>> -> memref<128x64xf32, #tpu.memory_space<hbm>>
      %dma_wait3A_743 = arith.constant 0 : i32
      %dma_wait3A_744 = arith.constant 0 : i32
      %dma_wait3A_745 = tpu.memref_slice %arg4[%add3A, %dma_wait3A_734, %dma_wait3A_743, %dma_wait3A_744] : memref<32x80x128x64xf32, #tpu.memory_space<hbm>> -> memref<1x1x128x64xf32, #tpu.memory_space<hbm>>
      %dma_wait3A_746 = tpu.memref_squeeze %dma_wait3A_745 : memref<1x1x128x64xf32, #tpu.memory_space<hbm>> -> memref<128x64xf32, #tpu.memory_space<hbm>>
      %dma_wait3A_747 = arith.constant 0 : i32
      %dma_wait3A_748 = arith.constant 0 : i32
      %dma_wait3A_749 = tpu.memref_slice %arg6[%dma_wait3A_732, %dma_wait3A_733, %dma_wait3A_747, %dma_wait3A_748] : memref<2x5x128x64xf32, #tpu.memory_space<vmem>> -> memref<1x1x128x64xf32, #tpu.memory_space<vmem>>
      %dma_wait3A_750 = tpu.memref_squeeze %dma_wait3A_749 : memref<1x1x128x64xf32, #tpu.memory_space<vmem>> -> memref<128x64xf32, #tpu.memory_space<vmem>>
      tpu.wait_dma2 semaphore(%arg9 : memref<!tpu.dma_semaphore, #tpu.memory_space<semaphore_mem>>) src(%dma_wait3A_750 : memref<128x64xf32, #tpu.memory_space<vmem>>) dst(%dma_wait3A_746 : memref<128x64xf32, #tpu.memory_space<hbm>>)
      %dma_wait3A_751 = arith.constant 0 : i32
      %dma_wait3A_752 = arith.constant 2 : i32
      %dma_wait3A_753 = arith.constant 2 : i32
      %dma_wait3A_754 = arith.constant 0 : i32
      %dma_wait3A_755 = arith.constant 0 : i32
      %dma_wait3A_756 = tpu.memref_slice %arg6[%dma_wait3A_751, %dma_wait3A_752, %dma_wait3A_754, %dma_wait3A_755] : memref<2x5x128x64xf32, #tpu.memory_space<vmem>> -> memref<1x1x128x64xf32, #tpu.memory_space<vmem>>
      %dma_wait3A_757 = tpu.memref_squeeze %dma_wait3A_756 : memref<1x1x128x64xf32, #tpu.memory_space<vmem>> -> memref<128x64xf32, #tpu.memory_space<vmem>>
      %dma_wait3A_758 = arith.constant 0 : i32
      %dma_wait3A_759 = arith.constant 0 : i32
      %dma_wait3A_760 = tpu.memref_slice %arg4[%add3A, %dma_wait3A_753, %dma_wait3A_758, %dma_wait3A_759] : memref<32x80x128x64xf32, #tpu.memory_space<hbm>> -> memref<1x1x128x64xf32, #tpu.memory_space<hbm>>
      %dma_wait3A_761 = tpu.memref_squeeze %dma_wait3A_760 : memref<1x1x128x64xf32, #tpu.memory_space<hbm>> -> memref<128x64xf32, #tpu.memory_space<hbm>>
      %dma_wait3A_762 = arith.constant 0 : i32
      %dma_wait3A_763 = arith.constant 0 : i32
      %dma_wait3A_764 = tpu.memref_slice %arg4[%add3A, %dma_wait3A_753, %dma_wait3A_762, %dma_wait3A_763] : memref<32x80x128x64xf32, #tpu.memory_space<hbm>> -> memref<1x1x128x64xf32, #tpu.memory_space<hbm>>
      %dma_wait3A_765 = tpu.memref_squeeze %dma_wait3A_764 : memref<1x1x128x64xf32, #tpu.memory_space<hbm>> -> memref<128x64xf32, #tpu.memory_space<hbm>>
      %dma_wait3A_766 = arith.constant 0 : i32
      %dma_wait3A_767 = arith.constant 0 : i32
      %dma_wait3A_768 = tpu.memref_slice %arg6[%dma_wait3A_751, %dma_wait3A_752, %dma_wait3A_766, %dma_wait3A_767] : memref<2x5x128x64xf32, #tpu.memory_space<vmem>> -> memref<1x1x128x64xf32, #tpu.memory_space<vmem>>
      %dma_wait3A_769 = tpu.memref_squeeze %dma_wait3A_768 : memref<1x1x128x64xf32, #tpu.memory_space<vmem>> -> memref<128x64xf32, #tpu.memory_space<vmem>>
      tpu.wait_dma2 semaphore(%arg9 : memref<!tpu.dma_semaphore, #tpu.memory_space<semaphore_mem>>) src(%dma_wait3A_769 : memref<128x64xf32, #tpu.memory_space<vmem>>) dst(%dma_wait3A_765 : memref<128x64xf32, #tpu.memory_space<hbm>>)
      %dma_wait3A_770 = arith.constant 0 : i32
      %dma_wait3A_771 = arith.constant 3 : i32
      %dma_wait3A_772 = arith.constant 3 : i32
      %dma_wait3A_773 = arith.constant 0 : i32
      %dma_wait3A_774 = arith.constant 0 : i32
      %dma_wait3A_775 = tpu.memref_slice %arg6[%dma_wait3A_770, %dma_wait3A_771, %dma_wait3A_773, %dma_wait3A_774] : memref<2x5x128x64xf32, #tpu.memory_space<vmem>> -> memref<1x1x128x64xf32, #tpu.memory_space<vmem>>
      %dma_wait3A_776 = tpu.memref_squeeze %dma_wait3A_775 : memref<1x1x128x64xf32, #tpu.memory_space<vmem>> -> memref<128x64xf32, #tpu.memory_space<vmem>>
      %dma_wait3A_777 = arith.constant 0 : i32
      %dma_wait3A_778 = arith.constant 0 : i32
      %dma_wait3A_779 = tpu.memref_slice %arg4[%add3A, %dma_wait3A_772, %dma_wait3A_777, %dma_wait3A_778] : memref<32x80x128x64xf32, #tpu.memory_space<hbm>> -> memref<1x1x128x64xf32, #tpu.memory_space<hbm>>
      %dma_wait3A_780 = tpu.memref_squeeze %dma_wait3A_779 : memref<1x1x128x64xf32, #tpu.memory_space<hbm>> -> memref<128x64xf32, #tpu.memory_space<hbm>>
      %dma_wait3A_781 = arith.constant 0 : i32
      %dma_wait3A_782 = arith.constant 0 : i32
      %dma_wait3A_783 = tpu.memref_slice %arg4[%add3A, %dma_wait3A_772, %dma_wait3A_781, %dma_wait3A_782] : memref<32x80x128x64xf32, #tpu.memory_space<hbm>> -> memref<1x1x128x64xf32, #tpu.memory_space<hbm>>
      %dma_wait3A_784 = tpu.memref_squeeze %dma_wait3A_783 : memref<1x1x128x64xf32, #tpu.memory_space<hbm>> -> memref<128x64xf32, #tpu.memory_space<hbm>>
      %dma_wait3A_785 = arith.constant 0 : i32
      %dma_wait3A_786 = arith.constant 0 : i32
      %dma_wait3A_787 = tpu.memref_slice %arg6[%dma_wait3A_770, %dma_wait3A_771, %dma_wait3A_785, %dma_wait3A_786] : memref<2x5x128x64xf32, #tpu.memory_space<vmem>> -> memref<1x1x128x64xf32, #tpu.memory_space<vmem>>
      %dma_wait3A_788 = tpu.memref_squeeze %dma_wait3A_787 : memref<1x1x128x64xf32, #tpu.memory_space<vmem>> -> memref<128x64xf32, #tpu.memory_space<vmem>>
      tpu.wait_dma2 semaphore(%arg9 : memref<!tpu.dma_semaphore, #tpu.memory_space<semaphore_mem>>) src(%dma_wait3A_788 : memref<128x64xf32, #tpu.memory_space<vmem>>) dst(%dma_wait3A_784 : memref<128x64xf32, #tpu.memory_space<hbm>>)
      %dma_wait3A_789 = arith.constant 0 : i32
      %dma_wait3A_790 = arith.constant 4 : i32
      %dma_wait3A_791 = arith.constant 4 : i32
      %dma_wait3A_792 = arith.constant 0 : i32
      %dma_wait3A_793 = arith.constant 0 : i32
      %dma_wait3A_794 = tpu.memref_slice %arg6[%dma_wait3A_789, %dma_wait3A_790, %dma_wait3A_792, %dma_wait3A_793] : memref<2x5x128x64xf32, #tpu.memory_space<vmem>> -> memref<1x1x128x64xf32, #tpu.memory_space<vmem>>
      %dma_wait3A_795 = tpu.memref_squeeze %dma_wait3A_794 : memref<1x1x128x64xf32, #tpu.memory_space<vmem>> -> memref<128x64xf32, #tpu.memory_space<vmem>>
      %dma_wait3A_796 = arith.constant 0 : i32
      %dma_wait3A_797 = arith.constant 0 : i32
      %dma_wait3A_798 = tpu.memref_slice %arg4[%add3A, %dma_wait3A_791, %dma_wait3A_796, %dma_wait3A_797] : memref<32x80x128x64xf32, #tpu.memory_space<hbm>> -> memref<1x1x128x64xf32, #tpu.memory_space<hbm>>
      %dma_wait3A_799 = tpu.memref_squeeze %dma_wait3A_798 : memref<1x1x128x64xf32, #tpu.memory_space<hbm>> -> memref<128x64xf32, #tpu.memory_space<hbm>>
      %dma_wait3A_800 = arith.constant 0 : i32
      %dma_wait3A_801 = arith.constant 0 : i32
      %dma_wait3A_802 = tpu.memref_slice %arg4[%add3A, %dma_wait3A_791, %dma_wait3A_800, %dma_wait3A_801] : memref<32x80x128x64xf32, #tpu.memory_space<hbm>> -> memref<1x1x128x64xf32, #tpu.memory_space<hbm>>
      %dma_wait3A_803 = tpu.memref_squeeze %dma_wait3A_802 : memref<1x1x128x64xf32, #tpu.memory_space<hbm>> -> memref<128x64xf32, #tpu.memory_space<hbm>>
      %dma_wait3A_804 = arith.constant 0 : i32
      %dma_wait3A_805 = arith.constant 0 : i32
      %dma_wait3A_806 = tpu.memref_slice %arg6[%dma_wait3A_789, %dma_wait3A_790, %dma_wait3A_804, %dma_wait3A_805] : memref<2x5x128x64xf32, #tpu.memory_space<vmem>> -> memref<1x1x128x64xf32, #tpu.memory_space<vmem>>
      %dma_wait3A_807 = tpu.memref_squeeze %dma_wait3A_806 : memref<1x1x128x64xf32, #tpu.memory_space<vmem>> -> memref<128x64xf32, #tpu.memory_space<vmem>>
      tpu.wait_dma2 semaphore(%arg9 : memref<!tpu.dma_semaphore, #tpu.memory_space<semaphore_mem>>) src(%dma_wait3A_807 : memref<128x64xf32, #tpu.memory_space<vmem>>) dst(%dma_wait3A_803 : memref<128x64xf32, #tpu.memory_space<hbm>>)
      %add3A_808 = arith.constant 1 : i32
      %add3A_809 = arith.addi %add3A_647, %add3A_808 : i32
      %mul3A_810 = arith.constant 5 : i32
      %mul3A_811 = arith.muli %add3A_809, %mul3A_810 : i32
      %add3A_812 = arith.constant 0 : i32
      %add3A_813 = arith.addi %mul3A_811, %add3A_812 : i32
      %dma_start3A_814 = arith.constant 0 : i32
      %dma_start3A_815 = arith.constant 0 : i32
      %dma_start3A_816 = arith.constant 0 : i32
      %dma_start3A_817 = arith.constant 0 : i32
      %dma_start3A_818 = tpu.memref_slice %arg6[%dma_start3A_814, %dma_start3A_815, %dma_start3A_816, %dma_start3A_817] : memref<2x5x128x64xf32, #tpu.memory_space<vmem>> -> memref<1x1x128x64xf32, #tpu.memory_space<vmem>>
      %dma_start3A_819 = tpu.memref_squeeze %dma_start3A_818 : memref<1x1x128x64xf32, #tpu.memory_space<vmem>> -> memref<128x64xf32, #tpu.memory_space<vmem>>
      %dma_start3A_820 = arith.constant 0 : i32
      %dma_start3A_821 = tpu.memref_slice %arg5[%add3A_813, %dma_start3A_820] : memref<80x128xi32, #tpu.memory_space<vmem>> -> memref<1x128xi32, #tpu.memory_space<vmem>>
      %dma_start3A_822 = tpu.memref_squeeze %dma_start3A_821 : memref<1x128xi32, #tpu.memory_space<vmem>> -> memref<128xi32, #tpu.memory_space<vmem>>
      %dma_start3A_823 = arith.constant 0 : i32
      %dma_start3A_824 = arith.constant 0 : i32
      %dma_start3A_825 = tpu.memref_slice %arg3[%dma_start3A_823, %dma_start3A_824] : memref<1000064x64xf32, #tpu.memory_space<hbm>> -> memref<1000064x64xf32, #tpu.memory_space<hbm>>
      tpu.enqueue_indirect_dma source(%dma_start3A_825 : memref<1000064x64xf32, #tpu.memory_space<hbm>>) target(%dma_start3A_819 : memref<128x64xf32, #tpu.memory_space<vmem>>) offsets(%dma_start3A_822 : memref<128xi32, #tpu.memory_space<vmem>>) semaphore(%arg7 : memref<!tpu.dma_semaphore, #tpu.memory_space<semaphore_mem>>)
      %mul3A_826 = arith.constant 5 : i32
      %mul3A_827 = arith.muli %add3A_809, %mul3A_826 : i32
      %add3A_828 = arith.constant 1 : i32
      %add3A_829 = arith.addi %mul3A_827, %add3A_828 : i32
      %dma_start3A_830 = arith.constant 0 : i32
      %dma_start3A_831 = arith.constant 1 : i32
      %dma_start3A_832 = arith.constant 0 : i32
      %dma_start3A_833 = arith.constant 0 : i32
      %dma_start3A_834 = tpu.memref_slice %arg6[%dma_start3A_830, %dma_start3A_831, %dma_start3A_832, %dma_start3A_833] : memref<2x5x128x64xf32, #tpu.memory_space<vmem>> -> memref<1x1x128x64xf32, #tpu.memory_space<vmem>>
      %dma_start3A_835 = tpu.memref_squeeze %dma_start3A_834 : memref<1x1x128x64xf32, #tpu.memory_space<vmem>> -> memref<128x64xf32, #tpu.memory_space<vmem>>
      %dma_start3A_836 = arith.constant 0 : i32
      %dma_start3A_837 = tpu.memref_slice %arg5[%add3A_829, %dma_start3A_836] : memref<80x128xi32, #tpu.memory_space<vmem>> -> memref<1x128xi32, #tpu.memory_space<vmem>>
      %dma_start3A_838 = tpu.memref_squeeze %dma_start3A_837 : memref<1x128xi32, #tpu.memory_space<vmem>> -> memref<128xi32, #tpu.memory_space<vmem>>
      %dma_start3A_839 = arith.constant 0 : i32
      %dma_start3A_840 = arith.constant 0 : i32
      %dma_start3A_841 = tpu.memref_slice %arg3[%dma_start3A_839, %dma_start3A_840] : memref<1000064x64xf32, #tpu.memory_space<hbm>> -> memref<1000064x64xf32, #tpu.memory_space<hbm>>
      tpu.enqueue_indirect_dma source(%dma_start3A_841 : memref<1000064x64xf32, #tpu.memory_space<hbm>>) target(%dma_start3A_835 : memref<128x64xf32, #tpu.memory_space<vmem>>) offsets(%dma_start3A_838 : memref<128xi32, #tpu.memory_space<vmem>>) semaphore(%arg7 : memref<!tpu.dma_semaphore, #tpu.memory_space<semaphore_mem>>)
      %mul3A_842 = arith.constant 5 : i32
      %mul3A_843 = arith.muli %add3A_809, %mul3A_842 : i32
      %add3A_844 = arith.constant 2 : i32
      %add3A_845 = arith.addi %mul3A_843, %add3A_844 : i32
      %dma_start3A_846 = arith.constant 0 : i32
      %dma_start3A_847 = arith.constant 2 : i32
      %dma_start3A_848 = arith.constant 0 : i32
      %dma_start3A_849 = arith.constant 0 : i32
      %dma_start3A_850 = tpu.memref_slice %arg6[%dma_start3A_846, %dma_start3A_847, %dma_start3A_848, %dma_start3A_849] : memref<2x5x128x64xf32, #tpu.memory_space<vmem>> -> memref<1x1x128x64xf32, #tpu.memory_space<vmem>>
      %dma_start3A_851 = tpu.memref_squeeze %dma_start3A_850 : memref<1x1x128x64xf32, #tpu.memory_space<vmem>> -> memref<128x64xf32, #tpu.memory_space<vmem>>
      %dma_start3A_852 = arith.constant 0 : i32
      %dma_start3A_853 = tpu.memref_slice %arg5[%add3A_845, %dma_start3A_852] : memref<80x128xi32, #tpu.memory_space<vmem>> -> memref<1x128xi32, #tpu.memory_space<vmem>>
      %dma_start3A_854 = tpu.memref_squeeze %dma_start3A_853 : memref<1x128xi32, #tpu.memory_space<vmem>> -> memref<128xi32, #tpu.memory_space<vmem>>
      %dma_start3A_855 = arith.constant 0 : i32
      %dma_start3A_856 = arith.constant 0 : i32
      %dma_start3A_857 = tpu.memref_slice %arg3[%dma_start3A_855, %dma_start3A_856] : memref<1000064x64xf32, #tpu.memory_space<hbm>> -> memref<1000064x64xf32, #tpu.memory_space<hbm>>
      tpu.enqueue_indirect_dma source(%dma_start3A_857 : memref<1000064x64xf32, #tpu.memory_space<hbm>>) target(%dma_start3A_851 : memref<128x64xf32, #tpu.memory_space<vmem>>) offsets(%dma_start3A_854 : memref<128xi32, #tpu.memory_space<vmem>>) semaphore(%arg7 : memref<!tpu.dma_semaphore, #tpu.memory_space<semaphore_mem>>)
      %mul3A_858 = arith.constant 5 : i32
      %mul3A_859 = arith.muli %add3A_809, %mul3A_858 : i32
      %add3A_860 = arith.constant 3 : i32
      %add3A_861 = arith.addi %mul3A_859, %add3A_860 : i32
      %dma_start3A_862 = arith.constant 0 : i32
      %dma_start3A_863 = arith.constant 3 : i32
      %dma_start3A_864 = arith.constant 0 : i32
      %dma_start3A_865 = arith.constant 0 : i32
      %dma_start3A_866 = tpu.memref_slice %arg6[%dma_start3A_862, %dma_start3A_863, %dma_start3A_864, %dma_start3A_865] : memref<2x5x128x64xf32, #tpu.memory_space<vmem>> -> memref<1x1x128x64xf32, #tpu.memory_space<vmem>>
      %dma_start3A_867 = tpu.memref_squeeze %dma_start3A_866 : memref<1x1x128x64xf32, #tpu.memory_space<vmem>> -> memref<128x64xf32, #tpu.memory_space<vmem>>
      %dma_start3A_868 = arith.constant 0 : i32
      %dma_start3A_869 = tpu.memref_slice %arg5[%add3A_861, %dma_start3A_868] : memref<80x128xi32, #tpu.memory_space<vmem>> -> memref<1x128xi32, #tpu.memory_space<vmem>>
      %dma_start3A_870 = tpu.memref_squeeze %dma_start3A_869 : memref<1x128xi32, #tpu.memory_space<vmem>> -> memref<128xi32, #tpu.memory_space<vmem>>
      %dma_start3A_871 = arith.constant 0 : i32
      %dma_start3A_872 = arith.constant 0 : i32
      %dma_start3A_873 = tpu.memref_slice %arg3[%dma_start3A_871, %dma_start3A_872] : memref<1000064x64xf32, #tpu.memory_space<hbm>> -> memref<1000064x64xf32, #tpu.memory_space<hbm>>
      tpu.enqueue_indirect_dma source(%dma_start3A_873 : memref<1000064x64xf32, #tpu.memory_space<hbm>>) target(%dma_start3A_867 : memref<128x64xf32, #tpu.memory_space<vmem>>) offsets(%dma_start3A_870 : memref<128xi32, #tpu.memory_space<vmem>>) semaphore(%arg7 : memref<!tpu.dma_semaphore, #tpu.memory_space<semaphore_mem>>)
      %mul3A_874 = arith.constant 5 : i32
      %mul3A_875 = arith.muli %add3A_809, %mul3A_874 : i32
      %add3A_876 = arith.constant 4 : i32
      %add3A_877 = arith.addi %mul3A_875, %add3A_876 : i32
      %dma_start3A_878 = arith.constant 0 : i32
      %dma_start3A_879 = arith.constant 4 : i32
      %dma_start3A_880 = arith.constant 0 : i32
      %dma_start3A_881 = arith.constant 0 : i32
      %dma_start3A_882 = tpu.memref_slice %arg6[%dma_start3A_878, %dma_start3A_879, %dma_start3A_880, %dma_start3A_881] : memref<2x5x128x64xf32, #tpu.memory_space<vmem>> -> memref<1x1x128x64xf32, #tpu.memory_space<vmem>>
      %dma_start3A_883 = tpu.memref_squeeze %dma_start3A_882 : memref<1x1x128x64xf32, #tpu.memory_space<vmem>> -> memref<128x64xf32, #tpu.memory_space<vmem>>
      %dma_start3A_884 = arith.constant 0 : i32
      %dma_start3A_885 = tpu.memref_slice %arg5[%add3A_877, %dma_start3A_884] : memref<80x128xi32, #tpu.memory_space<vmem>> -> memref<1x128xi32, #tpu.memory_space<vmem>>
      %dma_start3A_886 = tpu.memref_squeeze %dma_start3A_885 : memref<1x128xi32, #tpu.memory_space<vmem>> -> memref<128xi32, #tpu.memory_space<vmem>>
      %dma_start3A_887 = arith.constant 0 : i32
      %dma_start3A_888 = arith.constant 0 : i32
      %dma_start3A_889 = tpu.memref_slice %arg3[%dma_start3A_887, %dma_start3A_888] : memref<1000064x64xf32, #tpu.memory_space<hbm>> -> memref<1000064x64xf32, #tpu.memory_space<hbm>>
      tpu.enqueue_indirect_dma source(%dma_start3A_889 : memref<1000064x64xf32, #tpu.memory_space<hbm>>) target(%dma_start3A_883 : memref<128x64xf32, #tpu.memory_space<vmem>>) offsets(%dma_start3A_886 : memref<128xi32, #tpu.memory_space<vmem>>) semaphore(%arg7 : memref<!tpu.dma_semaphore, #tpu.memory_space<semaphore_mem>>)
      %mul3A_890 = arith.constant 5 : i32
      %mul3A_891 = arith.muli %add3A_647, %mul3A_890 : i32
      %add3A_892 = arith.constant 0 : i32
      %add3A_893 = arith.addi %mul3A_891, %add3A_892 : i32
      %dma_start3A_894 = arith.constant 1 : i32
      %dma_start3A_895 = arith.constant 0 : i32
      %dma_start3A_896 = arith.constant 0 : i32
      %dma_start3A_897 = arith.constant 0 : i32
      %dma_start3A_898 = tpu.memref_slice %arg6[%dma_start3A_894, %dma_start3A_895, %dma_start3A_896, %dma_start3A_897] : memref<2x5x128x64xf32, #tpu.memory_space<vmem>> -> memref<1x1x128x64xf32, #tpu.memory_space<vmem>>
      %dma_start3A_899 = tpu.memref_squeeze %dma_start3A_898 : memref<1x1x128x64xf32, #tpu.memory_space<vmem>> -> memref<128x64xf32, #tpu.memory_space<vmem>>
      %dma_start3A_900 = arith.constant 0 : i32
      %dma_start3A_901 = arith.constant 0 : i32
      %dma_start3A_902 = tpu.memref_slice %arg4[%add3A, %add3A_893, %dma_start3A_900, %dma_start3A_901] : memref<32x80x128x64xf32, #tpu.memory_space<hbm>> -> memref<1x1x128x64xf32, #tpu.memory_space<hbm>>
      %dma_start3A_903 = tpu.memref_squeeze %dma_start3A_902 : memref<1x1x128x64xf32, #tpu.memory_space<hbm>> -> memref<128x64xf32, #tpu.memory_space<hbm>>
      %dma_start3A_904 = arith.constant 0 : i32
      %dma_start3A_905 = arith.constant 0 : i32
      %dma_start3A_906 = tpu.memref_slice %arg4[%add3A, %add3A_893, %dma_start3A_904, %dma_start3A_905] : memref<32x80x128x64xf32, #tpu.memory_space<hbm>> -> memref<1x1x128x64xf32, #tpu.memory_space<hbm>>
      %dma_start3A_907 = tpu.memref_squeeze %dma_start3A_906 : memref<1x1x128x64xf32, #tpu.memory_space<hbm>> -> memref<128x64xf32, #tpu.memory_space<hbm>>
      %dma_start3A_908 = arith.constant 0 : i32
      %dma_start3A_909 = arith.constant 0 : i32
      %dma_start3A_910 = tpu.memref_slice %arg6[%dma_start3A_894, %dma_start3A_895, %dma_start3A_908, %dma_start3A_909] : memref<2x5x128x64xf32, #tpu.memory_space<vmem>> -> memref<1x1x128x64xf32, #tpu.memory_space<vmem>>
      %dma_start3A_911 = tpu.memref_squeeze %dma_start3A_910 : memref<1x1x128x64xf32, #tpu.memory_space<vmem>> -> memref<128x64xf32, #tpu.memory_space<vmem>>
      tpu.enqueue_dma source(%dma_start3A_911 : memref<128x64xf32, #tpu.memory_space<vmem>>) target(%dma_start3A_907 : memref<128x64xf32, #tpu.memory_space<hbm>>) target_semaphore(%arg10 : memref<!tpu.dma_semaphore, #tpu.memory_space<semaphore_mem>>)
      %mul3A_912 = arith.constant 5 : i32
      %mul3A_913 = arith.muli %add3A_647, %mul3A_912 : i32
      %add3A_914 = arith.constant 1 : i32
      %add3A_915 = arith.addi %mul3A_913, %add3A_914 : i32
      %dma_start3A_916 = arith.constant 1 : i32
      %dma_start3A_917 = arith.constant 1 : i32
      %dma_start3A_918 = arith.constant 0 : i32
      %dma_start3A_919 = arith.constant 0 : i32
      %dma_start3A_920 = tpu.memref_slice %arg6[%dma_start3A_916, %dma_start3A_917, %dma_start3A_918, %dma_start3A_919] : memref<2x5x128x64xf32, #tpu.memory_space<vmem>> -> memref<1x1x128x64xf32, #tpu.memory_space<vmem>>
      %dma_start3A_921 = tpu.memref_squeeze %dma_start3A_920 : memref<1x1x128x64xf32, #tpu.memory_space<vmem>> -> memref<128x64xf32, #tpu.memory_space<vmem>>
      %dma_start3A_922 = arith.constant 0 : i32
      %dma_start3A_923 = arith.constant 0 : i32
      %dma_start3A_924 = tpu.memref_slice %arg4[%add3A, %add3A_915, %dma_start3A_922, %dma_start3A_923] : memref<32x80x128x64xf32, #tpu.memory_space<hbm>> -> memref<1x1x128x64xf32, #tpu.memory_space<hbm>>
      %dma_start3A_925 = tpu.memref_squeeze %dma_start3A_924 : memref<1x1x128x64xf32, #tpu.memory_space<hbm>> -> memref<128x64xf32, #tpu.memory_space<hbm>>
      %dma_start3A_926 = arith.constant 0 : i32
      %dma_start3A_927 = arith.constant 0 : i32
      %dma_start3A_928 = tpu.memref_slice %arg4[%add3A, %add3A_915, %dma_start3A_926, %dma_start3A_927] : memref<32x80x128x64xf32, #tpu.memory_space<hbm>> -> memref<1x1x128x64xf32, #tpu.memory_space<hbm>>
      %dma_start3A_929 = tpu.memref_squeeze %dma_start3A_928 : memref<1x1x128x64xf32, #tpu.memory_space<hbm>> -> memref<128x64xf32, #tpu.memory_space<hbm>>
      %dma_start3A_930 = arith.constant 0 : i32
      %dma_start3A_931 = arith.constant 0 : i32
      %dma_start3A_932 = tpu.memref_slice %arg6[%dma_start3A_916, %dma_start3A_917, %dma_start3A_930, %dma_start3A_931] : memref<2x5x128x64xf32, #tpu.memory_space<vmem>> -> memref<1x1x128x64xf32, #tpu.memory_space<vmem>>
      %dma_start3A_933 = tpu.memref_squeeze %dma_start3A_932 : memref<1x1x128x64xf32, #tpu.memory_space<vmem>> -> memref<128x64xf32, #tpu.memory_space<vmem>>
      tpu.enqueue_dma source(%dma_start3A_933 : memref<128x64xf32, #tpu.memory_space<vmem>>) target(%dma_start3A_929 : memref<128x64xf32, #tpu.memory_space<hbm>>) target_semaphore(%arg10 : memref<!tpu.dma_semaphore, #tpu.memory_space<semaphore_mem>>)
      %mul3A_934 = arith.constant 5 : i32
      %mul3A_935 = arith.muli %add3A_647, %mul3A_934 : i32
      %add3A_936 = arith.constant 2 : i32
      %add3A_937 = arith.addi %mul3A_935, %add3A_936 : i32
      %dma_start3A_938 = arith.constant 1 : i32
      %dma_start3A_939 = arith.constant 2 : i32
      %dma_start3A_940 = arith.constant 0 : i32
      %dma_start3A_941 = arith.constant 0 : i32
      %dma_start3A_942 = tpu.memref_slice %arg6[%dma_start3A_938, %dma_start3A_939, %dma_start3A_940, %dma_start3A_941] : memref<2x5x128x64xf32, #tpu.memory_space<vmem>> -> memref<1x1x128x64xf32, #tpu.memory_space<vmem>>
      %dma_start3A_943 = tpu.memref_squeeze %dma_start3A_942 : memref<1x1x128x64xf32, #tpu.memory_space<vmem>> -> memref<128x64xf32, #tpu.memory_space<vmem>>
      %dma_start3A_944 = arith.constant 0 : i32
      %dma_start3A_945 = arith.constant 0 : i32
      %dma_start3A_946 = tpu.memref_slice %arg4[%add3A, %add3A_937, %dma_start3A_944, %dma_start3A_945] : memref<32x80x128x64xf32, #tpu.memory_space<hbm>> -> memref<1x1x128x64xf32, #tpu.memory_space<hbm>>
      %dma_start3A_947 = tpu.memref_squeeze %dma_start3A_946 : memref<1x1x128x64xf32, #tpu.memory_space<hbm>> -> memref<128x64xf32, #tpu.memory_space<hbm>>
      %dma_start3A_948 = arith.constant 0 : i32
      %dma_start3A_949 = arith.constant 0 : i32
      %dma_start3A_950 = tpu.memref_slice %arg4[%add3A, %add3A_937, %dma_start3A_948, %dma_start3A_949] : memref<32x80x128x64xf32, #tpu.memory_space<hbm>> -> memref<1x1x128x64xf32, #tpu.memory_space<hbm>>
      %dma_start3A_951 = tpu.memref_squeeze %dma_start3A_950 : memref<1x1x128x64xf32, #tpu.memory_space<hbm>> -> memref<128x64xf32, #tpu.memory_space<hbm>>
      %dma_start3A_952 = arith.constant 0 : i32
      %dma_start3A_953 = arith.constant 0 : i32
      %dma_start3A_954 = tpu.memref_slice %arg6[%dma_start3A_938, %dma_start3A_939, %dma_start3A_952, %dma_start3A_953] : memref<2x5x128x64xf32, #tpu.memory_space<vmem>> -> memref<1x1x128x64xf32, #tpu.memory_space<vmem>>
      %dma_start3A_955 = tpu.memref_squeeze %dma_start3A_954 : memref<1x1x128x64xf32, #tpu.memory_space<vmem>> -> memref<128x64xf32, #tpu.memory_space<vmem>>
      tpu.enqueue_dma source(%dma_start3A_955 : memref<128x64xf32, #tpu.memory_space<vmem>>) target(%dma_start3A_951 : memref<128x64xf32, #tpu.memory_space<hbm>>) target_semaphore(%arg10 : memref<!tpu.dma_semaphore, #tpu.memory_space<semaphore_mem>>)
      %mul3A_956 = arith.constant 5 : i32
      %mul3A_957 = arith.muli %add3A_647, %mul3A_956 : i32
      %add3A_958 = arith.constant 3 : i32
      %add3A_959 = arith.addi %mul3A_957, %add3A_958 : i32
      %dma_start3A_960 = arith.constant 1 : i32
      %dma_start3A_961 = arith.constant 3 : i32
      %dma_start3A_962 = arith.constant 0 : i32
      %dma_start3A_963 = arith.constant 0 : i32
      %dma_start3A_964 = tpu.memref_slice %arg6[%dma_start3A_960, %dma_start3A_961, %dma_start3A_962, %dma_start3A_963] : memref<2x5x128x64xf32, #tpu.memory_space<vmem>> -> memref<1x1x128x64xf32, #tpu.memory_space<vmem>>
      %dma_start3A_965 = tpu.memref_squeeze %dma_start3A_964 : memref<1x1x128x64xf32, #tpu.memory_space<vmem>> -> memref<128x64xf32, #tpu.memory_space<vmem>>
      %dma_start3A_966 = arith.constant 0 : i32
      %dma_start3A_967 = arith.constant 0 : i32
      %dma_start3A_968 = tpu.memref_slice %arg4[%add3A, %add3A_959, %dma_start3A_966, %dma_start3A_967] : memref<32x80x128x64xf32, #tpu.memory_space<hbm>> -> memref<1x1x128x64xf32, #tpu.memory_space<hbm>>
      %dma_start3A_969 = tpu.memref_squeeze %dma_start3A_968 : memref<1x1x128x64xf32, #tpu.memory_space<hbm>> -> memref<128x64xf32, #tpu.memory_space<hbm>>
      %dma_start3A_970 = arith.constant 0 : i32
      %dma_start3A_971 = arith.constant 0 : i32
      %dma_start3A_972 = tpu.memref_slice %arg4[%add3A, %add3A_959, %dma_start3A_970, %dma_start3A_971] : memref<32x80x128x64xf32, #tpu.memory_space<hbm>> -> memref<1x1x128x64xf32, #tpu.memory_space<hbm>>
      %dma_start3A_973 = tpu.memref_squeeze %dma_start3A_972 : memref<1x1x128x64xf32, #tpu.memory_space<hbm>> -> memref<128x64xf32, #tpu.memory_space<hbm>>
      %dma_start3A_974 = arith.constant 0 : i32
      %dma_start3A_975 = arith.constant 0 : i32
      %dma_start3A_976 = tpu.memref_slice %arg6[%dma_start3A_960, %dma_start3A_961, %dma_start3A_974, %dma_start3A_975] : memref<2x5x128x64xf32, #tpu.memory_space<vmem>> -> memref<1x1x128x64xf32, #tpu.memory_space<vmem>>
      %dma_start3A_977 = tpu.memref_squeeze %dma_start3A_976 : memref<1x1x128x64xf32, #tpu.memory_space<vmem>> -> memref<128x64xf32, #tpu.memory_space<vmem>>
      tpu.enqueue_dma source(%dma_start3A_977 : memref<128x64xf32, #tpu.memory_space<vmem>>) target(%dma_start3A_973 : memref<128x64xf32, #tpu.memory_space<hbm>>) target_semaphore(%arg10 : memref<!tpu.dma_semaphore, #tpu.memory_space<semaphore_mem>>)
      %mul3A_978 = arith.constant 5 : i32
      %mul3A_979 = arith.muli %add3A_647, %mul3A_978 : i32
      %add3A_980 = arith.constant 4 : i32
      %add3A_981 = arith.addi %mul3A_979, %add3A_980 : i32
      %dma_start3A_982 = arith.constant 1 : i32
      %dma_start3A_983 = arith.constant 4 : i32
      %dma_start3A_984 = arith.constant 0 : i32
      %dma_start3A_985 = arith.constant 0 : i32
      %dma_start3A_986 = tpu.memref_slice %arg6[%dma_start3A_982, %dma_start3A_983, %dma_start3A_984, %dma_start3A_985] : memref<2x5x128x64xf32, #tpu.memory_space<vmem>> -> memref<1x1x128x64xf32, #tpu.memory_space<vmem>>
      %dma_start3A_987 = tpu.memref_squeeze %dma_start3A_986 : memref<1x1x128x64xf32, #tpu.memory_space<vmem>> -> memref<128x64xf32, #tpu.memory_space<vmem>>
      %dma_start3A_988 = arith.constant 0 : i32
      %dma_start3A_989 = arith.constant 0 : i32
      %dma_start3A_990 = tpu.memref_slice %arg4[%add3A, %add3A_981, %dma_start3A_988, %dma_start3A_989] : memref<32x80x128x64xf32, #tpu.memory_space<hbm>> -> memref<1x1x128x64xf32, #tpu.memory_space<hbm>>
      %dma_start3A_991 = tpu.memref_squeeze %dma_start3A_990 : memref<1x1x128x64xf32, #tpu.memory_space<hbm>> -> memref<128x64xf32, #tpu.memory_space<hbm>>
      %dma_start3A_992 = arith.constant 0 : i32
      %dma_start3A_993 = arith.constant 0 : i32
      %dma_start3A_994 = tpu.memref_slice %arg4[%add3A, %add3A_981, %dma_start3A_992, %dma_start3A_993] : memref<32x80x128x64xf32, #tpu.memory_space<hbm>> -> memref<1x1x128x64xf32, #tpu.memory_space<hbm>>
      %dma_start3A_995 = tpu.memref_squeeze %dma_start3A_994 : memref<1x1x128x64xf32, #tpu.memory_space<hbm>> -> memref<128x64xf32, #tpu.memory_space<hbm>>
      %dma_start3A_996 = arith.constant 0 : i32
      %dma_start3A_997 = arith.constant 0 : i32
      %dma_start3A_998 = tpu.memref_slice %arg6[%dma_start3A_982, %dma_start3A_983, %dma_start3A_996, %dma_start3A_997] : memref<2x5x128x64xf32, #tpu.memory_space<vmem>> -> memref<1x1x128x64xf32, #tpu.memory_space<vmem>>
      %dma_start3A_999 = tpu.memref_squeeze %dma_start3A_998 : memref<1x1x128x64xf32, #tpu.memory_space<vmem>> -> memref<128x64xf32, #tpu.memory_space<vmem>>
      tpu.enqueue_dma source(%dma_start3A_999 : memref<128x64xf32, #tpu.memory_space<vmem>>) target(%dma_start3A_995 : memref<128x64xf32, #tpu.memory_space<hbm>>) target_semaphore(%arg10 : memref<!tpu.dma_semaphore, #tpu.memory_space<semaphore_mem>>)
      %dma_wait3A_1000 = arith.constant 0 : i32
      %dma_wait3A_1001 = arith.constant 0 : i32
      %dma_wait3A_1002 = arith.constant 0 : i32
      %dma_wait3A_1003 = arith.constant 0 : i32
      %dma_wait3A_1004 = arith.constant 0 : i32
      %dma_wait3A_1005 = tpu.memref_slice %arg6[%dma_wait3A_1001, %dma_wait3A_1002, %dma_wait3A_1003, %dma_wait3A_1004] : memref<2x5x128x64xf32, #tpu.memory_space<vmem>> -> memref<1x1x128x64xf32, #tpu.memory_space<vmem>>
      %dma_wait3A_1006 = tpu.memref_squeeze %dma_wait3A_1005 : memref<1x1x128x64xf32, #tpu.memory_space<vmem>> -> memref<128x64xf32, #tpu.memory_space<vmem>>
      %dma_wait3A_1007 = arith.constant 0 : i32
      %dma_wait3A_1008 = tpu.memref_slice %arg5[%dma_wait3A_1000, %dma_wait3A_1007] : memref<80x128xi32, #tpu.memory_space<vmem>> -> memref<1x128xi32, #tpu.memory_space<vmem>>
      %dma_wait3A_1009 = tpu.memref_squeeze %dma_wait3A_1008 : memref<1x128xi32, #tpu.memory_space<vmem>> -> memref<128xi32, #tpu.memory_space<vmem>>
      %dma_wait3A_1010 = arith.constant 0 : i32
      %dma_wait3A_1011 = arith.constant 0 : i32
      %dma_wait3A_1012 = tpu.memref_slice %arg3[%dma_wait3A_1010, %dma_wait3A_1011] : memref<1000064x64xf32, #tpu.memory_space<hbm>> -> memref<1000064x64xf32, #tpu.memory_space<hbm>>
      tpu.wait_indirect_dma semaphore(%arg7 : memref<!tpu.dma_semaphore, #tpu.memory_space<semaphore_mem>>) src(%dma_wait3A_1012 : memref<1000064x64xf32, #tpu.memory_space<hbm>>) dst(%dma_wait3A_1006 : memref<128x64xf32, #tpu.memory_space<vmem>>)
      %dma_wait3A_1013 = arith.constant 0 : i32
      %dma_wait3A_1014 = arith.constant 0 : i32
      %dma_wait3A_1015 = arith.constant 1 : i32
      %dma_wait3A_1016 = arith.constant 0 : i32
      %dma_wait3A_1017 = arith.constant 0 : i32
      %dma_wait3A_1018 = tpu.memref_slice %arg6[%dma_wait3A_1014, %dma_wait3A_1015, %dma_wait3A_1016, %dma_wait3A_1017] : memref<2x5x128x64xf32, #tpu.memory_space<vmem>> -> memref<1x1x128x64xf32, #tpu.memory_space<vmem>>
      %dma_wait3A_1019 = tpu.memref_squeeze %dma_wait3A_1018 : memref<1x1x128x64xf32, #tpu.memory_space<vmem>> -> memref<128x64xf32, #tpu.memory_space<vmem>>
      %dma_wait3A_1020 = arith.constant 0 : i32
      %dma_wait3A_1021 = tpu.memref_slice %arg5[%dma_wait3A_1013, %dma_wait3A_1020] : memref<80x128xi32, #tpu.memory_space<vmem>> -> memref<1x128xi32, #tpu.memory_space<vmem>>
      %dma_wait3A_1022 = tpu.memref_squeeze %dma_wait3A_1021 : memref<1x128xi32, #tpu.memory_space<vmem>> -> memref<128xi32, #tpu.memory_space<vmem>>
      %dma_wait3A_1023 = arith.constant 0 : i32
      %dma_wait3A_1024 = arith.constant 0 : i32
      %dma_wait3A_1025 = tpu.memref_slice %arg3[%dma_wait3A_1023, %dma_wait3A_1024] : memref<1000064x64xf32, #tpu.memory_space<hbm>> -> memref<1000064x64xf32, #tpu.memory_space<hbm>>
      tpu.wait_indirect_dma semaphore(%arg7 : memref<!tpu.dma_semaphore, #tpu.memory_space<semaphore_mem>>) src(%dma_wait3A_1025 : memref<1000064x64xf32, #tpu.memory_space<hbm>>) dst(%dma_wait3A_1019 : memref<128x64xf32, #tpu.memory_space<vmem>>)
      %dma_wait3A_1026 = arith.constant 0 : i32
      %dma_wait3A_1027 = arith.constant 0 : i32
      %dma_wait3A_1028 = arith.constant 2 : i32
      %dma_wait3A_1029 = arith.constant 0 : i32
      %dma_wait3A_1030 = arith.constant 0 : i32
      %dma_wait3A_1031 = tpu.memref_slice %arg6[%dma_wait3A_1027, %dma_wait3A_1028, %dma_wait3A_1029, %dma_wait3A_1030] : memref<2x5x128x64xf32, #tpu.memory_space<vmem>> -> memref<1x1x128x64xf32, #tpu.memory_space<vmem>>
      %dma_wait3A_1032 = tpu.memref_squeeze %dma_wait3A_1031 : memref<1x1x128x64xf32, #tpu.memory_space<vmem>> -> memref<128x64xf32, #tpu.memory_space<vmem>>
      %dma_wait3A_1033 = arith.constant 0 : i32
      %dma_wait3A_1034 = tpu.memref_slice %arg5[%dma_wait3A_1026, %dma_wait3A_1033] : memref<80x128xi32, #tpu.memory_space<vmem>> -> memref<1x128xi32, #tpu.memory_space<vmem>>
      %dma_wait3A_1035 = tpu.memref_squeeze %dma_wait3A_1034 : memref<1x128xi32, #tpu.memory_space<vmem>> -> memref<128xi32, #tpu.memory_space<vmem>>
      %dma_wait3A_1036 = arith.constant 0 : i32
      %dma_wait3A_1037 = arith.constant 0 : i32
      %dma_wait3A_1038 = tpu.memref_slice %arg3[%dma_wait3A_1036, %dma_wait3A_1037] : memref<1000064x64xf32, #tpu.memory_space<hbm>> -> memref<1000064x64xf32, #tpu.memory_space<hbm>>
      tpu.wait_indirect_dma semaphore(%arg7 : memref<!tpu.dma_semaphore, #tpu.memory_space<semaphore_mem>>) src(%dma_wait3A_1038 : memref<1000064x64xf32, #tpu.memory_space<hbm>>) dst(%dma_wait3A_1032 : memref<128x64xf32, #tpu.memory_space<vmem>>)
      %dma_wait3A_1039 = arith.constant 0 : i32
      %dma_wait3A_1040 = arith.constant 0 : i32
      %dma_wait3A_1041 = arith.constant 3 : i32
      %dma_wait3A_1042 = arith.constant 0 : i32
      %dma_wait3A_1043 = arith.constant 0 : i32
      %dma_wait3A_1044 = tpu.memref_slice %arg6[%dma_wait3A_1040, %dma_wait3A_1041, %dma_wait3A_1042, %dma_wait3A_1043] : memref<2x5x128x64xf32, #tpu.memory_space<vmem>> -> memref<1x1x128x64xf32, #tpu.memory_space<vmem>>
      %dma_wait3A_1045 = tpu.memref_squeeze %dma_wait3A_1044 : memref<1x1x128x64xf32, #tpu.memory_space<vmem>> -> memref<128x64xf32, #tpu.memory_space<vmem>>
      %dma_wait3A_1046 = arith.constant 0 : i32
      %dma_wait3A_1047 = tpu.memref_slice %arg5[%dma_wait3A_1039, %dma_wait3A_1046] : memref<80x128xi32, #tpu.memory_space<vmem>> -> memref<1x128xi32, #tpu.memory_space<vmem>>
      %dma_wait3A_1048 = tpu.memref_squeeze %dma_wait3A_1047 : memref<1x128xi32, #tpu.memory_space<vmem>> -> memref<128xi32, #tpu.memory_space<vmem>>
      %dma_wait3A_1049 = arith.constant 0 : i32
      %dma_wait3A_1050 = arith.constant 0 : i32
      %dma_wait3A_1051 = tpu.memref_slice %arg3[%dma_wait3A_1049, %dma_wait3A_1050] : memref<1000064x64xf32, #tpu.memory_space<hbm>> -> memref<1000064x64xf32, #tpu.memory_space<hbm>>
      tpu.wait_indirect_dma semaphore(%arg7 : memref<!tpu.dma_semaphore, #tpu.memory_space<semaphore_mem>>) src(%dma_wait3A_1051 : memref<1000064x64xf32, #tpu.memory_space<hbm>>) dst(%dma_wait3A_1045 : memref<128x64xf32, #tpu.memory_space<vmem>>)
      %dma_wait3A_1052 = arith.constant 0 : i32
      %dma_wait3A_1053 = arith.constant 0 : i32
      %dma_wait3A_1054 = arith.constant 4 : i32
      %dma_wait3A_1055 = arith.constant 0 : i32
      %dma_wait3A_1056 = arith.constant 0 : i32
      %dma_wait3A_1057 = tpu.memref_slice %arg6[%dma_wait3A_1053, %dma_wait3A_1054, %dma_wait3A_1055, %dma_wait3A_1056] : memref<2x5x128x64xf32, #tpu.memory_space<vmem>> -> memref<1x1x128x64xf32, #tpu.memory_space<vmem>>
      %dma_wait3A_1058 = tpu.memref_squeeze %dma_wait3A_1057 : memref<1x1x128x64xf32, #tpu.memory_space<vmem>> -> memref<128x64xf32, #tpu.memory_space<vmem>>
      %dma_wait3A_1059 = arith.constant 0 : i32
      %dma_wait3A_1060 = tpu.memref_slice %arg5[%dma_wait3A_1052, %dma_wait3A_1059] : memref<80x128xi32, #tpu.memory_space<vmem>> -> memref<1x128xi32, #tpu.memory_space<vmem>>
      %dma_wait3A_1061 = tpu.memref_squeeze %dma_wait3A_1060 : memref<1x128xi32, #tpu.memory_space<vmem>> -> memref<128xi32, #tpu.memory_space<vmem>>
      %dma_wait3A_1062 = arith.constant 0 : i32
      %dma_wait3A_1063 = arith.constant 0 : i32
      %dma_wait3A_1064 = tpu.memref_slice %arg3[%dma_wait3A_1062, %dma_wait3A_1063] : memref<1000064x64xf32, #tpu.memory_space<hbm>> -> memref<1000064x64xf32, #tpu.memory_space<hbm>>
      tpu.wait_indirect_dma semaphore(%arg7 : memref<!tpu.dma_semaphore, #tpu.memory_space<semaphore_mem>>) src(%dma_wait3A_1064 : memref<1000064x64xf32, #tpu.memory_space<hbm>>) dst(%dma_wait3A_1058 : memref<128x64xf32, #tpu.memory_space<vmem>>)
      %dma_wait3A_1065 = arith.constant 1 : i32
      %dma_wait3A_1066 = arith.constant 0 : i32
      %dma_wait3A_1067 = arith.constant 0 : i32
      %dma_wait3A_1068 = arith.constant 0 : i32
      %dma_wait3A_1069 = arith.constant 0 : i32
      %dma_wait3A_1070 = tpu.memref_slice %arg6[%dma_wait3A_1065, %dma_wait3A_1066, %dma_wait3A_1068, %dma_wait3A_1069] : memref<2x5x128x64xf32, #tpu.memory_space<vmem>> -> memref<1x1x128x64xf32, #tpu.memory_space<vmem>>
      %dma_wait3A_1071 = tpu.memref_squeeze %dma_wait3A_1070 : memref<1x1x128x64xf32, #tpu.memory_space<vmem>> -> memref<128x64xf32, #tpu.memory_space<vmem>>
      %dma_wait3A_1072 = arith.constant 0 : i32
      %dma_wait3A_1073 = arith.constant 0 : i32
      %dma_wait3A_1074 = tpu.memref_slice %arg4[%add3A, %dma_wait3A_1067, %dma_wait3A_1072, %dma_wait3A_1073] : memref<32x80x128x64xf32, #tpu.memory_space<hbm>> -> memref<1x1x128x64xf32, #tpu.memory_space<hbm>>
      %dma_wait3A_1075 = tpu.memref_squeeze %dma_wait3A_1074 : memref<1x1x128x64xf32, #tpu.memory_space<hbm>> -> memref<128x64xf32, #tpu.memory_space<hbm>>
      %dma_wait3A_1076 = arith.constant 0 : i32
      %dma_wait3A_1077 = arith.constant 0 : i32
      %dma_wait3A_1078 = tpu.memref_slice %arg4[%add3A, %dma_wait3A_1067, %dma_wait3A_1076, %dma_wait3A_1077] : memref<32x80x128x64xf32, #tpu.memory_space<hbm>> -> memref<1x1x128x64xf32, #tpu.memory_space<hbm>>
      %dma_wait3A_1079 = tpu.memref_squeeze %dma_wait3A_1078 : memref<1x1x128x64xf32, #tpu.memory_space<hbm>> -> memref<128x64xf32, #tpu.memory_space<hbm>>
      %dma_wait3A_1080 = arith.constant 0 : i32
      %dma_wait3A_1081 = arith.constant 0 : i32
      %dma_wait3A_1082 = tpu.memref_slice %arg6[%dma_wait3A_1065, %dma_wait3A_1066, %dma_wait3A_1080, %dma_wait3A_1081] : memref<2x5x128x64xf32, #tpu.memory_space<vmem>> -> memref<1x1x128x64xf32, #tpu.memory_space<vmem>>
      %dma_wait3A_1083 = tpu.memref_squeeze %dma_wait3A_1082 : memref<1x1x128x64xf32, #tpu.memory_space<vmem>> -> memref<128x64xf32, #tpu.memory_space<vmem>>
      tpu.wait_dma2 semaphore(%arg10 : memref<!tpu.dma_semaphore, #tpu.memory_space<semaphore_mem>>) src(%dma_wait3A_1083 : memref<128x64xf32, #tpu.memory_space<vmem>>) dst(%dma_wait3A_1079 : memref<128x64xf32, #tpu.memory_space<hbm>>)
      %dma_wait3A_1084 = arith.constant 1 : i32
      %dma_wait3A_1085 = arith.constant 1 : i32
      %dma_wait3A_1086 = arith.constant 1 : i32
      %dma_wait3A_1087 = arith.constant 0 : i32
      %dma_wait3A_1088 = arith.constant 0 : i32
      %dma_wait3A_1089 = tpu.memref_slice %arg6[%dma_wait3A_1084, %dma_wait3A_1085, %dma_wait3A_1087, %dma_wait3A_1088] : memref<2x5x128x64xf32, #tpu.memory_space<vmem>> -> memref<1x1x128x64xf32, #tpu.memory_space<vmem>>
      %dma_wait3A_1090 = tpu.memref_squeeze %dma_wait3A_1089 : memref<1x1x128x64xf32, #tpu.memory_space<vmem>> -> memref<128x64xf32, #tpu.memory_space<vmem>>
      %dma_wait3A_1091 = arith.constant 0 : i32
      %dma_wait3A_1092 = arith.constant 0 : i32
      %dma_wait3A_1093 = tpu.memref_slice %arg4[%add3A, %dma_wait3A_1086, %dma_wait3A_1091, %dma_wait3A_1092] : memref<32x80x128x64xf32, #tpu.memory_space<hbm>> -> memref<1x1x128x64xf32, #tpu.memory_space<hbm>>
      %dma_wait3A_1094 = tpu.memref_squeeze %dma_wait3A_1093 : memref<1x1x128x64xf32, #tpu.memory_space<hbm>> -> memref<128x64xf32, #tpu.memory_space<hbm>>
      %dma_wait3A_1095 = arith.constant 0 : i32
      %dma_wait3A_1096 = arith.constant 0 : i32
      %dma_wait3A_1097 = tpu.memref_slice %arg4[%add3A, %dma_wait3A_1086, %dma_wait3A_1095, %dma_wait3A_1096] : memref<32x80x128x64xf32, #tpu.memory_space<hbm>> -> memref<1x1x128x64xf32, #tpu.memory_space<hbm>>
      %dma_wait3A_1098 = tpu.memref_squeeze %dma_wait3A_1097 : memref<1x1x128x64xf32, #tpu.memory_space<hbm>> -> memref<128x64xf32, #tpu.memory_space<hbm>>
      %dma_wait3A_1099 = arith.constant 0 : i32
      %dma_wait3A_1100 = arith.constant 0 : i32
      %dma_wait3A_1101 = tpu.memref_slice %arg6[%dma_wait3A_1084, %dma_wait3A_1085, %dma_wait3A_1099, %dma_wait3A_1100] : memref<2x5x128x64xf32, #tpu.memory_space<vmem>> -> memref<1x1x128x64xf32, #tpu.memory_space<vmem>>
      %dma_wait3A_1102 = tpu.memref_squeeze %dma_wait3A_1101 : memref<1x1x128x64xf32, #tpu.memory_space<vmem>> -> memref<128x64xf32, #tpu.memory_space<vmem>>
      tpu.wait_dma2 semaphore(%arg10 : memref<!tpu.dma_semaphore, #tpu.memory_space<semaphore_mem>>) src(%dma_wait3A_1102 : memref<128x64xf32, #tpu.memory_space<vmem>>) dst(%dma_wait3A_1098 : memref<128x64xf32, #tpu.memory_space<hbm>>)
      %dma_wait3A_1103 = arith.constant 1 : i32
      %dma_wait3A_1104 = arith.constant 2 : i32
      %dma_wait3A_1105 = arith.constant 2 : i32
      %dma_wait3A_1106 = arith.constant 0 : i32
      %dma_wait3A_1107 = arith.constant 0 : i32
      %dma_wait3A_1108 = tpu.memref_slice %arg6[%dma_wait3A_1103, %dma_wait3A_1104, %dma_wait3A_1106, %dma_wait3A_1107] : memref<2x5x128x64xf32, #tpu.memory_space<vmem>> -> memref<1x1x128x64xf32, #tpu.memory_space<vmem>>
      %dma_wait3A_1109 = tpu.memref_squeeze %dma_wait3A_1108 : memref<1x1x128x64xf32, #tpu.memory_space<vmem>> -> memref<128x64xf32, #tpu.memory_space<vmem>>
      %dma_wait3A_1110 = arith.constant 0 : i32
      %dma_wait3A_1111 = arith.constant 0 : i32
      %dma_wait3A_1112 = tpu.memref_slice %arg4[%add3A, %dma_wait3A_1105, %dma_wait3A_1110, %dma_wait3A_1111] : memref<32x80x128x64xf32, #tpu.memory_space<hbm>> -> memref<1x1x128x64xf32, #tpu.memory_space<hbm>>
      %dma_wait3A_1113 = tpu.memref_squeeze %dma_wait3A_1112 : memref<1x1x128x64xf32, #tpu.memory_space<hbm>> -> memref<128x64xf32, #tpu.memory_space<hbm>>
      %dma_wait3A_1114 = arith.constant 0 : i32
      %dma_wait3A_1115 = arith.constant 0 : i32
      %dma_wait3A_1116 = tpu.memref_slice %arg4[%add3A, %dma_wait3A_1105, %dma_wait3A_1114, %dma_wait3A_1115] : memref<32x80x128x64xf32, #tpu.memory_space<hbm>> -> memref<1x1x128x64xf32, #tpu.memory_space<hbm>>
      %dma_wait3A_1117 = tpu.memref_squeeze %dma_wait3A_1116 : memref<1x1x128x64xf32, #tpu.memory_space<hbm>> -> memref<128x64xf32, #tpu.memory_space<hbm>>
      %dma_wait3A_1118 = arith.constant 0 : i32
      %dma_wait3A_1119 = arith.constant 0 : i32
      %dma_wait3A_1120 = tpu.memref_slice %arg6[%dma_wait3A_1103, %dma_wait3A_1104, %dma_wait3A_1118, %dma_wait3A_1119] : memref<2x5x128x64xf32, #tpu.memory_space<vmem>> -> memref<1x1x128x64xf32, #tpu.memory_space<vmem>>
      %dma_wait3A_1121 = tpu.memref_squeeze %dma_wait3A_1120 : memref<1x1x128x64xf32, #tpu.memory_space<vmem>> -> memref<128x64xf32, #tpu.memory_space<vmem>>
      tpu.wait_dma2 semaphore(%arg10 : memref<!tpu.dma_semaphore, #tpu.memory_space<semaphore_mem>>) src(%dma_wait3A_1121 : memref<128x64xf32, #tpu.memory_space<vmem>>) dst(%dma_wait3A_1117 : memref<128x64xf32, #tpu.memory_space<hbm>>)
      %dma_wait3A_1122 = arith.constant 1 : i32
      %dma_wait3A_1123 = arith.constant 3 : i32
      %dma_wait3A_1124 = arith.constant 3 : i32
      %dma_wait3A_1125 = arith.constant 0 : i32
      %dma_wait3A_1126 = arith.constant 0 : i32
      %dma_wait3A_1127 = tpu.memref_slice %arg6[%dma_wait3A_1122, %dma_wait3A_1123, %dma_wait3A_1125, %dma_wait3A_1126] : memref<2x5x128x64xf32, #tpu.memory_space<vmem>> -> memref<1x1x128x64xf32, #tpu.memory_space<vmem>>
      %dma_wait3A_1128 = tpu.memref_squeeze %dma_wait3A_1127 : memref<1x1x128x64xf32, #tpu.memory_space<vmem>> -> memref<128x64xf32, #tpu.memory_space<vmem>>
      %dma_wait3A_1129 = arith.constant 0 : i32
      %dma_wait3A_1130 = arith.constant 0 : i32
      %dma_wait3A_1131 = tpu.memref_slice %arg4[%add3A, %dma_wait3A_1124, %dma_wait3A_1129, %dma_wait3A_1130] : memref<32x80x128x64xf32, #tpu.memory_space<hbm>> -> memref<1x1x128x64xf32, #tpu.memory_space<hbm>>
      %dma_wait3A_1132 = tpu.memref_squeeze %dma_wait3A_1131 : memref<1x1x128x64xf32, #tpu.memory_space<hbm>> -> memref<128x64xf32, #tpu.memory_space<hbm>>
      %dma_wait3A_1133 = arith.constant 0 : i32
      %dma_wait3A_1134 = arith.constant 0 : i32
      %dma_wait3A_1135 = tpu.memref_slice %arg4[%add3A, %dma_wait3A_1124, %dma_wait3A_1133, %dma_wait3A_1134] : memref<32x80x128x64xf32, #tpu.memory_space<hbm>> -> memref<1x1x128x64xf32, #tpu.memory_space<hbm>>
      %dma_wait3A_1136 = tpu.memref_squeeze %dma_wait3A_1135 : memref<1x1x128x64xf32, #tpu.memory_space<hbm>> -> memref<128x64xf32, #tpu.memory_space<hbm>>
      %dma_wait3A_1137 = arith.constant 0 : i32
      %dma_wait3A_1138 = arith.constant 0 : i32
      %dma_wait3A_1139 = tpu.memref_slice %arg6[%dma_wait3A_1122, %dma_wait3A_1123, %dma_wait3A_1137, %dma_wait3A_1138] : memref<2x5x128x64xf32, #tpu.memory_space<vmem>> -> memref<1x1x128x64xf32, #tpu.memory_space<vmem>>
      %dma_wait3A_1140 = tpu.memref_squeeze %dma_wait3A_1139 : memref<1x1x128x64xf32, #tpu.memory_space<vmem>> -> memref<128x64xf32, #tpu.memory_space<vmem>>
      tpu.wait_dma2 semaphore(%arg10 : memref<!tpu.dma_semaphore, #tpu.memory_space<semaphore_mem>>) src(%dma_wait3A_1140 : memref<128x64xf32, #tpu.memory_space<vmem>>) dst(%dma_wait3A_1136 : memref<128x64xf32, #tpu.memory_space<hbm>>)
      %dma_wait3A_1141 = arith.constant 1 : i32
      %dma_wait3A_1142 = arith.constant 4 : i32
      %dma_wait3A_1143 = arith.constant 4 : i32
      %dma_wait3A_1144 = arith.constant 0 : i32
      %dma_wait3A_1145 = arith.constant 0 : i32
      %dma_wait3A_1146 = tpu.memref_slice %arg6[%dma_wait3A_1141, %dma_wait3A_1142, %dma_wait3A_1144, %dma_wait3A_1145] : memref<2x5x128x64xf32, #tpu.memory_space<vmem>> -> memref<1x1x128x64xf32, #tpu.memory_space<vmem>>
      %dma_wait3A_1147 = tpu.memref_squeeze %dma_wait3A_1146 : memref<1x1x128x64xf32, #tpu.memory_space<vmem>> -> memref<128x64xf32, #tpu.memory_space<vmem>>
      %dma_wait3A_1148 = arith.constant 0 : i32
      %dma_wait3A_1149 = arith.constant 0 : i32
      %dma_wait3A_1150 = tpu.memref_slice %arg4[%add3A, %dma_wait3A_1143, %dma_wait3A_1148, %dma_wait3A_1149] : memref<32x80x128x64xf32, #tpu.memory_space<hbm>> -> memref<1x1x128x64xf32, #tpu.memory_space<hbm>>
      %dma_wait3A_1151 = tpu.memref_squeeze %dma_wait3A_1150 : memref<1x1x128x64xf32, #tpu.memory_space<hbm>> -> memref<128x64xf32, #tpu.memory_space<hbm>>
      %dma_wait3A_1152 = arith.constant 0 : i32
      %dma_wait3A_1153 = arith.constant 0 : i32
      %dma_wait3A_1154 = tpu.memref_slice %arg4[%add3A, %dma_wait3A_1143, %dma_wait3A_1152, %dma_wait3A_1153] : memref<32x80x128x64xf32, #tpu.memory_space<hbm>> -> memref<1x1x128x64xf32, #tpu.memory_space<hbm>>
      %dma_wait3A_1155 = tpu.memref_squeeze %dma_wait3A_1154 : memref<1x1x128x64xf32, #tpu.memory_space<hbm>> -> memref<128x64xf32, #tpu.memory_space<hbm>>
      %dma_wait3A_1156 = arith.constant 0 : i32
      %dma_wait3A_1157 = arith.constant 0 : i32
      %dma_wait3A_1158 = tpu.memref_slice %arg6[%dma_wait3A_1141, %dma_wait3A_1142, %dma_wait3A_1156, %dma_wait3A_1157] : memref<2x5x128x64xf32, #tpu.memory_space<vmem>> -> memref<1x1x128x64xf32, #tpu.memory_space<vmem>>
      %dma_wait3A_1159 = tpu.memref_squeeze %dma_wait3A_1158 : memref<1x1x128x64xf32, #tpu.memory_space<vmem>> -> memref<128x64xf32, #tpu.memory_space<vmem>>
      tpu.wait_dma2 semaphore(%arg10 : memref<!tpu.dma_semaphore, #tpu.memory_space<semaphore_mem>>) src(%dma_wait3A_1159 : memref<128x64xf32, #tpu.memory_space<vmem>>) dst(%dma_wait3A_1155 : memref<128x64xf32, #tpu.memory_space<hbm>>)
      %add3A_1160 = arith.constant 2 : i32
      %add3A_1161 = arith.addi %add3A_647, %add3A_1160 : i32
      %mul3A_1162 = arith.constant 5 : i32
      %mul3A_1163 = arith.muli %add3A_1161, %mul3A_1162 : i32
      %add3A_1164 = arith.constant 0 : i32
      %add3A_1165 = arith.addi %mul3A_1163, %add3A_1164 : i32
      %dma_start3A_1166 = arith.constant 1 : i32
      %dma_start3A_1167 = arith.constant 0 : i32
      %dma_start3A_1168 = arith.constant 0 : i32
      %dma_start3A_1169 = arith.constant 0 : i32
      %dma_start3A_1170 = tpu.memref_slice %arg6[%dma_start3A_1166, %dma_start3A_1167, %dma_start3A_1168, %dma_start3A_1169] : memref<2x5x128x64xf32, #tpu.memory_space<vmem>> -> memref<1x1x128x64xf32, #tpu.memory_space<vmem>>
      %dma_start3A_1171 = tpu.memref_squeeze %dma_start3A_1170 : memref<1x1x128x64xf32, #tpu.memory_space<vmem>> -> memref<128x64xf32, #tpu.memory_space<vmem>>
      %dma_start3A_1172 = arith.constant 0 : i32
      %dma_start3A_1173 = tpu.memref_slice %arg5[%add3A_1165, %dma_start3A_1172] : memref<80x128xi32, #tpu.memory_space<vmem>> -> memref<1x128xi32, #tpu.memory_space<vmem>>
      %dma_start3A_1174 = tpu.memref_squeeze %dma_start3A_1173 : memref<1x128xi32, #tpu.memory_space<vmem>> -> memref<128xi32, #tpu.memory_space<vmem>>
      %dma_start3A_1175 = arith.constant 0 : i32
      %dma_start3A_1176 = arith.constant 0 : i32
      %dma_start3A_1177 = tpu.memref_slice %arg3[%dma_start3A_1175, %dma_start3A_1176] : memref<1000064x64xf32, #tpu.memory_space<hbm>> -> memref<1000064x64xf32, #tpu.memory_space<hbm>>
      tpu.enqueue_indirect_dma source(%dma_start3A_1177 : memref<1000064x64xf32, #tpu.memory_space<hbm>>) target(%dma_start3A_1171 : memref<128x64xf32, #tpu.memory_space<vmem>>) offsets(%dma_start3A_1174 : memref<128xi32, #tpu.memory_space<vmem>>) semaphore(%arg8 : memref<!tpu.dma_semaphore, #tpu.memory_space<semaphore_mem>>)
      %mul3A_1178 = arith.constant 5 : i32
      %mul3A_1179 = arith.muli %add3A_1161, %mul3A_1178 : i32
      %add3A_1180 = arith.constant 1 : i32
      %add3A_1181 = arith.addi %mul3A_1179, %add3A_1180 : i32
      %dma_start3A_1182 = arith.constant 1 : i32
      %dma_start3A_1183 = arith.constant 1 : i32
      %dma_start3A_1184 = arith.constant 0 : i32
      %dma_start3A_1185 = arith.constant 0 : i32
      %dma_start3A_1186 = tpu.memref_slice %arg6[%dma_start3A_1182, %dma_start3A_1183, %dma_start3A_1184, %dma_start3A_1185] : memref<2x5x128x64xf32, #tpu.memory_space<vmem>> -> memref<1x1x128x64xf32, #tpu.memory_space<vmem>>
      %dma_start3A_1187 = tpu.memref_squeeze %dma_start3A_1186 : memref<1x1x128x64xf32, #tpu.memory_space<vmem>> -> memref<128x64xf32, #tpu.memory_space<vmem>>
      %dma_start3A_1188 = arith.constant 0 : i32
      %dma_start3A_1189 = tpu.memref_slice %arg5[%add3A_1181, %dma_start3A_1188] : memref<80x128xi32, #tpu.memory_space<vmem>> -> memref<1x128xi32, #tpu.memory_space<vmem>>
      %dma_start3A_1190 = tpu.memref_squeeze %dma_start3A_1189 : memref<1x128xi32, #tpu.memory_space<vmem>> -> memref<128xi32, #tpu.memory_space<vmem>>
      %dma_start3A_1191 = arith.constant 0 : i32
      %dma_start3A_1192 = arith.constant 0 : i32
      %dma_start3A_1193 = tpu.memref_slice %arg3[%dma_start3A_1191, %dma_start3A_1192] : memref<1000064x64xf32, #tpu.memory_space<hbm>> -> memref<1000064x64xf32, #tpu.memory_space<hbm>>
      tpu.enqueue_indirect_dma source(%dma_start3A_1193 : memref<1000064x64xf32, #tpu.memory_space<hbm>>) target(%dma_start3A_1187 : memref<128x64xf32, #tpu.memory_space<vmem>>) offsets(%dma_start3A_1190 : memref<128xi32, #tpu.memory_space<vmem>>) semaphore(%arg8 : memref<!tpu.dma_semaphore, #tpu.memory_space<semaphore_mem>>)
      %mul3A_1194 = arith.constant 5 : i32
      %mul3A_1195 = arith.muli %add3A_1161, %mul3A_1194 : i32
      %add3A_1196 = arith.constant 2 : i32
      %add3A_1197 = arith.addi %mul3A_1195, %add3A_1196 : i32
      %dma_start3A_1198 = arith.constant 1 : i32
      %dma_start3A_1199 = arith.constant 2 : i32
      %dma_start3A_1200 = arith.constant 0 : i32
      %dma_start3A_1201 = arith.constant 0 : i32
      %dma_start3A_1202 = tpu.memref_slice %arg6[%dma_start3A_1198, %dma_start3A_1199, %dma_start3A_1200, %dma_start3A_1201] : memref<2x5x128x64xf32, #tpu.memory_space<vmem>> -> memref<1x1x128x64xf32, #tpu.memory_space<vmem>>
      %dma_start3A_1203 = tpu.memref_squeeze %dma_start3A_1202 : memref<1x1x128x64xf32, #tpu.memory_space<vmem>> -> memref<128x64xf32, #tpu.memory_space<vmem>>
      %dma_start3A_1204 = arith.constant 0 : i32
      %dma_start3A_1205 = tpu.memref_slice %arg5[%add3A_1197, %dma_start3A_1204] : memref<80x128xi32, #tpu.memory_space<vmem>> -> memref<1x128xi32, #tpu.memory_space<vmem>>
      %dma_start3A_1206 = tpu.memref_squeeze %dma_start3A_1205 : memref<1x128xi32, #tpu.memory_space<vmem>> -> memref<128xi32, #tpu.memory_space<vmem>>
      %dma_start3A_1207 = arith.constant 0 : i32
      %dma_start3A_1208 = arith.constant 0 : i32
      %dma_start3A_1209 = tpu.memref_slice %arg3[%dma_start3A_1207, %dma_start3A_1208] : memref<1000064x64xf32, #tpu.memory_space<hbm>> -> memref<1000064x64xf32, #tpu.memory_space<hbm>>
      tpu.enqueue_indirect_dma source(%dma_start3A_1209 : memref<1000064x64xf32, #tpu.memory_space<hbm>>) target(%dma_start3A_1203 : memref<128x64xf32, #tpu.memory_space<vmem>>) offsets(%dma_start3A_1206 : memref<128xi32, #tpu.memory_space<vmem>>) semaphore(%arg8 : memref<!tpu.dma_semaphore, #tpu.memory_space<semaphore_mem>>)
      %mul3A_1210 = arith.constant 5 : i32
      %mul3A_1211 = arith.muli %add3A_1161, %mul3A_1210 : i32
      %add3A_1212 = arith.constant 3 : i32
      %add3A_1213 = arith.addi %mul3A_1211, %add3A_1212 : i32
      %dma_start3A_1214 = arith.constant 1 : i32
      %dma_start3A_1215 = arith.constant 3 : i32
      %dma_start3A_1216 = arith.constant 0 : i32
      %dma_start3A_1217 = arith.constant 0 : i32
      %dma_start3A_1218 = tpu.memref_slice %arg6[%dma_start3A_1214, %dma_start3A_1215, %dma_start3A_1216, %dma_start3A_1217] : memref<2x5x128x64xf32, #tpu.memory_space<vmem>> -> memref<1x1x128x64xf32, #tpu.memory_space<vmem>>
      %dma_start3A_1219 = tpu.memref_squeeze %dma_start3A_1218 : memref<1x1x128x64xf32, #tpu.memory_space<vmem>> -> memref<128x64xf32, #tpu.memory_space<vmem>>
      %dma_start3A_1220 = arith.constant 0 : i32
      %dma_start3A_1221 = tpu.memref_slice %arg5[%add3A_1213, %dma_start3A_1220] : memref<80x128xi32, #tpu.memory_space<vmem>> -> memref<1x128xi32, #tpu.memory_space<vmem>>
      %dma_start3A_1222 = tpu.memref_squeeze %dma_start3A_1221 : memref<1x128xi32, #tpu.memory_space<vmem>> -> memref<128xi32, #tpu.memory_space<vmem>>
      %dma_start3A_1223 = arith.constant 0 : i32
      %dma_start3A_1224 = arith.constant 0 : i32
      %dma_start3A_1225 = tpu.memref_slice %arg3[%dma_start3A_1223, %dma_start3A_1224] : memref<1000064x64xf32, #tpu.memory_space<hbm>> -> memref<1000064x64xf32, #tpu.memory_space<hbm>>
      tpu.enqueue_indirect_dma source(%dma_start3A_1225 : memref<1000064x64xf32, #tpu.memory_space<hbm>>) target(%dma_start3A_1219 : memref<128x64xf32, #tpu.memory_space<vmem>>) offsets(%dma_start3A_1222 : memref<128xi32, #tpu.memory_space<vmem>>) semaphore(%arg8 : memref<!tpu.dma_semaphore, #tpu.memory_space<semaphore_mem>>)
      %mul3A_1226 = arith.constant 5 : i32
      %mul3A_1227 = arith.muli %add3A_1161, %mul3A_1226 : i32
      %add3A_1228 = arith.constant 4 : i32
      %add3A_1229 = arith.addi %mul3A_1227, %add3A_1228 : i32
      %dma_start3A_1230 = arith.constant 1 : i32
      %dma_start3A_1231 = arith.constant 4 : i32
      %dma_start3A_1232 = arith.constant 0 : i32
      %dma_start3A_1233 = arith.constant 0 : i32
      %dma_start3A_1234 = tpu.memref_slice %arg6[%dma_start3A_1230, %dma_start3A_1231, %dma_start3A_1232, %dma_start3A_1233] : memref<2x5x128x64xf32, #tpu.memory_space<vmem>> -> memref<1x1x128x64xf32, #tpu.memory_space<vmem>>
      %dma_start3A_1235 = tpu.memref_squeeze %dma_start3A_1234 : memref<1x1x128x64xf32, #tpu.memory_space<vmem>> -> memref<128x64xf32, #tpu.memory_space<vmem>>
      %dma_start3A_1236 = arith.constant 0 : i32
      %dma_start3A_1237 = tpu.memref_slice %arg5[%add3A_1229, %dma_start3A_1236] : memref<80x128xi32, #tpu.memory_space<vmem>> -> memref<1x128xi32, #tpu.memory_space<vmem>>
      %dma_start3A_1238 = tpu.memref_squeeze %dma_start3A_1237 : memref<1x128xi32, #tpu.memory_space<vmem>> -> memref<128xi32, #tpu.memory_space<vmem>>
      %dma_start3A_1239 = arith.constant 0 : i32
      %dma_start3A_1240 = arith.constant 0 : i32
      %dma_start3A_1241 = tpu.memref_slice %arg3[%dma_start3A_1239, %dma_start3A_1240] : memref<1000064x64xf32, #tpu.memory_space<hbm>> -> memref<1000064x64xf32, #tpu.memory_space<hbm>>
      tpu.enqueue_indirect_dma source(%dma_start3A_1241 : memref<1000064x64xf32, #tpu.memory_space<hbm>>) target(%dma_start3A_1235 : memref<128x64xf32, #tpu.memory_space<vmem>>) offsets(%dma_start3A_1238 : memref<128xi32, #tpu.memory_space<vmem>>) semaphore(%arg8 : memref<!tpu.dma_semaphore, #tpu.memory_space<semaphore_mem>>)
      %add3A_1242 = arith.constant 1 : i32
      %add3A_1243 = arith.addi %add3A_647, %add3A_1242 : i32
      %mul3A_1244 = arith.constant 5 : i32
      %mul3A_1245 = arith.muli %add3A_1243, %mul3A_1244 : i32
      %add3A_1246 = arith.constant 0 : i32
      %add3A_1247 = arith.addi %mul3A_1245, %add3A_1246 : i32
      %dma_start3A_1248 = arith.constant 0 : i32
      %dma_start3A_1249 = arith.constant 0 : i32
      %dma_start3A_1250 = arith.constant 0 : i32
      %dma_start3A_1251 = arith.constant 0 : i32
      %dma_start3A_1252 = tpu.memref_slice %arg6[%dma_start3A_1248, %dma_start3A_1249, %dma_start3A_1250, %dma_start3A_1251] : memref<2x5x128x64xf32, #tpu.memory_space<vmem>> -> memref<1x1x128x64xf32, #tpu.memory_space<vmem>>
      %dma_start3A_1253 = tpu.memref_squeeze %dma_start3A_1252 : memref<1x1x128x64xf32, #tpu.memory_space<vmem>> -> memref<128x64xf32, #tpu.memory_space<vmem>>
      %dma_start3A_1254 = arith.constant 0 : i32
      %dma_start3A_1255 = arith.constant 0 : i32
      %dma_start3A_1256 = tpu.memref_slice %arg4[%add3A, %add3A_1247, %dma_start3A_1254, %dma_start3A_1255] : memref<32x80x128x64xf32, #tpu.memory_space<hbm>> -> memref<1x1x128x64xf32, #tpu.memory_space<hbm>>
      %dma_start3A_1257 = tpu.memref_squeeze %dma_start3A_1256 : memref<1x1x128x64xf32, #tpu.memory_space<hbm>> -> memref<128x64xf32, #tpu.memory_space<hbm>>
      %dma_start3A_1258 = arith.constant 0 : i32
      %dma_start3A_1259 = arith.constant 0 : i32
      %dma_start3A_1260 = tpu.memref_slice %arg4[%add3A, %add3A_1247, %dma_start3A_1258, %dma_start3A_1259] : memref<32x80x128x64xf32, #tpu.memory_space<hbm>> -> memref<1x1x128x64xf32, #tpu.memory_space<hbm>>
      %dma_start3A_1261 = tpu.memref_squeeze %dma_start3A_1260 : memref<1x1x128x64xf32, #tpu.memory_space<hbm>> -> memref<128x64xf32, #tpu.memory_space<hbm>>
      %dma_start3A_1262 = arith.constant 0 : i32
      %dma_start3A_1263 = arith.constant 0 : i32
      %dma_start3A_1264 = tpu.memref_slice %arg6[%dma_start3A_1248, %dma_start3A_1249, %dma_start3A_1262, %dma_start3A_1263] : memref<2x5x128x64xf32, #tpu.memory_space<vmem>> -> memref<1x1x128x64xf32, #tpu.memory_space<vmem>>
      %dma_start3A_1265 = tpu.memref_squeeze %dma_start3A_1264 : memref<1x1x128x64xf32, #tpu.memory_space<vmem>> -> memref<128x64xf32, #tpu.memory_space<vmem>>
      tpu.enqueue_dma source(%dma_start3A_1265 : memref<128x64xf32, #tpu.memory_space<vmem>>) target(%dma_start3A_1261 : memref<128x64xf32, #tpu.memory_space<hbm>>) target_semaphore(%arg9 : memref<!tpu.dma_semaphore, #tpu.memory_space<semaphore_mem>>)
      %mul3A_1266 = arith.constant 5 : i32
      %mul3A_1267 = arith.muli %add3A_1243, %mul3A_1266 : i32
      %add3A_1268 = arith.constant 1 : i32
      %add3A_1269 = arith.addi %mul3A_1267, %add3A_1268 : i32
      %dma_start3A_1270 = arith.constant 0 : i32
      %dma_start3A_1271 = arith.constant 1 : i32
      %dma_start3A_1272 = arith.constant 0 : i32
      %dma_start3A_1273 = arith.constant 0 : i32
      %dma_start3A_1274 = tpu.memref_slice %arg6[%dma_start3A_1270, %dma_start3A_1271, %dma_start3A_1272, %dma_start3A_1273] : memref<2x5x128x64xf32, #tpu.memory_space<vmem>> -> memref<1x1x128x64xf32, #tpu.memory_space<vmem>>
      %dma_start3A_1275 = tpu.memref_squeeze %dma_start3A_1274 : memref<1x1x128x64xf32, #tpu.memory_space<vmem>> -> memref<128x64xf32, #tpu.memory_space<vmem>>
      %dma_start3A_1276 = arith.constant 0 : i32
      %dma_start3A_1277 = arith.constant 0 : i32
      %dma_start3A_1278 = tpu.memref_slice %arg4[%add3A, %add3A_1269, %dma_start3A_1276, %dma_start3A_1277] : memref<32x80x128x64xf32, #tpu.memory_space<hbm>> -> memref<1x1x128x64xf32, #tpu.memory_space<hbm>>
      %dma_start3A_1279 = tpu.memref_squeeze %dma_start3A_1278 : memref<1x1x128x64xf32, #tpu.memory_space<hbm>> -> memref<128x64xf32, #tpu.memory_space<hbm>>
      %dma_start3A_1280 = arith.constant 0 : i32
      %dma_start3A_1281 = arith.constant 0 : i32
      %dma_start3A_1282 = tpu.memref_slice %arg4[%add3A, %add3A_1269, %dma_start3A_1280, %dma_start3A_1281] : memref<32x80x128x64xf32, #tpu.memory_space<hbm>> -> memref<1x1x128x64xf32, #tpu.memory_space<hbm>>
      %dma_start3A_1283 = tpu.memref_squeeze %dma_start3A_1282 : memref<1x1x128x64xf32, #tpu.memory_space<hbm>> -> memref<128x64xf32, #tpu.memory_space<hbm>>
      %dma_start3A_1284 = arith.constant 0 : i32
      %dma_start3A_1285 = arith.constant 0 : i32
      %dma_start3A_1286 = tpu.memref_slice %arg6[%dma_start3A_1270, %dma_start3A_1271, %dma_start3A_1284, %dma_start3A_1285] : memref<2x5x128x64xf32, #tpu.memory_space<vmem>> -> memref<1x1x128x64xf32, #tpu.memory_space<vmem>>
      %dma_start3A_1287 = tpu.memref_squeeze %dma_start3A_1286 : memref<1x1x128x64xf32, #tpu.memory_space<vmem>> -> memref<128x64xf32, #tpu.memory_space<vmem>>
      tpu.enqueue_dma source(%dma_start3A_1287 : memref<128x64xf32, #tpu.memory_space<vmem>>) target(%dma_start3A_1283 : memref<128x64xf32, #tpu.memory_space<hbm>>) target_semaphore(%arg9 : memref<!tpu.dma_semaphore, #tpu.memory_space<semaphore_mem>>)
      %mul3A_1288 = arith.constant 5 : i32
      %mul3A_1289 = arith.muli %add3A_1243, %mul3A_1288 : i32
      %add3A_1290 = arith.constant 2 : i32
      %add3A_1291 = arith.addi %mul3A_1289, %add3A_1290 : i32
      %dma_start3A_1292 = arith.constant 0 : i32
      %dma_start3A_1293 = arith.constant 2 : i32
      %dma_start3A_1294 = arith.constant 0 : i32
      %dma_start3A_1295 = arith.constant 0 : i32
      %dma_start3A_1296 = tpu.memref_slice %arg6[%dma_start3A_1292, %dma_start3A_1293, %dma_start3A_1294, %dma_start3A_1295] : memref<2x5x128x64xf32, #tpu.memory_space<vmem>> -> memref<1x1x128x64xf32, #tpu.memory_space<vmem>>
      %dma_start3A_1297 = tpu.memref_squeeze %dma_start3A_1296 : memref<1x1x128x64xf32, #tpu.memory_space<vmem>> -> memref<128x64xf32, #tpu.memory_space<vmem>>
      %dma_start3A_1298 = arith.constant 0 : i32
      %dma_start3A_1299 = arith.constant 0 : i32
      %dma_start3A_1300 = tpu.memref_slice %arg4[%add3A, %add3A_1291, %dma_start3A_1298, %dma_start3A_1299] : memref<32x80x128x64xf32, #tpu.memory_space<hbm>> -> memref<1x1x128x64xf32, #tpu.memory_space<hbm>>
      %dma_start3A_1301 = tpu.memref_squeeze %dma_start3A_1300 : memref<1x1x128x64xf32, #tpu.memory_space<hbm>> -> memref<128x64xf32, #tpu.memory_space<hbm>>
      %dma_start3A_1302 = arith.constant 0 : i32
      %dma_start3A_1303 = arith.constant 0 : i32
      %dma_start3A_1304 = tpu.memref_slice %arg4[%add3A, %add3A_1291, %dma_start3A_1302, %dma_start3A_1303] : memref<32x80x128x64xf32, #tpu.memory_space<hbm>> -> memref<1x1x128x64xf32, #tpu.memory_space<hbm>>
      %dma_start3A_1305 = tpu.memref_squeeze %dma_start3A_1304 : memref<1x1x128x64xf32, #tpu.memory_space<hbm>> -> memref<128x64xf32, #tpu.memory_space<hbm>>
      %dma_start3A_1306 = arith.constant 0 : i32
      %dma_start3A_1307 = arith.constant 0 : i32
      %dma_start3A_1308 = tpu.memref_slice %arg6[%dma_start3A_1292, %dma_start3A_1293, %dma_start3A_1306, %dma_start3A_1307] : memref<2x5x128x64xf32, #tpu.memory_space<vmem>> -> memref<1x1x128x64xf32, #tpu.memory_space<vmem>>
      %dma_start3A_1309 = tpu.memref_squeeze %dma_start3A_1308 : memref<1x1x128x64xf32, #tpu.memory_space<vmem>> -> memref<128x64xf32, #tpu.memory_space<vmem>>
      tpu.enqueue_dma source(%dma_start3A_1309 : memref<128x64xf32, #tpu.memory_space<vmem>>) target(%dma_start3A_1305 : memref<128x64xf32, #tpu.memory_space<hbm>>) target_semaphore(%arg9 : memref<!tpu.dma_semaphore, #tpu.memory_space<semaphore_mem>>)
      %mul3A_1310 = arith.constant 5 : i32
      %mul3A_1311 = arith.muli %add3A_1243, %mul3A_1310 : i32
      %add3A_1312 = arith.constant 3 : i32
      %add3A_1313 = arith.addi %mul3A_1311, %add3A_1312 : i32
      %dma_start3A_1314 = arith.constant 0 : i32
      %dma_start3A_1315 = arith.constant 3 : i32
      %dma_start3A_1316 = arith.constant 0 : i32
      %dma_start3A_1317 = arith.constant 0 : i32
      %dma_start3A_1318 = tpu.memref_slice %arg6[%dma_start3A_1314, %dma_start3A_1315, %dma_start3A_1316, %dma_start3A_1317] : memref<2x5x128x64xf32, #tpu.memory_space<vmem>> -> memref<1x1x128x64xf32, #tpu.memory_space<vmem>>
      %dma_start3A_1319 = tpu.memref_squeeze %dma_start3A_1318 : memref<1x1x128x64xf32, #tpu.memory_space<vmem>> -> memref<128x64xf32, #tpu.memory_space<vmem>>
      %dma_start3A_1320 = arith.constant 0 : i32
      %dma_start3A_1321 = arith.constant 0 : i32
      %dma_start3A_1322 = tpu.memref_slice %arg4[%add3A, %add3A_1313, %dma_start3A_1320, %dma_start3A_1321] : memref<32x80x128x64xf32, #tpu.memory_space<hbm>> -> memref<1x1x128x64xf32, #tpu.memory_space<hbm>>
      %dma_start3A_1323 = tpu.memref_squeeze %dma_start3A_1322 : memref<1x1x128x64xf32, #tpu.memory_space<hbm>> -> memref<128x64xf32, #tpu.memory_space<hbm>>
      %dma_start3A_1324 = arith.constant 0 : i32
      %dma_start3A_1325 = arith.constant 0 : i32
      %dma_start3A_1326 = tpu.memref_slice %arg4[%add3A, %add3A_1313, %dma_start3A_1324, %dma_start3A_1325] : memref<32x80x128x64xf32, #tpu.memory_space<hbm>> -> memref<1x1x128x64xf32, #tpu.memory_space<hbm>>
      %dma_start3A_1327 = tpu.memref_squeeze %dma_start3A_1326 : memref<1x1x128x64xf32, #tpu.memory_space<hbm>> -> memref<128x64xf32, #tpu.memory_space<hbm>>
      %dma_start3A_1328 = arith.constant 0 : i32
      %dma_start3A_1329 = arith.constant 0 : i32
      %dma_start3A_1330 = tpu.memref_slice %arg6[%dma_start3A_1314, %dma_start3A_1315, %dma_start3A_1328, %dma_start3A_1329] : memref<2x5x128x64xf32, #tpu.memory_space<vmem>> -> memref<1x1x128x64xf32, #tpu.memory_space<vmem>>
      %dma_start3A_1331 = tpu.memref_squeeze %dma_start3A_1330 : memref<1x1x128x64xf32, #tpu.memory_space<vmem>> -> memref<128x64xf32, #tpu.memory_space<vmem>>
      tpu.enqueue_dma source(%dma_start3A_1331 : memref<128x64xf32, #tpu.memory_space<vmem>>) target(%dma_start3A_1327 : memref<128x64xf32, #tpu.memory_space<hbm>>) target_semaphore(%arg9 : memref<!tpu.dma_semaphore, #tpu.memory_space<semaphore_mem>>)
      %mul3A_1332 = arith.constant 5 : i32
      %mul3A_1333 = arith.muli %add3A_1243, %mul3A_1332 : i32
      %add3A_1334 = arith.constant 4 : i32
      %add3A_1335 = arith.addi %mul3A_1333, %add3A_1334 : i32
      %dma_start3A_1336 = arith.constant 0 : i32
      %dma_start3A_1337 = arith.constant 4 : i32
      %dma_start3A_1338 = arith.constant 0 : i32
      %dma_start3A_1339 = arith.constant 0 : i32
      %dma_start3A_1340 = tpu.memref_slice %arg6[%dma_start3A_1336, %dma_start3A_1337, %dma_start3A_1338, %dma_start3A_1339] : memref<2x5x128x64xf32, #tpu.memory_space<vmem>> -> memref<1x1x128x64xf32, #tpu.memory_space<vmem>>
      %dma_start3A_1341 = tpu.memref_squeeze %dma_start3A_1340 : memref<1x1x128x64xf32, #tpu.memory_space<vmem>> -> memref<128x64xf32, #tpu.memory_space<vmem>>
      %dma_start3A_1342 = arith.constant 0 : i32
      %dma_start3A_1343 = arith.constant 0 : i32
      %dma_start3A_1344 = tpu.memref_slice %arg4[%add3A, %add3A_1335, %dma_start3A_1342, %dma_start3A_1343] : memref<32x80x128x64xf32, #tpu.memory_space<hbm>> -> memref<1x1x128x64xf32, #tpu.memory_space<hbm>>
      %dma_start3A_1345 = tpu.memref_squeeze %dma_start3A_1344 : memref<1x1x128x64xf32, #tpu.memory_space<hbm>> -> memref<128x64xf32, #tpu.memory_space<hbm>>
      %dma_start3A_1346 = arith.constant 0 : i32
      %dma_start3A_1347 = arith.constant 0 : i32
      %dma_start3A_1348 = tpu.memref_slice %arg4[%add3A, %add3A_1335, %dma_start3A_1346, %dma_start3A_1347] : memref<32x80x128x64xf32, #tpu.memory_space<hbm>> -> memref<1x1x128x64xf32, #tpu.memory_space<hbm>>
      %dma_start3A_1349 = tpu.memref_squeeze %dma_start3A_1348 : memref<1x1x128x64xf32, #tpu.memory_space<hbm>> -> memref<128x64xf32, #tpu.memory_space<hbm>>
      %dma_start3A_1350 = arith.constant 0 : i32
      %dma_start3A_1351 = arith.constant 0 : i32
      %dma_start3A_1352 = tpu.memref_slice %arg6[%dma_start3A_1336, %dma_start3A_1337, %dma_start3A_1350, %dma_start3A_1351] : memref<2x5x128x64xf32, #tpu.memory_space<vmem>> -> memref<1x1x128x64xf32, #tpu.memory_space<vmem>>
      %dma_start3A_1353 = tpu.memref_squeeze %dma_start3A_1352 : memref<1x1x128x64xf32, #tpu.memory_space<vmem>> -> memref<128x64xf32, #tpu.memory_space<vmem>>
      tpu.enqueue_dma source(%dma_start3A_1353 : memref<128x64xf32, #tpu.memory_space<vmem>>) target(%dma_start3A_1349 : memref<128x64xf32, #tpu.memory_space<hbm>>) target_semaphore(%arg9 : memref<!tpu.dma_semaphore, #tpu.memory_space<semaphore_mem>>)
    }
    %scan3A_292 = arith.constant 7 : i32
    %dma_wait3A_293 = arith.constant 0 : i32
    %dma_wait3A_294 = arith.constant 1 : i32
    %dma_wait3A_295 = arith.constant 0 : i32
    %dma_wait3A_296 = arith.constant 0 : i32
    %dma_wait3A_297 = arith.constant 0 : i32
    %dma_wait3A_298 = tpu.memref_slice %arg6[%dma_wait3A_294, %dma_wait3A_295, %dma_wait3A_296, %dma_wait3A_297] : memref<2x5x128x64xf32, #tpu.memory_space<vmem>> -> memref<1x1x128x64xf32, #tpu.memory_space<vmem>>
    %dma_wait3A_299 = tpu.memref_squeeze %dma_wait3A_298 : memref<1x1x128x64xf32, #tpu.memory_space<vmem>> -> memref<128x64xf32, #tpu.memory_space<vmem>>
    %dma_wait3A_300 = arith.constant 0 : i32
    %dma_wait3A_301 = tpu.memref_slice %arg5[%dma_wait3A_293, %dma_wait3A_300] : memref<80x128xi32, #tpu.memory_space<vmem>> -> memref<1x128xi32, #tpu.memory_space<vmem>>
    %dma_wait3A_302 = tpu.memref_squeeze %dma_wait3A_301 : memref<1x128xi32, #tpu.memory_space<vmem>> -> memref<128xi32, #tpu.memory_space<vmem>>
    %dma_wait3A_303 = arith.constant 0 : i32
    %dma_wait3A_304 = arith.constant 0 : i32
    %dma_wait3A_305 = tpu.memref_slice %arg3[%dma_wait3A_303, %dma_wait3A_304] : memref<1000064x64xf32, #tpu.memory_space<hbm>> -> memref<1000064x64xf32, #tpu.memory_space<hbm>>
    tpu.wait_indirect_dma semaphore(%arg8 : memref<!tpu.dma_semaphore, #tpu.memory_space<semaphore_mem>>) src(%dma_wait3A_305 : memref<1000064x64xf32, #tpu.memory_space<hbm>>) dst(%dma_wait3A_299 : memref<128x64xf32, #tpu.memory_space<vmem>>)
    %dma_wait3A_306 = arith.constant 0 : i32
    %dma_wait3A_307 = arith.constant 1 : i32
    %dma_wait3A_308 = arith.constant 1 : i32
    %dma_wait3A_309 = arith.constant 0 : i32
    %dma_wait3A_310 = arith.constant 0 : i32
    %dma_wait3A_311 = tpu.memref_slice %arg6[%dma_wait3A_307, %dma_wait3A_308, %dma_wait3A_309, %dma_wait3A_310] : memref<2x5x128x64xf32, #tpu.memory_space<vmem>> -> memref<1x1x128x64xf32, #tpu.memory_space<vmem>>
    %dma_wait3A_312 = tpu.memref_squeeze %dma_wait3A_311 : memref<1x1x128x64xf32, #tpu.memory_space<vmem>> -> memref<128x64xf32, #tpu.memory_space<vmem>>
    %dma_wait3A_313 = arith.constant 0 : i32
    %dma_wait3A_314 = tpu.memref_slice %arg5[%dma_wait3A_306, %dma_wait3A_313] : memref<80x128xi32, #tpu.memory_space<vmem>> -> memref<1x128xi32, #tpu.memory_space<vmem>>
    %dma_wait3A_315 = tpu.memref_squeeze %dma_wait3A_314 : memref<1x128xi32, #tpu.memory_space<vmem>> -> memref<128xi32, #tpu.memory_space<vmem>>
    %dma_wait3A_316 = arith.constant 0 : i32
    %dma_wait3A_317 = arith.constant 0 : i32
    %dma_wait3A_318 = tpu.memref_slice %arg3[%dma_wait3A_316, %dma_wait3A_317] : memref<1000064x64xf32, #tpu.memory_space<hbm>> -> memref<1000064x64xf32, #tpu.memory_space<hbm>>
    tpu.wait_indirect_dma semaphore(%arg8 : memref<!tpu.dma_semaphore, #tpu.memory_space<semaphore_mem>>) src(%dma_wait3A_318 : memref<1000064x64xf32, #tpu.memory_space<hbm>>) dst(%dma_wait3A_312 : memref<128x64xf32, #tpu.memory_space<vmem>>)
    %dma_wait3A_319 = arith.constant 0 : i32
    %dma_wait3A_320 = arith.constant 1 : i32
    %dma_wait3A_321 = arith.constant 2 : i32
    %dma_wait3A_322 = arith.constant 0 : i32
    %dma_wait3A_323 = arith.constant 0 : i32
    %dma_wait3A_324 = tpu.memref_slice %arg6[%dma_wait3A_320, %dma_wait3A_321, %dma_wait3A_322, %dma_wait3A_323] : memref<2x5x128x64xf32, #tpu.memory_space<vmem>> -> memref<1x1x128x64xf32, #tpu.memory_space<vmem>>
    %dma_wait3A_325 = tpu.memref_squeeze %dma_wait3A_324 : memref<1x1x128x64xf32, #tpu.memory_space<vmem>> -> memref<128x64xf32, #tpu.memory_space<vmem>>
    %dma_wait3A_326 = arith.constant 0 : i32
    %dma_wait3A_327 = tpu.memref_slice %arg5[%dma_wait3A_319, %dma_wait3A_326] : memref<80x128xi32, #tpu.memory_space<vmem>> -> memref<1x128xi32, #tpu.memory_space<vmem>>
    %dma_wait3A_328 = tpu.memref_squeeze %dma_wait3A_327 : memref<1x128xi32, #tpu.memory_space<vmem>> -> memref<128xi32, #tpu.memory_space<vmem>>
    %dma_wait3A_329 = arith.constant 0 : i32
    %dma_wait3A_330 = arith.constant 0 : i32
    %dma_wait3A_331 = tpu.memref_slice %arg3[%dma_wait3A_329, %dma_wait3A_330] : memref<1000064x64xf32, #tpu.memory_space<hbm>> -> memref<1000064x64xf32, #tpu.memory_space<hbm>>
    tpu.wait_indirect_dma semaphore(%arg8 : memref<!tpu.dma_semaphore, #tpu.memory_space<semaphore_mem>>) src(%dma_wait3A_331 : memref<1000064x64xf32, #tpu.memory_space<hbm>>) dst(%dma_wait3A_325 : memref<128x64xf32, #tpu.memory_space<vmem>>)
    %dma_wait3A_332 = arith.constant 0 : i32
    %dma_wait3A_333 = arith.constant 1 : i32
    %dma_wait3A_334 = arith.constant 3 : i32
    %dma_wait3A_335 = arith.constant 0 : i32
    %dma_wait3A_336 = arith.constant 0 : i32
    %dma_wait3A_337 = tpu.memref_slice %arg6[%dma_wait3A_333, %dma_wait3A_334, %dma_wait3A_335, %dma_wait3A_336] : memref<2x5x128x64xf32, #tpu.memory_space<vmem>> -> memref<1x1x128x64xf32, #tpu.memory_space<vmem>>
    %dma_wait3A_338 = tpu.memref_squeeze %dma_wait3A_337 : memref<1x1x128x64xf32, #tpu.memory_space<vmem>> -> memref<128x64xf32, #tpu.memory_space<vmem>>
    %dma_wait3A_339 = arith.constant 0 : i32
    %dma_wait3A_340 = tpu.memref_slice %arg5[%dma_wait3A_332, %dma_wait3A_339] : memref<80x128xi32, #tpu.memory_space<vmem>> -> memref<1x128xi32, #tpu.memory_space<vmem>>
    %dma_wait3A_341 = tpu.memref_squeeze %dma_wait3A_340 : memref<1x128xi32, #tpu.memory_space<vmem>> -> memref<128xi32, #tpu.memory_space<vmem>>
    %dma_wait3A_342 = arith.constant 0 : i32
    %dma_wait3A_343 = arith.constant 0 : i32
    %dma_wait3A_344 = tpu.memref_slice %arg3[%dma_wait3A_342, %dma_wait3A_343] : memref<1000064x64xf32, #tpu.memory_space<hbm>> -> memref<1000064x64xf32, #tpu.memory_space<hbm>>
    tpu.wait_indirect_dma semaphore(%arg8 : memref<!tpu.dma_semaphore, #tpu.memory_space<semaphore_mem>>) src(%dma_wait3A_344 : memref<1000064x64xf32, #tpu.memory_space<hbm>>) dst(%dma_wait3A_338 : memref<128x64xf32, #tpu.memory_space<vmem>>)
    %dma_wait3A_345 = arith.constant 0 : i32
    %dma_wait3A_346 = arith.constant 1 : i32
    %dma_wait3A_347 = arith.constant 4 : i32
    %dma_wait3A_348 = arith.constant 0 : i32
    %dma_wait3A_349 = arith.constant 0 : i32
    %dma_wait3A_350 = tpu.memref_slice %arg6[%dma_wait3A_346, %dma_wait3A_347, %dma_wait3A_348, %dma_wait3A_349] : memref<2x5x128x64xf32, #tpu.memory_space<vmem>> -> memref<1x1x128x64xf32, #tpu.memory_space<vmem>>
    %dma_wait3A_351 = tpu.memref_squeeze %dma_wait3A_350 : memref<1x1x128x64xf32, #tpu.memory_space<vmem>> -> memref<128x64xf32, #tpu.memory_space<vmem>>
    %dma_wait3A_352 = arith.constant 0 : i32
    %dma_wait3A_353 = tpu.memref_slice %arg5[%dma_wait3A_345, %dma_wait3A_352] : memref<80x128xi32, #tpu.memory_space<vmem>> -> memref<1x128xi32, #tpu.memory_space<vmem>>
    %dma_wait3A_354 = tpu.memref_squeeze %dma_wait3A_353 : memref<1x128xi32, #tpu.memory_space<vmem>> -> memref<128xi32, #tpu.memory_space<vmem>>
    %dma_wait3A_355 = arith.constant 0 : i32
    %dma_wait3A_356 = arith.constant 0 : i32
    %dma_wait3A_357 = tpu.memref_slice %arg3[%dma_wait3A_355, %dma_wait3A_356] : memref<1000064x64xf32, #tpu.memory_space<hbm>> -> memref<1000064x64xf32, #tpu.memory_space<hbm>>
    tpu.wait_indirect_dma semaphore(%arg8 : memref<!tpu.dma_semaphore, #tpu.memory_space<semaphore_mem>>) src(%dma_wait3A_357 : memref<1000064x64xf32, #tpu.memory_space<hbm>>) dst(%dma_wait3A_351 : memref<128x64xf32, #tpu.memory_space<vmem>>)
    %dma_wait3A_358 = arith.constant 0 : i32
    %dma_wait3A_359 = arith.constant 0 : i32
    %dma_wait3A_360 = arith.constant 0 : i32
    %dma_wait3A_361 = arith.constant 0 : i32
    %dma_wait3A_362 = arith.constant 0 : i32
    %dma_wait3A_363 = tpu.memref_slice %arg6[%dma_wait3A_358, %dma_wait3A_359, %dma_wait3A_361, %dma_wait3A_362] : memref<2x5x128x64xf32, #tpu.memory_space<vmem>> -> memref<1x1x128x64xf32, #tpu.memory_space<vmem>>
    %dma_wait3A_364 = tpu.memref_squeeze %dma_wait3A_363 : memref<1x1x128x64xf32, #tpu.memory_space<vmem>> -> memref<128x64xf32, #tpu.memory_space<vmem>>
    %dma_wait3A_365 = arith.constant 0 : i32
    %dma_wait3A_366 = arith.constant 0 : i32
    %dma_wait3A_367 = tpu.memref_slice %arg4[%add3A, %dma_wait3A_360, %dma_wait3A_365, %dma_wait3A_366] : memref<32x80x128x64xf32, #tpu.memory_space<hbm>> -> memref<1x1x128x64xf32, #tpu.memory_space<hbm>>
    %dma_wait3A_368 = tpu.memref_squeeze %dma_wait3A_367 : memref<1x1x128x64xf32, #tpu.memory_space<hbm>> -> memref<128x64xf32, #tpu.memory_space<hbm>>
    %dma_wait3A_369 = arith.constant 0 : i32
    %dma_wait3A_370 = arith.constant 0 : i32
    %dma_wait3A_371 = tpu.memref_slice %arg4[%add3A, %dma_wait3A_360, %dma_wait3A_369, %dma_wait3A_370] : memref<32x80x128x64xf32, #tpu.memory_space<hbm>> -> memref<1x1x128x64xf32, #tpu.memory_space<hbm>>
    %dma_wait3A_372 = tpu.memref_squeeze %dma_wait3A_371 : memref<1x1x128x64xf32, #tpu.memory_space<hbm>> -> memref<128x64xf32, #tpu.memory_space<hbm>>
    %dma_wait3A_373 = arith.constant 0 : i32
    %dma_wait3A_374 = arith.constant 0 : i32
    %dma_wait3A_375 = tpu.memref_slice %arg6[%dma_wait3A_358, %dma_wait3A_359, %dma_wait3A_373, %dma_wait3A_374] : memref<2x5x128x64xf32, #tpu.memory_space<vmem>> -> memref<1x1x128x64xf32, #tpu.memory_space<vmem>>
    %dma_wait3A_376 = tpu.memref_squeeze %dma_wait3A_375 : memref<1x1x128x64xf32, #tpu.memory_space<vmem>> -> memref<128x64xf32, #tpu.memory_space<vmem>>
    tpu.wait_dma2 semaphore(%arg9 : memref<!tpu.dma_semaphore, #tpu.memory_space<semaphore_mem>>) src(%dma_wait3A_376 : memref<128x64xf32, #tpu.memory_space<vmem>>) dst(%dma_wait3A_372 : memref<128x64xf32, #tpu.memory_space<hbm>>)
    %dma_wait3A_377 = arith.constant 0 : i32
    %dma_wait3A_378 = arith.constant 1 : i32
    %dma_wait3A_379 = arith.constant 1 : i32
    %dma_wait3A_380 = arith.constant 0 : i32
    %dma_wait3A_381 = arith.constant 0 : i32
    %dma_wait3A_382 = tpu.memref_slice %arg6[%dma_wait3A_377, %dma_wait3A_378, %dma_wait3A_380, %dma_wait3A_381] : memref<2x5x128x64xf32, #tpu.memory_space<vmem>> -> memref<1x1x128x64xf32, #tpu.memory_space<vmem>>
    %dma_wait3A_383 = tpu.memref_squeeze %dma_wait3A_382 : memref<1x1x128x64xf32, #tpu.memory_space<vmem>> -> memref<128x64xf32, #tpu.memory_space<vmem>>
    %dma_wait3A_384 = arith.constant 0 : i32
    %dma_wait3A_385 = arith.constant 0 : i32
    %dma_wait3A_386 = tpu.memref_slice %arg4[%add3A, %dma_wait3A_379, %dma_wait3A_384, %dma_wait3A_385] : memref<32x80x128x64xf32, #tpu.memory_space<hbm>> -> memref<1x1x128x64xf32, #tpu.memory_space<hbm>>
    %dma_wait3A_387 = tpu.memref_squeeze %dma_wait3A_386 : memref<1x1x128x64xf32, #tpu.memory_space<hbm>> -> memref<128x64xf32, #tpu.memory_space<hbm>>
    %dma_wait3A_388 = arith.constant 0 : i32
    %dma_wait3A_389 = arith.constant 0 : i32
    %dma_wait3A_390 = tpu.memref_slice %arg4[%add3A, %dma_wait3A_379, %dma_wait3A_388, %dma_wait3A_389] : memref<32x80x128x64xf32, #tpu.memory_space<hbm>> -> memref<1x1x128x64xf32, #tpu.memory_space<hbm>>
    %dma_wait3A_391 = tpu.memref_squeeze %dma_wait3A_390 : memref<1x1x128x64xf32, #tpu.memory_space<hbm>> -> memref<128x64xf32, #tpu.memory_space<hbm>>
    %dma_wait3A_392 = arith.constant 0 : i32
    %dma_wait3A_393 = arith.constant 0 : i32
    %dma_wait3A_394 = tpu.memref_slice %arg6[%dma_wait3A_377, %dma_wait3A_378, %dma_wait3A_392, %dma_wait3A_393] : memref<2x5x128x64xf32, #tpu.memory_space<vmem>> -> memref<1x1x128x64xf32, #tpu.memory_space<vmem>>
    %dma_wait3A_395 = tpu.memref_squeeze %dma_wait3A_394 : memref<1x1x128x64xf32, #tpu.memory_space<vmem>> -> memref<128x64xf32, #tpu.memory_space<vmem>>
    tpu.wait_dma2 semaphore(%arg9 : memref<!tpu.dma_semaphore, #tpu.memory_space<semaphore_mem>>) src(%dma_wait3A_395 : memref<128x64xf32, #tpu.memory_space<vmem>>) dst(%dma_wait3A_391 : memref<128x64xf32, #tpu.memory_space<hbm>>)
    %dma_wait3A_396 = arith.constant 0 : i32
    %dma_wait3A_397 = arith.constant 2 : i32
    %dma_wait3A_398 = arith.constant 2 : i32
    %dma_wait3A_399 = arith.constant 0 : i32
    %dma_wait3A_400 = arith.constant 0 : i32
    %dma_wait3A_401 = tpu.memref_slice %arg6[%dma_wait3A_396, %dma_wait3A_397, %dma_wait3A_399, %dma_wait3A_400] : memref<2x5x128x64xf32, #tpu.memory_space<vmem>> -> memref<1x1x128x64xf32, #tpu.memory_space<vmem>>
    %dma_wait3A_402 = tpu.memref_squeeze %dma_wait3A_401 : memref<1x1x128x64xf32, #tpu.memory_space<vmem>> -> memref<128x64xf32, #tpu.memory_space<vmem>>
    %dma_wait3A_403 = arith.constant 0 : i32
    %dma_wait3A_404 = arith.constant 0 : i32
    %dma_wait3A_405 = tpu.memref_slice %arg4[%add3A, %dma_wait3A_398, %dma_wait3A_403, %dma_wait3A_404] : memref<32x80x128x64xf32, #tpu.memory_space<hbm>> -> memref<1x1x128x64xf32, #tpu.memory_space<hbm>>
    %dma_wait3A_406 = tpu.memref_squeeze %dma_wait3A_405 : memref<1x1x128x64xf32, #tpu.memory_space<hbm>> -> memref<128x64xf32, #tpu.memory_space<hbm>>
    %dma_wait3A_407 = arith.constant 0 : i32
    %dma_wait3A_408 = arith.constant 0 : i32
    %dma_wait3A_409 = tpu.memref_slice %arg4[%add3A, %dma_wait3A_398, %dma_wait3A_407, %dma_wait3A_408] : memref<32x80x128x64xf32, #tpu.memory_space<hbm>> -> memref<1x1x128x64xf32, #tpu.memory_space<hbm>>
    %dma_wait3A_410 = tpu.memref_squeeze %dma_wait3A_409 : memref<1x1x128x64xf32, #tpu.memory_space<hbm>> -> memref<128x64xf32, #tpu.memory_space<hbm>>
    %dma_wait3A_411 = arith.constant 0 : i32
    %dma_wait3A_412 = arith.constant 0 : i32
    %dma_wait3A_413 = tpu.memref_slice %arg6[%dma_wait3A_396, %dma_wait3A_397, %dma_wait3A_411, %dma_wait3A_412] : memref<2x5x128x64xf32, #tpu.memory_space<vmem>> -> memref<1x1x128x64xf32, #tpu.memory_space<vmem>>
    %dma_wait3A_414 = tpu.memref_squeeze %dma_wait3A_413 : memref<1x1x128x64xf32, #tpu.memory_space<vmem>> -> memref<128x64xf32, #tpu.memory_space<vmem>>
    tpu.wait_dma2 semaphore(%arg9 : memref<!tpu.dma_semaphore, #tpu.memory_space<semaphore_mem>>) src(%dma_wait3A_414 : memref<128x64xf32, #tpu.memory_space<vmem>>) dst(%dma_wait3A_410 : memref<128x64xf32, #tpu.memory_space<hbm>>)
    %dma_wait3A_415 = arith.constant 0 : i32
    %dma_wait3A_416 = arith.constant 3 : i32
    %dma_wait3A_417 = arith.constant 3 : i32
    %dma_wait3A_418 = arith.constant 0 : i32
    %dma_wait3A_419 = arith.constant 0 : i32
    %dma_wait3A_420 = tpu.memref_slice %arg6[%dma_wait3A_415, %dma_wait3A_416, %dma_wait3A_418, %dma_wait3A_419] : memref<2x5x128x64xf32, #tpu.memory_space<vmem>> -> memref<1x1x128x64xf32, #tpu.memory_space<vmem>>
    %dma_wait3A_421 = tpu.memref_squeeze %dma_wait3A_420 : memref<1x1x128x64xf32, #tpu.memory_space<vmem>> -> memref<128x64xf32, #tpu.memory_space<vmem>>
    %dma_wait3A_422 = arith.constant 0 : i32
    %dma_wait3A_423 = arith.constant 0 : i32
    %dma_wait3A_424 = tpu.memref_slice %arg4[%add3A, %dma_wait3A_417, %dma_wait3A_422, %dma_wait3A_423] : memref<32x80x128x64xf32, #tpu.memory_space<hbm>> -> memref<1x1x128x64xf32, #tpu.memory_space<hbm>>
    %dma_wait3A_425 = tpu.memref_squeeze %dma_wait3A_424 : memref<1x1x128x64xf32, #tpu.memory_space<hbm>> -> memref<128x64xf32, #tpu.memory_space<hbm>>
    %dma_wait3A_426 = arith.constant 0 : i32
    %dma_wait3A_427 = arith.constant 0 : i32
    %dma_wait3A_428 = tpu.memref_slice %arg4[%add3A, %dma_wait3A_417, %dma_wait3A_426, %dma_wait3A_427] : memref<32x80x128x64xf32, #tpu.memory_space<hbm>> -> memref<1x1x128x64xf32, #tpu.memory_space<hbm>>
    %dma_wait3A_429 = tpu.memref_squeeze %dma_wait3A_428 : memref<1x1x128x64xf32, #tpu.memory_space<hbm>> -> memref<128x64xf32, #tpu.memory_space<hbm>>
    %dma_wait3A_430 = arith.constant 0 : i32
    %dma_wait3A_431 = arith.constant 0 : i32
    %dma_wait3A_432 = tpu.memref_slice %arg6[%dma_wait3A_415, %dma_wait3A_416, %dma_wait3A_430, %dma_wait3A_431] : memref<2x5x128x64xf32, #tpu.memory_space<vmem>> -> memref<1x1x128x64xf32, #tpu.memory_space<vmem>>
    %dma_wait3A_433 = tpu.memref_squeeze %dma_wait3A_432 : memref<1x1x128x64xf32, #tpu.memory_space<vmem>> -> memref<128x64xf32, #tpu.memory_space<vmem>>
    tpu.wait_dma2 semaphore(%arg9 : memref<!tpu.dma_semaphore, #tpu.memory_space<semaphore_mem>>) src(%dma_wait3A_433 : memref<128x64xf32, #tpu.memory_space<vmem>>) dst(%dma_wait3A_429 : memref<128x64xf32, #tpu.memory_space<hbm>>)
    %dma_wait3A_434 = arith.constant 0 : i32
    %dma_wait3A_435 = arith.constant 4 : i32
    %dma_wait3A_436 = arith.constant 4 : i32
    %dma_wait3A_437 = arith.constant 0 : i32
    %dma_wait3A_438 = arith.constant 0 : i32
    %dma_wait3A_439 = tpu.memref_slice %arg6[%dma_wait3A_434, %dma_wait3A_435, %dma_wait3A_437, %dma_wait3A_438] : memref<2x5x128x64xf32, #tpu.memory_space<vmem>> -> memref<1x1x128x64xf32, #tpu.memory_space<vmem>>
    %dma_wait3A_440 = tpu.memref_squeeze %dma_wait3A_439 : memref<1x1x128x64xf32, #tpu.memory_space<vmem>> -> memref<128x64xf32, #tpu.memory_space<vmem>>
    %dma_wait3A_441 = arith.constant 0 : i32
    %dma_wait3A_442 = arith.constant 0 : i32
    %dma_wait3A_443 = tpu.memref_slice %arg4[%add3A, %dma_wait3A_436, %dma_wait3A_441, %dma_wait3A_442] : memref<32x80x128x64xf32, #tpu.memory_space<hbm>> -> memref<1x1x128x64xf32, #tpu.memory_space<hbm>>
    %dma_wait3A_444 = tpu.memref_squeeze %dma_wait3A_443 : memref<1x1x128x64xf32, #tpu.memory_space<hbm>> -> memref<128x64xf32, #tpu.memory_space<hbm>>
    %dma_wait3A_445 = arith.constant 0 : i32
    %dma_wait3A_446 = arith.constant 0 : i32
    %dma_wait3A_447 = tpu.memref_slice %arg4[%add3A, %dma_wait3A_436, %dma_wait3A_445, %dma_wait3A_446] : memref<32x80x128x64xf32, #tpu.memory_space<hbm>> -> memref<1x1x128x64xf32, #tpu.memory_space<hbm>>
    %dma_wait3A_448 = tpu.memref_squeeze %dma_wait3A_447 : memref<1x1x128x64xf32, #tpu.memory_space<hbm>> -> memref<128x64xf32, #tpu.memory_space<hbm>>
    %dma_wait3A_449 = arith.constant 0 : i32
    %dma_wait3A_450 = arith.constant 0 : i32
    %dma_wait3A_451 = tpu.memref_slice %arg6[%dma_wait3A_434, %dma_wait3A_435, %dma_wait3A_449, %dma_wait3A_450] : memref<2x5x128x64xf32, #tpu.memory_space<vmem>> -> memref<1x1x128x64xf32, #tpu.memory_space<vmem>>
    %dma_wait3A_452 = tpu.memref_squeeze %dma_wait3A_451 : memref<1x1x128x64xf32, #tpu.memory_space<vmem>> -> memref<128x64xf32, #tpu.memory_space<vmem>>
    tpu.wait_dma2 semaphore(%arg9 : memref<!tpu.dma_semaphore, #tpu.memory_space<semaphore_mem>>) src(%dma_wait3A_452 : memref<128x64xf32, #tpu.memory_space<vmem>>) dst(%dma_wait3A_448 : memref<128x64xf32, #tpu.memory_space<hbm>>)
    %dma_start3A_453 = arith.constant 1 : i32
    %dma_start3A_454 = arith.constant 0 : i32
    %dma_start3A_455 = arith.constant 75 : i32
    %dma_start3A_456 = arith.constant 0 : i32
    %dma_start3A_457 = arith.constant 0 : i32
    %dma_start3A_458 = tpu.memref_slice %arg6[%dma_start3A_453, %dma_start3A_454, %dma_start3A_456, %dma_start3A_457] : memref<2x5x128x64xf32, #tpu.memory_space<vmem>> -> memref<1x1x128x64xf32, #tpu.memory_space<vmem>>
    %dma_start3A_459 = tpu.memref_squeeze %dma_start3A_458 : memref<1x1x128x64xf32, #tpu.memory_space<vmem>> -> memref<128x64xf32, #tpu.memory_space<vmem>>
    %dma_start3A_460 = arith.constant 0 : i32
    %dma_start3A_461 = arith.constant 0 : i32
    %dma_start3A_462 = tpu.memref_slice %arg4[%add3A, %dma_start3A_455, %dma_start3A_460, %dma_start3A_461] : memref<32x80x128x64xf32, #tpu.memory_space<hbm>> -> memref<1x1x128x64xf32, #tpu.memory_space<hbm>>
    %dma_start3A_463 = tpu.memref_squeeze %dma_start3A_462 : memref<1x1x128x64xf32, #tpu.memory_space<hbm>> -> memref<128x64xf32, #tpu.memory_space<hbm>>
    %dma_start3A_464 = arith.constant 0 : i32
    %dma_start3A_465 = arith.constant 0 : i32
    %dma_start3A_466 = tpu.memref_slice %arg4[%add3A, %dma_start3A_455, %dma_start3A_464, %dma_start3A_465] : memref<32x80x128x64xf32, #tpu.memory_space<hbm>> -> memref<1x1x128x64xf32, #tpu.memory_space<hbm>>
    %dma_start3A_467 = tpu.memref_squeeze %dma_start3A_466 : memref<1x1x128x64xf32, #tpu.memory_space<hbm>> -> memref<128x64xf32, #tpu.memory_space<hbm>>
    %dma_start3A_468 = arith.constant 0 : i32
    %dma_start3A_469 = arith.constant 0 : i32
    %dma_start3A_470 = tpu.memref_slice %arg6[%dma_start3A_453, %dma_start3A_454, %dma_start3A_468, %dma_start3A_469] : memref<2x5x128x64xf32, #tpu.memory_space<vmem>> -> memref<1x1x128x64xf32, #tpu.memory_space<vmem>>
    %dma_start3A_471 = tpu.memref_squeeze %dma_start3A_470 : memref<1x1x128x64xf32, #tpu.memory_space<vmem>> -> memref<128x64xf32, #tpu.memory_space<vmem>>
    tpu.enqueue_dma source(%dma_start3A_471 : memref<128x64xf32, #tpu.memory_space<vmem>>) target(%dma_start3A_467 : memref<128x64xf32, #tpu.memory_space<hbm>>) target_semaphore(%arg10 : memref<!tpu.dma_semaphore, #tpu.memory_space<semaphore_mem>>)
    %dma_start3A_472 = arith.constant 1 : i32
    %dma_start3A_473 = arith.constant 1 : i32
    %dma_start3A_474 = arith.constant 76 : i32
    %dma_start3A_475 = arith.constant 0 : i32
    %dma_start3A_476 = arith.constant 0 : i32
    %dma_start3A_477 = tpu.memref_slice %arg6[%dma_start3A_472, %dma_start3A_473, %dma_start3A_475, %dma_start3A_476] : memref<2x5x128x64xf32, #tpu.memory_space<vmem>> -> memref<1x1x128x64xf32, #tpu.memory_space<vmem>>
    %dma_start3A_478 = tpu.memref_squeeze %dma_start3A_477 : memref<1x1x128x64xf32, #tpu.memory_space<vmem>> -> memref<128x64xf32, #tpu.memory_space<vmem>>
    %dma_start3A_479 = arith.constant 0 : i32
    %dma_start3A_480 = arith.constant 0 : i32
    %dma_start3A_481 = tpu.memref_slice %arg4[%add3A, %dma_start3A_474, %dma_start3A_479, %dma_start3A_480] : memref<32x80x128x64xf32, #tpu.memory_space<hbm>> -> memref<1x1x128x64xf32, #tpu.memory_space<hbm>>
    %dma_start3A_482 = tpu.memref_squeeze %dma_start3A_481 : memref<1x1x128x64xf32, #tpu.memory_space<hbm>> -> memref<128x64xf32, #tpu.memory_space<hbm>>
    %dma_start3A_483 = arith.constant 0 : i32
    %dma_start3A_484 = arith.constant 0 : i32
    %dma_start3A_485 = tpu.memref_slice %arg4[%add3A, %dma_start3A_474, %dma_start3A_483, %dma_start3A_484] : memref<32x80x128x64xf32, #tpu.memory_space<hbm>> -> memref<1x1x128x64xf32, #tpu.memory_space<hbm>>
    %dma_start3A_486 = tpu.memref_squeeze %dma_start3A_485 : memref<1x1x128x64xf32, #tpu.memory_space<hbm>> -> memref<128x64xf32, #tpu.memory_space<hbm>>
    %dma_start3A_487 = arith.constant 0 : i32
    %dma_start3A_488 = arith.constant 0 : i32
    %dma_start3A_489 = tpu.memref_slice %arg6[%dma_start3A_472, %dma_start3A_473, %dma_start3A_487, %dma_start3A_488] : memref<2x5x128x64xf32, #tpu.memory_space<vmem>> -> memref<1x1x128x64xf32, #tpu.memory_space<vmem>>
    %dma_start3A_490 = tpu.memref_squeeze %dma_start3A_489 : memref<1x1x128x64xf32, #tpu.memory_space<vmem>> -> memref<128x64xf32, #tpu.memory_space<vmem>>
    tpu.enqueue_dma source(%dma_start3A_490 : memref<128x64xf32, #tpu.memory_space<vmem>>) target(%dma_start3A_486 : memref<128x64xf32, #tpu.memory_space<hbm>>) target_semaphore(%arg10 : memref<!tpu.dma_semaphore, #tpu.memory_space<semaphore_mem>>)
    %dma_start3A_491 = arith.constant 1 : i32
    %dma_start3A_492 = arith.constant 2 : i32
    %dma_start3A_493 = arith.constant 77 : i32
    %dma_start3A_494 = arith.constant 0 : i32
    %dma_start3A_495 = arith.constant 0 : i32
    %dma_start3A_496 = tpu.memref_slice %arg6[%dma_start3A_491, %dma_start3A_492, %dma_start3A_494, %dma_start3A_495] : memref<2x5x128x64xf32, #tpu.memory_space<vmem>> -> memref<1x1x128x64xf32, #tpu.memory_space<vmem>>
    %dma_start3A_497 = tpu.memref_squeeze %dma_start3A_496 : memref<1x1x128x64xf32, #tpu.memory_space<vmem>> -> memref<128x64xf32, #tpu.memory_space<vmem>>
    %dma_start3A_498 = arith.constant 0 : i32
    %dma_start3A_499 = arith.constant 0 : i32
    %dma_start3A_500 = tpu.memref_slice %arg4[%add3A, %dma_start3A_493, %dma_start3A_498, %dma_start3A_499] : memref<32x80x128x64xf32, #tpu.memory_space<hbm>> -> memref<1x1x128x64xf32, #tpu.memory_space<hbm>>
    %dma_start3A_501 = tpu.memref_squeeze %dma_start3A_500 : memref<1x1x128x64xf32, #tpu.memory_space<hbm>> -> memref<128x64xf32, #tpu.memory_space<hbm>>
    %dma_start3A_502 = arith.constant 0 : i32
    %dma_start3A_503 = arith.constant 0 : i32
    %dma_start3A_504 = tpu.memref_slice %arg4[%add3A, %dma_start3A_493, %dma_start3A_502, %dma_start3A_503] : memref<32x80x128x64xf32, #tpu.memory_space<hbm>> -> memref<1x1x128x64xf32, #tpu.memory_space<hbm>>
    %dma_start3A_505 = tpu.memref_squeeze %dma_start3A_504 : memref<1x1x128x64xf32, #tpu.memory_space<hbm>> -> memref<128x64xf32, #tpu.memory_space<hbm>>
    %dma_start3A_506 = arith.constant 0 : i32
    %dma_start3A_507 = arith.constant 0 : i32
    %dma_start3A_508 = tpu.memref_slice %arg6[%dma_start3A_491, %dma_start3A_492, %dma_start3A_506, %dma_start3A_507] : memref<2x5x128x64xf32, #tpu.memory_space<vmem>> -> memref<1x1x128x64xf32, #tpu.memory_space<vmem>>
    %dma_start3A_509 = tpu.memref_squeeze %dma_start3A_508 : memref<1x1x128x64xf32, #tpu.memory_space<vmem>> -> memref<128x64xf32, #tpu.memory_space<vmem>>
    tpu.enqueue_dma source(%dma_start3A_509 : memref<128x64xf32, #tpu.memory_space<vmem>>) target(%dma_start3A_505 : memref<128x64xf32, #tpu.memory_space<hbm>>) target_semaphore(%arg10 : memref<!tpu.dma_semaphore, #tpu.memory_space<semaphore_mem>>)
    %dma_start3A_510 = arith.constant 1 : i32
    %dma_start3A_511 = arith.constant 3 : i32
    %dma_start3A_512 = arith.constant 78 : i32
    %dma_start3A_513 = arith.constant 0 : i32
    %dma_start3A_514 = arith.constant 0 : i32
    %dma_start3A_515 = tpu.memref_slice %arg6[%dma_start3A_510, %dma_start3A_511, %dma_start3A_513, %dma_start3A_514] : memref<2x5x128x64xf32, #tpu.memory_space<vmem>> -> memref<1x1x128x64xf32, #tpu.memory_space<vmem>>
    %dma_start3A_516 = tpu.memref_squeeze %dma_start3A_515 : memref<1x1x128x64xf32, #tpu.memory_space<vmem>> -> memref<128x64xf32, #tpu.memory_space<vmem>>
    %dma_start3A_517 = arith.constant 0 : i32
    %dma_start3A_518 = arith.constant 0 : i32
    %dma_start3A_519 = tpu.memref_slice %arg4[%add3A, %dma_start3A_512, %dma_start3A_517, %dma_start3A_518] : memref<32x80x128x64xf32, #tpu.memory_space<hbm>> -> memref<1x1x128x64xf32, #tpu.memory_space<hbm>>
    %dma_start3A_520 = tpu.memref_squeeze %dma_start3A_519 : memref<1x1x128x64xf32, #tpu.memory_space<hbm>> -> memref<128x64xf32, #tpu.memory_space<hbm>>
    %dma_start3A_521 = arith.constant 0 : i32
    %dma_start3A_522 = arith.constant 0 : i32
    %dma_start3A_523 = tpu.memref_slice %arg4[%add3A, %dma_start3A_512, %dma_start3A_521, %dma_start3A_522] : memref<32x80x128x64xf32, #tpu.memory_space<hbm>> -> memref<1x1x128x64xf32, #tpu.memory_space<hbm>>
    %dma_start3A_524 = tpu.memref_squeeze %dma_start3A_523 : memref<1x1x128x64xf32, #tpu.memory_space<hbm>> -> memref<128x64xf32, #tpu.memory_space<hbm>>
    %dma_start3A_525 = arith.constant 0 : i32
    %dma_start3A_526 = arith.constant 0 : i32
    %dma_start3A_527 = tpu.memref_slice %arg6[%dma_start3A_510, %dma_start3A_511, %dma_start3A_525, %dma_start3A_526] : memref<2x5x128x64xf32, #tpu.memory_space<vmem>> -> memref<1x1x128x64xf32, #tpu.memory_space<vmem>>
    %dma_start3A_528 = tpu.memref_squeeze %dma_start3A_527 : memref<1x1x128x64xf32, #tpu.memory_space<vmem>> -> memref<128x64xf32, #tpu.memory_space<vmem>>
    tpu.enqueue_dma source(%dma_start3A_528 : memref<128x64xf32, #tpu.memory_space<vmem>>) target(%dma_start3A_524 : memref<128x64xf32, #tpu.memory_space<hbm>>) target_semaphore(%arg10 : memref<!tpu.dma_semaphore, #tpu.memory_space<semaphore_mem>>)
    %dma_start3A_529 = arith.constant 1 : i32
    %dma_start3A_530 = arith.constant 4 : i32
    %dma_start3A_531 = arith.constant 79 : i32
    %dma_start3A_532 = arith.constant 0 : i32
    %dma_start3A_533 = arith.constant 0 : i32
    %dma_start3A_534 = tpu.memref_slice %arg6[%dma_start3A_529, %dma_start3A_530, %dma_start3A_532, %dma_start3A_533] : memref<2x5x128x64xf32, #tpu.memory_space<vmem>> -> memref<1x1x128x64xf32, #tpu.memory_space<vmem>>
    %dma_start3A_535 = tpu.memref_squeeze %dma_start3A_534 : memref<1x1x128x64xf32, #tpu.memory_space<vmem>> -> memref<128x64xf32, #tpu.memory_space<vmem>>
    %dma_start3A_536 = arith.constant 0 : i32
    %dma_start3A_537 = arith.constant 0 : i32
    %dma_start3A_538 = tpu.memref_slice %arg4[%add3A, %dma_start3A_531, %dma_start3A_536, %dma_start3A_537] : memref<32x80x128x64xf32, #tpu.memory_space<hbm>> -> memref<1x1x128x64xf32, #tpu.memory_space<hbm>>
    %dma_start3A_539 = tpu.memref_squeeze %dma_start3A_538 : memref<1x1x128x64xf32, #tpu.memory_space<hbm>> -> memref<128x64xf32, #tpu.memory_space<hbm>>
    %dma_start3A_540 = arith.constant 0 : i32
    %dma_start3A_541 = arith.constant 0 : i32
    %dma_start3A_542 = tpu.memref_slice %arg4[%add3A, %dma_start3A_531, %dma_start3A_540, %dma_start3A_541] : memref<32x80x128x64xf32, #tpu.memory_space<hbm>> -> memref<1x1x128x64xf32, #tpu.memory_space<hbm>>
    %dma_start3A_543 = tpu.memref_squeeze %dma_start3A_542 : memref<1x1x128x64xf32, #tpu.memory_space<hbm>> -> memref<128x64xf32, #tpu.memory_space<hbm>>
    %dma_start3A_544 = arith.constant 0 : i32
    %dma_start3A_545 = arith.constant 0 : i32
    %dma_start3A_546 = tpu.memref_slice %arg6[%dma_start3A_529, %dma_start3A_530, %dma_start3A_544, %dma_start3A_545] : memref<2x5x128x64xf32, #tpu.memory_space<vmem>> -> memref<1x1x128x64xf32, #tpu.memory_space<vmem>>
    %dma_start3A_547 = tpu.memref_squeeze %dma_start3A_546 : memref<1x1x128x64xf32, #tpu.memory_space<vmem>> -> memref<128x64xf32, #tpu.memory_space<vmem>>
    tpu.enqueue_dma source(%dma_start3A_547 : memref<128x64xf32, #tpu.memory_space<vmem>>) target(%dma_start3A_543 : memref<128x64xf32, #tpu.memory_space<hbm>>) target_semaphore(%arg10 : memref<!tpu.dma_semaphore, #tpu.memory_space<semaphore_mem>>)
    %dma_wait3A_548 = arith.constant 1 : i32
    %dma_wait3A_549 = arith.constant 0 : i32
    %dma_wait3A_550 = arith.constant 0 : i32
    %dma_wait3A_551 = arith.constant 0 : i32
    %dma_wait3A_552 = arith.constant 0 : i32
    %dma_wait3A_553 = tpu.memref_slice %arg6[%dma_wait3A_548, %dma_wait3A_549, %dma_wait3A_551, %dma_wait3A_552] : memref<2x5x128x64xf32, #tpu.memory_space<vmem>> -> memref<1x1x128x64xf32, #tpu.memory_space<vmem>>
    %dma_wait3A_554 = tpu.memref_squeeze %dma_wait3A_553 : memref<1x1x128x64xf32, #tpu.memory_space<vmem>> -> memref<128x64xf32, #tpu.memory_space<vmem>>
    %dma_wait3A_555 = arith.constant 0 : i32
    %dma_wait3A_556 = arith.constant 0 : i32
    %dma_wait3A_557 = tpu.memref_slice %arg4[%add3A, %dma_wait3A_550, %dma_wait3A_555, %dma_wait3A_556] : memref<32x80x128x64xf32, #tpu.memory_space<hbm>> -> memref<1x1x128x64xf32, #tpu.memory_space<hbm>>
    %dma_wait3A_558 = tpu.memref_squeeze %dma_wait3A_557 : memref<1x1x128x64xf32, #tpu.memory_space<hbm>> -> memref<128x64xf32, #tpu.memory_space<hbm>>
    %dma_wait3A_559 = arith.constant 0 : i32
    %dma_wait3A_560 = arith.constant 0 : i32
    %dma_wait3A_561 = tpu.memref_slice %arg4[%add3A, %dma_wait3A_550, %dma_wait3A_559, %dma_wait3A_560] : memref<32x80x128x64xf32, #tpu.memory_space<hbm>> -> memref<1x1x128x64xf32, #tpu.memory_space<hbm>>
    %dma_wait3A_562 = tpu.memref_squeeze %dma_wait3A_561 : memref<1x1x128x64xf32, #tpu.memory_space<hbm>> -> memref<128x64xf32, #tpu.memory_space<hbm>>
    %dma_wait3A_563 = arith.constant 0 : i32
    %dma_wait3A_564 = arith.constant 0 : i32
    %dma_wait3A_565 = tpu.memref_slice %arg6[%dma_wait3A_548, %dma_wait3A_549, %dma_wait3A_563, %dma_wait3A_564] : memref<2x5x128x64xf32, #tpu.memory_space<vmem>> -> memref<1x1x128x64xf32, #tpu.memory_space<vmem>>
    %dma_wait3A_566 = tpu.memref_squeeze %dma_wait3A_565 : memref<1x1x128x64xf32, #tpu.memory_space<vmem>> -> memref<128x64xf32, #tpu.memory_space<vmem>>
    tpu.wait_dma2 semaphore(%arg10 : memref<!tpu.dma_semaphore, #tpu.memory_space<semaphore_mem>>) src(%dma_wait3A_566 : memref<128x64xf32, #tpu.memory_space<vmem>>) dst(%dma_wait3A_562 : memref<128x64xf32, #tpu.memory_space<hbm>>)
    %dma_wait3A_567 = arith.constant 1 : i32
    %dma_wait3A_568 = arith.constant 1 : i32
    %dma_wait3A_569 = arith.constant 1 : i32
    %dma_wait3A_570 = arith.constant 0 : i32
    %dma_wait3A_571 = arith.constant 0 : i32
    %dma_wait3A_572 = tpu.memref_slice %arg6[%dma_wait3A_567, %dma_wait3A_568, %dma_wait3A_570, %dma_wait3A_571] : memref<2x5x128x64xf32, #tpu.memory_space<vmem>> -> memref<1x1x128x64xf32, #tpu.memory_space<vmem>>
    %dma_wait3A_573 = tpu.memref_squeeze %dma_wait3A_572 : memref<1x1x128x64xf32, #tpu.memory_space<vmem>> -> memref<128x64xf32, #tpu.memory_space<vmem>>
    %dma_wait3A_574 = arith.constant 0 : i32
    %dma_wait3A_575 = arith.constant 0 : i32
    %dma_wait3A_576 = tpu.memref_slice %arg4[%add3A, %dma_wait3A_569, %dma_wait3A_574, %dma_wait3A_575] : memref<32x80x128x64xf32, #tpu.memory_space<hbm>> -> memref<1x1x128x64xf32, #tpu.memory_space<hbm>>
    %dma_wait3A_577 = tpu.memref_squeeze %dma_wait3A_576 : memref<1x1x128x64xf32, #tpu.memory_space<hbm>> -> memref<128x64xf32, #tpu.memory_space<hbm>>
    %dma_wait3A_578 = arith.constant 0 : i32
    %dma_wait3A_579 = arith.constant 0 : i32
    %dma_wait3A_580 = tpu.memref_slice %arg4[%add3A, %dma_wait3A_569, %dma_wait3A_578, %dma_wait3A_579] : memref<32x80x128x64xf32, #tpu.memory_space<hbm>> -> memref<1x1x128x64xf32, #tpu.memory_space<hbm>>
    %dma_wait3A_581 = tpu.memref_squeeze %dma_wait3A_580 : memref<1x1x128x64xf32, #tpu.memory_space<hbm>> -> memref<128x64xf32, #tpu.memory_space<hbm>>
    %dma_wait3A_582 = arith.constant 0 : i32
    %dma_wait3A_583 = arith.constant 0 : i32
    %dma_wait3A_584 = tpu.memref_slice %arg6[%dma_wait3A_567, %dma_wait3A_568, %dma_wait3A_582, %dma_wait3A_583] : memref<2x5x128x64xf32, #tpu.memory_space<vmem>> -> memref<1x1x128x64xf32, #tpu.memory_space<vmem>>
    %dma_wait3A_585 = tpu.memref_squeeze %dma_wait3A_584 : memref<1x1x128x64xf32, #tpu.memory_space<vmem>> -> memref<128x64xf32, #tpu.memory_space<vmem>>
    tpu.wait_dma2 semaphore(%arg10 : memref<!tpu.dma_semaphore, #tpu.memory_space<semaphore_mem>>) src(%dma_wait3A_585 : memref<128x64xf32, #tpu.memory_space<vmem>>) dst(%dma_wait3A_581 : memref<128x64xf32, #tpu.memory_space<hbm>>)
    %dma_wait3A_586 = arith.constant 1 : i32
    %dma_wait3A_587 = arith.constant 2 : i32
    %dma_wait3A_588 = arith.constant 2 : i32
    %dma_wait3A_589 = arith.constant 0 : i32
    %dma_wait3A_590 = arith.constant 0 : i32
    %dma_wait3A_591 = tpu.memref_slice %arg6[%dma_wait3A_586, %dma_wait3A_587, %dma_wait3A_589, %dma_wait3A_590] : memref<2x5x128x64xf32, #tpu.memory_space<vmem>> -> memref<1x1x128x64xf32, #tpu.memory_space<vmem>>
    %dma_wait3A_592 = tpu.memref_squeeze %dma_wait3A_591 : memref<1x1x128x64xf32, #tpu.memory_space<vmem>> -> memref<128x64xf32, #tpu.memory_space<vmem>>
    %dma_wait3A_593 = arith.constant 0 : i32
    %dma_wait3A_594 = arith.constant 0 : i32
    %dma_wait3A_595 = tpu.memref_slice %arg4[%add3A, %dma_wait3A_588, %dma_wait3A_593, %dma_wait3A_594] : memref<32x80x128x64xf32, #tpu.memory_space<hbm>> -> memref<1x1x128x64xf32, #tpu.memory_space<hbm>>
    %dma_wait3A_596 = tpu.memref_squeeze %dma_wait3A_595 : memref<1x1x128x64xf32, #tpu.memory_space<hbm>> -> memref<128x64xf32, #tpu.memory_space<hbm>>
    %dma_wait3A_597 = arith.constant 0 : i32
    %dma_wait3A_598 = arith.constant 0 : i32
    %dma_wait3A_599 = tpu.memref_slice %arg4[%add3A, %dma_wait3A_588, %dma_wait3A_597, %dma_wait3A_598] : memref<32x80x128x64xf32, #tpu.memory_space<hbm>> -> memref<1x1x128x64xf32, #tpu.memory_space<hbm>>
    %dma_wait3A_600 = tpu.memref_squeeze %dma_wait3A_599 : memref<1x1x128x64xf32, #tpu.memory_space<hbm>> -> memref<128x64xf32, #tpu.memory_space<hbm>>
    %dma_wait3A_601 = arith.constant 0 : i32
    %dma_wait3A_602 = arith.constant 0 : i32
    %dma_wait3A_603 = tpu.memref_slice %arg6[%dma_wait3A_586, %dma_wait3A_587, %dma_wait3A_601, %dma_wait3A_602] : memref<2x5x128x64xf32, #tpu.memory_space<vmem>> -> memref<1x1x128x64xf32, #tpu.memory_space<vmem>>
    %dma_wait3A_604 = tpu.memref_squeeze %dma_wait3A_603 : memref<1x1x128x64xf32, #tpu.memory_space<vmem>> -> memref<128x64xf32, #tpu.memory_space<vmem>>
    tpu.wait_dma2 semaphore(%arg10 : memref<!tpu.dma_semaphore, #tpu.memory_space<semaphore_mem>>) src(%dma_wait3A_604 : memref<128x64xf32, #tpu.memory_space<vmem>>) dst(%dma_wait3A_600 : memref<128x64xf32, #tpu.memory_space<hbm>>)
    %dma_wait3A_605 = arith.constant 1 : i32
    %dma_wait3A_606 = arith.constant 3 : i32
    %dma_wait3A_607 = arith.constant 3 : i32
    %dma_wait3A_608 = arith.constant 0 : i32
    %dma_wait3A_609 = arith.constant 0 : i32
    %dma_wait3A_610 = tpu.memref_slice %arg6[%dma_wait3A_605, %dma_wait3A_606, %dma_wait3A_608, %dma_wait3A_609] : memref<2x5x128x64xf32, #tpu.memory_space<vmem>> -> memref<1x1x128x64xf32, #tpu.memory_space<vmem>>
    %dma_wait3A_611 = tpu.memref_squeeze %dma_wait3A_610 : memref<1x1x128x64xf32, #tpu.memory_space<vmem>> -> memref<128x64xf32, #tpu.memory_space<vmem>>
    %dma_wait3A_612 = arith.constant 0 : i32
    %dma_wait3A_613 = arith.constant 0 : i32
    %dma_wait3A_614 = tpu.memref_slice %arg4[%add3A, %dma_wait3A_607, %dma_wait3A_612, %dma_wait3A_613] : memref<32x80x128x64xf32, #tpu.memory_space<hbm>> -> memref<1x1x128x64xf32, #tpu.memory_space<hbm>>
    %dma_wait3A_615 = tpu.memref_squeeze %dma_wait3A_614 : memref<1x1x128x64xf32, #tpu.memory_space<hbm>> -> memref<128x64xf32, #tpu.memory_space<hbm>>
    %dma_wait3A_616 = arith.constant 0 : i32
    %dma_wait3A_617 = arith.constant 0 : i32
    %dma_wait3A_618 = tpu.memref_slice %arg4[%add3A, %dma_wait3A_607, %dma_wait3A_616, %dma_wait3A_617] : memref<32x80x128x64xf32, #tpu.memory_space<hbm>> -> memref<1x1x128x64xf32, #tpu.memory_space<hbm>>
    %dma_wait3A_619 = tpu.memref_squeeze %dma_wait3A_618 : memref<1x1x128x64xf32, #tpu.memory_space<hbm>> -> memref<128x64xf32, #tpu.memory_space<hbm>>
    %dma_wait3A_620 = arith.constant 0 : i32
    %dma_wait3A_621 = arith.constant 0 : i32
    %dma_wait3A_622 = tpu.memref_slice %arg6[%dma_wait3A_605, %dma_wait3A_606, %dma_wait3A_620, %dma_wait3A_621] : memref<2x5x128x64xf32, #tpu.memory_space<vmem>> -> memref<1x1x128x64xf32, #tpu.memory_space<vmem>>
    %dma_wait3A_623 = tpu.memref_squeeze %dma_wait3A_622 : memref<1x1x128x64xf32, #tpu.memory_space<vmem>> -> memref<128x64xf32, #tpu.memory_space<vmem>>
    tpu.wait_dma2 semaphore(%arg10 : memref<!tpu.dma_semaphore, #tpu.memory_space<semaphore_mem>>) src(%dma_wait3A_623 : memref<128x64xf32, #tpu.memory_space<vmem>>) dst(%dma_wait3A_619 : memref<128x64xf32, #tpu.memory_space<hbm>>)
    %dma_wait3A_624 = arith.constant 1 : i32
    %dma_wait3A_625 = arith.constant 4 : i32
    %dma_wait3A_626 = arith.constant 4 : i32
    %dma_wait3A_627 = arith.constant 0 : i32
    %dma_wait3A_628 = arith.constant 0 : i32
    %dma_wait3A_629 = tpu.memref_slice %arg6[%dma_wait3A_624, %dma_wait3A_625, %dma_wait3A_627, %dma_wait3A_628] : memref<2x5x128x64xf32, #tpu.memory_space<vmem>> -> memref<1x1x128x64xf32, #tpu.memory_space<vmem>>
    %dma_wait3A_630 = tpu.memref_squeeze %dma_wait3A_629 : memref<1x1x128x64xf32, #tpu.memory_space<vmem>> -> memref<128x64xf32, #tpu.memory_space<vmem>>
    %dma_wait3A_631 = arith.constant 0 : i32
    %dma_wait3A_632 = arith.constant 0 : i32
    %dma_wait3A_633 = tpu.memref_slice %arg4[%add3A, %dma_wait3A_626, %dma_wait3A_631, %dma_wait3A_632] : memref<32x80x128x64xf32, #tpu.memory_space<hbm>> -> memref<1x1x128x64xf32, #tpu.memory_space<hbm>>
    %dma_wait3A_634 = tpu.memref_squeeze %dma_wait3A_633 : memref<1x1x128x64xf32, #tpu.memory_space<hbm>> -> memref<128x64xf32, #tpu.memory_space<hbm>>
    %dma_wait3A_635 = arith.constant 0 : i32
    %dma_wait3A_636 = arith.constant 0 : i32
    %dma_wait3A_637 = tpu.memref_slice %arg4[%add3A, %dma_wait3A_626, %dma_wait3A_635, %dma_wait3A_636] : memref<32x80x128x64xf32, #tpu.memory_space<hbm>> -> memref<1x1x128x64xf32, #tpu.memory_space<hbm>>
    %dma_wait3A_638 = tpu.memref_squeeze %dma_wait3A_637 : memref<1x1x128x64xf32, #tpu.memory_space<hbm>> -> memref<128x64xf32, #tpu.memory_space<hbm>>
    %dma_wait3A_639 = arith.constant 0 : i32
    %dma_wait3A_640 = arith.constant 0 : i32
    %dma_wait3A_641 = tpu.memref_slice %arg6[%dma_wait3A_624, %dma_wait3A_625, %dma_wait3A_639, %dma_wait3A_640] : memref<2x5x128x64xf32, #tpu.memory_space<vmem>> -> memref<1x1x128x64xf32, #tpu.memory_space<vmem>>
    %dma_wait3A_642 = tpu.memref_squeeze %dma_wait3A_641 : memref<1x1x128x64xf32, #tpu.memory_space<vmem>> -> memref<128x64xf32, #tpu.memory_space<vmem>>
    tpu.wait_dma2 semaphore(%arg10 : memref<!tpu.dma_semaphore, #tpu.memory_space<semaphore_mem>>) src(%dma_wait3A_642 : memref<128x64xf32, #tpu.memory_space<vmem>>) dst(%dma_wait3A_638 : memref<128x64xf32, #tpu.memory_space<hbm>>)
    return
  }
}

</mosaic_0001>

<sc_bundles>
// kernel: kernel.4.cloned.1.call-start
scs
__scs_entry_jumppad:
0x0: {  	(pc) =	sbr.rel $0x88, $3  }
0x1: {  	(tag) =	ssettag $0x0;
	lr =	simm.s32 $0x1  }
0x2: {  	[smem:$0x3F9F] =	sst lr;
	_ =	strace $0xD0000000  }
0x3: {  	_ = 	snop  }
0x4: {  	_ = 	snop  }
0x5: {  	_ = 	snop  }
0x6: {  	_ = 	snop  }
0x7: {  	_ = 	snop  }
__scs_overlays_trampoline_lowered:
0x8: {  	[smem:$0x3FAE] =	sst s0  }
0x9: {  	[smem:$0x3FAF] =	sst s1  }
0xa: {  	[smem:$0x3FB0] =	sst s2  }
0xb: {  	[smem:$0x3FB1] =	sst s3  }
0xc: {  	[smem:$0x3FB2] =	sst s4  }
0xd: {  	[smem:$0x3FB3] =	sst s5  }
0xe: {  	[smem:$0x3FB4] =	sst s6  }
0xf: {  	[smem:$0x3FB5] =	sst s7  }
0x10: {  	[smem:$0x3FB6] =	sst s8  }
0x11: {  	[smem:$0x3FB7] =	sst s9;
	s0 =	simm.s32 @!p0 $0x0  }
0x12: {  	s1 =	sld [smem:$0x3F9D];
	s0 =	simm.s32 @p0 $0x1  }
0x13: {  	[smem:$0x3FB8] =	sst s0;
	s0 =	simm.s32 @!p1 $0x0  }
0x14: {  	s2 =	sld [smem:$0x3F9C];
	s0 =	simm.s32 @p1 $0x1  }
0x15: {  	[smem:$0x3FB9] =	sst s0;
	s0 =	simm.s32 @!p2 $0x0  }
0x16: {  	s3 =	sld [smem:$0x3FDB];
	s0 =	simm.s32 @p2 $0x1  }
0x17: {  	s4 =	simm.s32 $0x1BF5;
	[smem:$0x3FBB] =	sst s0  }
0x18: {  	s0 =	sld [smem:$0x3F9E];
	_ =	swait.ge [sflag:s4], $0x0  }
0x19: {  	s7 =	sld [smem:$0x3F9F]  }
0x1a: {  	s8 =	sadd.s32 $0xFFFFE003, lr  }
0x1b: {  	s9 =	sadd.s32 $0xFFFFFEF7, lr;
	s5 =	simm.s32 $0xFFFFFFFF;
	p2 =	slt.u32 s8, $0xFFFFF086  }
0x1c: {  	p1 =	slt.u32 s9, $0xF7A;
	s5 =	simm.s32 @!p2 $0x0  }
0x1d: {  	s5 =	simm.s32 @p1 $0x1;
	p0 =	seq.s32 s7, s2  }
0x1e: {  	s7 =	smul.u32 @!p0 $0xF7A, s2;
	p2 =	seq.s32 @!p0 s5, $0x0  }
0x1f: {  	s9 =	smul.u32 $0xF7A, s1;
	s8 =	simm.s32 @!p0 $0x1BF5;
	p2 =	por !p2, p0  }
0x20: {  	[sflag:s8] =	ssyncset.s32 @!p0 $0xFFFFF086;
	s6 =	sadd.s32 @!p0 s3, s7;
	s7 =	simm.s32 @!p0 $0x108  }
0x21: {  	s3 =	sadd.s32 s3, s9;
	s6 =	sadd.s32 @!p0 $0x88, s6;
	s7 =	simm.s32 @p2 $0x1082  }
0x22: {  	[simem:s7], [sflag:s8] =	dma.local @!p0 [hbm:s6], $0xF7A  }
0x23: {  	s9 =	sor.u32 $0xD0000000, s2;
	s6 =	simm.s32 $0x108;
	_ =	swait.ge @!p0 [sflag:s8], $0x0  }
0x24: {  	s3 =	sadd.s32 $0x88, s3;
	s6 =	simm.s32 @!p1 $0x1082;
	[sflag:s4] =	ssyncset.s32 $0xFFFFF086  }
0x25: {  	[simem:s6], [sflag:s4] =	dma.local [hbm:s3], $0xF7A  }
0x26: {  	[smem:$0x3F9F] =	sst s1;
	(tag) =	ssettag s2;
	_ =	strace s9  }
0x27: {  	s1 =	sld [smem:$0x3FAF]  }
0x28: {  	s2 =	sld [smem:$0x3FB0]  }
0x29: {  	s4 =	sld [smem:$0x3FB2]  }
0x2a: {  	p0 =	seq.s32 s5, $0x0;
	s5 =	sld [smem:$0x3FB3]  }
0x2b: {  	s6 =	sld [smem:$0x3FB4]  }
0x2c: {  	s7 =	sld [smem:$0x3FB5]  }
0x2d: {  	s3 =	simm.s32 $0x108;
	s8 =	sld [smem:$0x3FB6]  }
0x2e: {  	s3 =	simm.s32 @!p0 $0x1082;
	s9 =	sld [smem:$0x3FB7]  }
0x2f: {  	lr =	sadd.s32 s0, s3;
	s0 =	sld [smem:$0x3FAE]  }
0x30: {  	s3 =	sld [smem:$0x3FB1]  }
0x31: {  	[smem:$0x3FBA] =	sst s10  }
0x32: {  	s10 =	sld [smem:$0x3FB8];
	_ =	sdelay $0x3  }
0x33: {  	p0 =	seq.s32 s10, $0x1;
	s10 =	sld [smem:$0x3FBA];
	_ =	sdelay $0x3  }
0x34: {  	[smem:$0x3FBA] =	sst s10  }
0x35: {  	s10 =	sld [smem:$0x3FB9];
	_ =	sdelay $0x3  }
0x36: {  	p1 =	seq.s32 s10, $0x1;
	s10 =	sld [smem:$0x3FBA];
	_ =	sdelay $0x3  }
0x37: {  	[smem:$0x3FBA] =	sst s10  }
0x38: {  	s10 =	sld [smem:$0x3FBB]  }
0x39: {  	_ = 	snop;
	(pc) =	sbr.ind lr, $3  }
0x3a: {  	_ = 	snop  }
0x3b: {  	_ = 	snop  }
0x3c: {  	p2 =	seq.s32 s10, $0x1;
	s10 =	sld [smem:$0x3FBA]  }
0x3d: {  	_ =	shalt  }
0x3e: {  	_ =	shalt  }
0x3f: {  	_ =	shalt  }
0x40: {  	_ =	shalt  }
0x41: {  	_ =	shalt  }
0x42: {  	_ =	shalt  }
0x43: {  	_ =	shalt  }
0x44: {  	_ =	shalt  }
0x45: {  	_ =	shalt  }
0x46: {  	_ =	shalt  }
0x47: {  	_ =	shalt  }
0x48: {  	_ =	shalt  }
0x49: {  	_ =	shalt  }
0x4a: {  	_ =	shalt  }
0x4b: {  	_ =	shalt  }
0x4c: {  	_ =	shalt  }
0x4d: {  	_ =	shalt  }
0x4e: {  	_ =	shalt  }
0x4f: {  	_ =	shalt  }
0x50: {  	_ =	shalt  }
0x51: {  	_ =	shalt  }
0x52: {  	_ =	shalt  }
0x53: {  	_ =	shalt  }
0x54: {  	_ =	shalt  }
0x55: {  	_ =	shalt  }
0x56: {  	_ =	shalt  }
0x57: {  	_ =	shalt  }
0x58: {  	_ =	shalt  }
0x59: {  	_ =	shalt  }
0x5a: {  	_ =	shalt  }
0x5b: {  	_ =	shalt  }
0x5c: {  	_ =	shalt  }
0x5d: {  	_ =	shalt  }
0x5e: {  	_ =	shalt  }
0x5f: {  	_ =	shalt  }
0x60: {  	_ =	shalt  }
0x61: {  	_ =	shalt  }
0x62: {  	_ =	shalt  }
0x63: {  	_ =	shalt  }
0x64: {  	_ =	shalt  }
0x65: {  	_ =	shalt  }
0x66: {  	_ =	shalt  }
0x67: {  	_ =	shalt  }
0x68: {  	_ =	shalt  }
0x69: {  	_ =	shalt  }
0x6a: {  	_ =	shalt  }
0x6b: {  	_ =	shalt  }
0x6c: {  	_ =	shalt  }
0x6d: {  	_ =	shalt  }
0x6e: {  	_ =	shalt  }
0x6f: {  	_ =	shalt  }
0x70: {  	_ =	shalt  }
0x71: {  	_ =	shalt  }
0x72: {  	_ =	shalt  }
0x73: {  	_ =	shalt  }
0x74: {  	_ =	shalt  }
0x75: {  	_ =	shalt  }
0x76: {  	_ =	shalt  }
0x77: {  	_ =	shalt  }
0x78: {  	_ =	shalt  }
0x79: {  	_ =	shalt  }
0x7a: {  	_ =	shalt  }
0x7b: {  	_ =	shalt  }
0x7c: {  	_ =	shalt  }
0x7d: {  	_ =	shalt  }
0x7e: {  	_ =	shalt  }
0x7f: {  	_ =	shalt  }
0x80: {  	_ =	shalt  }
0x81: {  	_ =	shalt  }
0x82: {  	_ =	shalt  }
0x83: {  	_ =	shalt  }
0x84: {  	_ =	shalt  }
0x85: {  	_ =	shalt  }
0x86: {  	_ =	shalt  }
0x87: {  	_ =	shalt  }
.Lfunc_end0:
.L_simem_size_0:
called_computation_lowered:
.L_overlay_start_0:
0x88: {  	s2 =	sld [smem:$0x3FD9]  }
0x89: {  	s3 =	sld [smem:$0x3FFE];
	_ =	sdelay $0x1  }
0x8a: {  	s1 =	srdreg.scid  }
0x8b: {  	s0 =	sand.u32 $0x1, s1  }
0x8c: {  	s17 =	sshll.u32 s0, $0xA;
	s2 =	sadd.s32 s3, s2  }
0x8d: {  	s2 =	sadd.s32 s2, s17  }
0x8e: {  	[smem:$0x3FC6] =	sst s2  }
0x8f: {  	_ = 	snop  }
0x90: {  	s2 =	sld [smem:$0x3FC8];
	(tm) =	ssettm $0x1  }
0x91: {  	s18 =	sld [smem:$0x3FFB];
	_ =	sdelay $0x3  }
0x92: {  	_ =	strace s18  }
0x93: {  	s3 =	sld [smem:$0x3FFC];
	_ =	sdelay $0x3  }
0x94: {  	_ =	strace s3  }
0x95: {  	s3 =	sld [smem:$0x3FFD];
	_ =	sdelay $0x3  }
0x96: {  	_ =	strace s3  }
0x97: {  	_ =	strace $0x8FFFFFFF  }
0x98: {  	s19 =	sld [smem:$0x3FDB];
	_ =	sdelay $0x1  }
0x99: {  	s4 =	simm.s32 $_scs_section_size  }
0x9a: {  	s5 =	simm.s32 $_size__tile_overlayer_lowered;
	s6 =	simm.s32 $_tile_overlayer_lowered  }
0x9b: {  	s22 =	simm.s32 $0x1BFF;
	s21 =	sshll.u32 s6, $0x1;
	s3 =	sadd.s32 s4, s19  }
0x9c: {  	s7 =	simm.s32 $0x0;
	s20 =	sshll.u32 s5, $0x1;
	s5 =	sadd.s32 s21, s3  }
0x9d: {  	[timem:s7], [sflag:s22] =	dma.local [hbm:s5], s20  }
0x9e: {  	_ =	swait.ge [sflag:s22], s20  }
0x9f: {  	s4 =	ssub.s32 $0x0, s20;
	[sflag:s22] =	ssyncset.done $0x0  }
0xa0: {  	[sflag:s22] =	ssyncadd.s32 s4;
	_ =	sdelay $0x1  }
0xa1: {  	s23 =	simm.s32 $0x1B8B  }
0xa2: {  	_ =	swait.ge [sflag:s23], $0x1  }
0xa3: {  	[sflag:s23] =	ssyncset.done $0x0  }
0xa4: {  	s25 =	simm.s32 $0x1B8E;
	s24 =	sld [smem:$0x3FFE];
	[sflag:s23] =	ssyncadd.s32 $0xFFFFFFFF  }
0xa5: {  	s26 =	simm.s32 $execute0_lowered;
	[smem:$0x3FD2] =	sst s25  }
0xa6: {  	s5 =	sshll.u32 s26, $0x1;
	_ =	strace $0x80000046;
	[dreg:$0x1] =	wrdreg $0xFFFFFFFF  }
0xa7: {  	s28 =	simm.s32 $_size_execute0_lowered;
	s3 =	sadd.s32 s3, s5;
	[dreg:$0x0] =	wrdreg $0x0  }
0xa8: {  	s5 =	sshll.u32 s28, $0x1;
	[dreg:$0x2] =	wrdreg s3  }
0xa9: {  	[dreg:$0x3] =	wrdreg s5  }
0xaa: {  	[dreg:$0x4] =	wrdreg $0xC0  }
0xab: {  	_ =	task [dreg:s7], $0x5FFFF  }
0xac: {  	[dreg:$0x1] =	wrdreg $0xFFFFFFFF  }
0xad: {  	[dreg:$0x0] =	wrdreg $0x60  }
0xae: {  	[dreg:$0x2] =	wrdreg s2  }
0xaf: {  	[dreg:$0x3] =	wrdreg s24  }
0xb0: {  	[dreg:$0x4] =	wrdreg $0x9  }
0xb1: {  	_ =	task.clear_ibuf [dreg:s7], $0x5FFFF;
	_ =	strace $0x90000046  }
0xb2: {  	s29 =	simm.s32 $0x9;
	_ =	strace $0x80000048  }
0xb3: {  	_ =	swait.ge [sflag:s29], $0x1  }
0xb4: {  	[sflag:s29] =	ssyncadd.s32 $0xFFFFFFFF  }
0xb5: {  	_ =	strace $0x90000048  }
0xb6: {  	_ =	sfence  }
0xb7: {  	s30 =	sld [smem:$0x0];
	_ =	sdelay $0x2  }
0xb8: {  	s31 =	sshll.u32 s1, $0xD;
	s1 =	sshrl.u32 s1, $0x2  }
0xb9: {  	s3 =	sand.u32 $0x4000, s31;
	s1 =	sadd.s32 s1, s30  }
0xba: {  	s0 =	sor.u32 s3, s0;
	s1 =	sshll.u32 s1, $0x11  }
0xbb: {  	s0 =	sor.u32 s1, s0  }
0xbc: {  	s0 =	sadd.s32 $0x8F2B, s0  }
0xbd: {  	[sflag:s0] =	ssyncadd.remote.s32 $0x1  }
0xbe: {  	_ =	sfence.sel $0xFFFF  }
0xbf: {  	[dreg:$0x0] =	wrdreg $0xFFFFFFFF;
	(pc) =	sbr.abs _section_cstart, $3  }
0xc0: {  	[dreg:$0x1] =	wrdreg $0xFFFFFFFF  }
0xc1: {  	_ =	task.clear_ibuf [dreg:s7], $0x2FFFF;
	_ =	strace $0x9FFFFFFF  }
0xc2: {  	(tm) =	ssettm $0x7FFFFFFF  }
0xc3: {  	_ =	shalt  }
tec
execute0_lowered:
.L_overlay_start_1:
0x0: {  	(tag) =	ssettag $0x1  }
0x1: {  	s1 =	rddreg [dreg:$0x0]  }
0x2: {  	s9 =	rddreg [dreg:$0x1]  }
0x3: {  	s0 =	rddreg [dreg:$0x2]  }
0x4: {  	s3 =	simm.s32 $0x0;
	s4 =	srdreg.scid;
	s2 =	stileid.u32  }
0x5: {  	s11 =	simm.s32 $0x400;
	s12 =	simm.s32 $0x7A1400;
	s13 =	simm.s32 $0x4000  }
0x6: {  	s14 =	simm.s32 $0x2000;
	s15 =	simm.s32 $0x6000;
	s16 =	simm.s32 $0x0  }
0x7: {  	v0 =	vlaneseq.u32;
	[smem:$0x7FF] =	sst s3;
	s5 =	sand.u32 $0x1, s4;
	s6 =	sshll.u32 s2, $0x1  }
.Ltmp0:
0x8: {  	s4 =	sadd.s32 $0xA00, s9;
	v1 =	vor.u32 $0x10, v0;
	v2 =	vor.u32 $0x20, v0;
	v3 =	vmul.u32 $0x40, v0;
	p0 =	sgt.u32 s2, $0x1;
	(pc) =	sbr.rel .LBB2_1-.Ltmp0, $4  }
0x9: {  	v4 =	vor.u32 $0x30, v0;
	v5 =	vor.u32 $0x40, v0;
	v6 =	vor.u32 $0x50, v0;
	_ =	strace $0x80000047;
	s7 =	ssub.s32 $0x2, s5;
	s5 =	sor.u32 s5, s6  }
0xa: {  	v7 =	vor.u32 $0x60, v0;
	v8 =	vor.u32 $0x70, v0;
	s6 =	sadd.s32 $0xC00, s9;
	s9 =	sadd.s32 $0x7A1C00, s9;
	s8 =	sshrl.u32 s7, $0x1;
	v9 =	vor.u32 $0x400, v3  }
0xb: {  	s31 =	sshll.u32 s5, $0x7;
	v10 =	vor.u32 $0x800, v3;
	v11 =	vor.u32 $0xC00, v3;
	v12 =	vor.u32 $0x1000, v3;
	p1 =	sne.s32 s5, $0x1F;
	s10 =	ssub.s32 s7, s8  }
0xc: {  	v13 =	vor.u32 $0x1400, v3;
	v14 =	vor.u32 $0x1800, v3;
	v15 =	vor.u32 $0x1C00, v3;
	s7 =	sadd.s32 s1, s31;
	s8 =	sor.u32 $0x40, s5;
	s10 =	smax.u32 s10, $0x1  }
.LBB2_11:
0xd: {  	s17 =	simm.s32 @!p0 $0x3  }
0xe: {  	_ =	swait.ge @!p0 [sflag:s17], $0x2000  }
0xf: {  	s18 =	simm.s32 @!p1 $0x4000;
	[sflag:s17] =	ssyncset.done @!p0 $0x0  }
0x10: {  	s19 =	simm.s32 @!p1 $0x5;
	[sflag:s17] =	ssyncadd.s32 @!p0 $0xFFFFE000;
	s17 =	simm.s32 @!p1 $0x0  }
0x11: {  	[tilespmem:s18], [sflag:$0x5] =	stream.linear.gather @!p1 [hbm4b:s4+s17], $0x1000, $0x38;
	[tilespmem:$0x8000] =	vst v63  }
0x12: {  	s16 =	sadd.s32 $0x1, s16;
	_ =	swait.ge @!p1 [sflag:s19], $0x1000  }
0x13: {  	p2 =	sne.s32 s16, s10;
	[sflag:s19] =	ssyncset.done @!p1 $0x0  }
.Ltmp1:
0x14: {  	[sflag:s19] =	ssyncadd.s32 @!p1 $0xFFFFF000;
	(pc) =	sbr.rel @!p2 .LBB2_12-.Ltmp1, $4  }
0x15: {  	[hbm4b:s9+s17] =	stream.linear.scatter @!p1 [tilespmem:s18], [sflag:$0x5], $0x1000, $0x38;
	[tilespmem:$0x8000] =	vst v63  }
0x16: {  	_ =	swait.ge @!p1 [sflag:s19], $0x1000  }
0x17: {  	[sflag:s19] =	ssyncset.done @!p1 $0x0  }
0x18: {  	[sflag:s19] =	ssyncadd.s32 @!p1 $0xFFFFF000  }
.LBB2_1:
.Ltmp2:
0x19: {  	(pc) =	sbr.rel .LBB2_2-.Ltmp2, $3  }
0x1a: {  	_ =	sdelay $0x1  }
0x1b: {  	[tilespmem:s3], [sflag:$0x1] =	stream.strided.gather [hbm4b:s7+s11], $0x2000, s12, s11, $0x38;
	[tilespmem:$0x8000] =	vst v63  }
0x1c: {  	s17 =	simm.s32 $0x0  }
.LBB2_10:
0x1d: {  	s17 =	sadd.s32 $0x1, s17  }
0x1e: {  	p2 =	sne.s32 s17, $0x7B  }
.Ltmp3:
0x1f: {  	_ = 	snop;
	(pc) =	sbr.rel @!p2 .LBB2_11-.Ltmp3, $1  }
0x20: {  	_ =	sdelay $0x3  }
.LBB2_2:
0x21: {  	s19 =	sshll.u32 s17, $0x6  }
0x22: {  	s21 =	sor.u32 s19, s5  }
0x23: {  	s18 =	sor.u32 $0x20, s21  }
0x24: {  	p2 =	sgt.u32 s18, $0x1E83  }
0x25: {  	p4 =	sgt.u32 s21, $0x1E83;
	s20 =	sshll.u32 @!p2 s18, $0x7;
	s22 =	simm.s32 @!p2 $0x400  }
0x26: {  	s23 =	simm.s32 @!p2 $0x7A1400;
	s24 =	simm.s32 @!p2 $0x2000;
	s20 =	sadd.s32 @!p2 s1, s20  }
0x27: {  	[tilespmem:s24], [sflag:$0x2] =	stream.strided.gather @!p2 [hbm4b:s20+s22], $0x2000, s23, s22, $0x38;
	[tilespmem:$0x8000] =	vst v63  }
0x28: {  	s20 =	simm.s32 @!p4 $0x1  }
0x29: {  	_ =	swait.ge @!p4 [sflag:s20], $0x2000  }
.Ltmp4:
0x2a: {  	p3 =	seq.s32 s17, $0x0;
	[sflag:s20] =	ssyncset.done @!p4 $0x0;
	(pc) =	sbr.rel @p4 .LBB2_6-.Ltmp4, $4  }
0x2b: {  	[sflag:s20] =	ssyncadd.s32 @!p4 $0xFFFFE000;
	s20 =	simm.s32 @!p3 $0x3  }
0x2c: {  	_ =	swait.ge @!p3 [sflag:s20], $0x2000  }
0x2d: {  	[sflag:s20] =	ssyncset.done @!p3 $0x0  }
0x2e: {  	[sflag:s20] =	ssyncadd.s32 @!p3 $0xFFFFE000;
	s20 =	simm.s32 $0x0  }
0x2f: {  	v16 =	vadd.s32 s20, v0  }
0x30: {  	v16 =	vand.u32 $0x3F, v16  }
0x31: {  	v17 =	vshll.u32 v16, $0x7  }
0x32: {  	v18 =	vor.u32 v5, v17  }
0x33: {  	v19 =	vor.u32 v0, v17  }
0x34: {  	v21 =	vor.u32 v2, v17  }
0x35: {  	v22 =	vor.u32 v1, v17  }
0x36: {  	v24 =	vor.u32 v4, v17  }
0x37: {  	v25 =	vor.u32 v6, v17;
	v20 =	vld.idx.msk [tilespmem:v18+s3+$0x0], $0xffff  }
0x38: {  	s22 =	simm.s32 $0x1;
	v33 =	vor.u32 v7, v17;
	v27 =	vld.idx.msk [tilespmem:v19+s3+$0x0], $0xffff  }
0x39: {  	v23 =	vor.u32 v8, v17;
	v19 =	vadd.s32 s22, v0;
	v26 =	vld.idx.msk [tilespmem:v21+s3+$0x0], $0xffff  }
0x3a: {  	v32 =	vor.u32 v3, v16;
	v34 =	vor.u32 v9, v16;
	v31 =	vld.idx.msk [tilespmem:v22+s3+$0x0], $0xffff;
	v17 =	vand.u32 $0x3F, v19  }
0x3b: {  	v35 =	vor.u32 v10, v16;
	v36 =	vor.u32 v11, v16;
	v29 =	vld.idx.msk [tilespmem:v24+s3+$0x0], $0xffff;
	v28 =	vshll.u32 v17, $0x7  }
0x3c: {  	v18 =	vor.u32 v12, v16;
	v30 =	vld.idx.msk [tilespmem:v25+s3+$0x0], $0xffff;
	v19 =	vor.u32 v12, v17;
	v24 =	vor.u32 v0, v28  }
0x3d: {  	s22 =	simm.s32 $0x2;
	v33 =	vld.idx.msk [tilespmem:v33+s3+$0x0], $0xffff;
	v21 =	vor.u32 v1, v28;
	v25 =	vor.u32 v2, v28;
	v22 =	vor.u32 v4, v28  }
.LBB2_4:
0x3e: {  	p4 =	sne.s32 s22, $0x3F;
	v37 =	vor.u32 v5, v28;
	v38 =	vor.u32 v6, v28;
	v39 =	vld.idx.msk [tilespmem:v23+s3+$0x0], $0xffff;
	v40 =	vor.u32 v13, v16;
	s23 =	smov.u32 s22;
	s22 =	sadd.s32 $0x1, s22  }
0x3f: {  	v41 =	vor.u32 v7, v28;
	v23 =	vor.u32 v8, v28;
	[tilespmem:v32+s13+$0x0] =	vst.idx.msk $0xffff, v27  }
0x40: {  	v27 =	vor.u32 v14, v16;
	[tilespmem:v34+s13+$0x0] =	vst.idx.msk $0xffff, v31  }
0x41: {  	[tilespmem:v35+s13+$0x0] =	vst.idx.msk $0xffff, v26;
	v26 =	vor.u32 v15, v16;
	v16 =	vmov v17  }
0x42: {  	[tilespmem:v36+s13+$0x0] =	vst.idx.msk $0xffff, v29  }
0x43: {  	[tilespmem:v18+s13+$0x0] =	vst.idx.msk $0xffff, v20;
	v18 =	vmov v19  }
0x44: {  	[tilespmem:v40+s13+$0x0] =	vst.idx.msk $0xffff, v30  }
0x45: {  	[tilespmem:v27+s13+$0x0] =	vst.idx.msk $0xffff, v33  }
0x46: {  	[tilespmem:v26+s13+$0x0] =	vst.idx.msk $0xffff, v39  }
0x47: {  	v20 =	vld.idx.msk [tilespmem:v37+s3+$0x0], $0xffff  }
0x48: {  	v27 =	vld.idx.msk [tilespmem:v24+s3+$0x0], $0xffff  }
.Ltmp5:
0x49: {  	v17 =	vadd.s32 s23, v0;
	v26 =	vld.idx.msk [tilespmem:v25+s3+$0x0], $0xffff;
	(pc) =	sbr.rel @p4 .LBB2_4-.Ltmp5, $4  }
0x4a: {  	v17 =	vand.u32 $0x3F, v17;
	v32 =	vor.u32 v3, v16;
	v31 =	vld.idx.msk [tilespmem:v21+s3+$0x0], $0xffff  }
0x4b: {  	v34 =	vor.u32 v9, v16;
	v28 =	vshll.u32 v17, $0x7;
	v19 =	vor.u32 v12, v17;
	v29 =	vld.idx.msk [tilespmem:v22+s3+$0x0], $0xffff  }
0x4c: {  	v35 =	vor.u32 v10, v16;
	v24 =	vor.u32 v0, v28;
	v21 =	vor.u32 v1, v28;
	v30 =	vld.idx.msk [tilespmem:v38+s3+$0x0], $0xffff  }
0x4d: {  	v36 =	vor.u32 v11, v16;
	v25 =	vor.u32 v2, v28;
	v22 =	vor.u32 v4, v28;
	v33 =	vld.idx.msk [tilespmem:v41+s3+$0x0], $0xffff  }
0x4e: {  	_ =	sdelay $0x3  }
0x4f: {  	v23 =	vld.idx.msk [tilespmem:v23+s3+$0x0], $0xffff;
	v37 =	vor.u32 v13, v16;
	[tilespmem:v32+s13+$0x0] =	vst.idx.msk $0xffff, v27  }
0x50: {  	v54 =	vor.u32 v14, v16;
	[tilespmem:v34+s13+$0x0] =	vst.idx.msk $0xffff, v31  }
0x51: {  	v16 =	vor.u32 v15, v16;
	[tilespmem:v35+s13+$0x0] =	vst.idx.msk $0xffff, v26  }
0x52: {  	v55 =	vor.u32 v5, v28;
	[tilespmem:v36+s13+$0x0] =	vst.idx.msk $0xffff, v29  }
0x53: {  	[tilespmem:v18+s13+$0x0] =	vst.idx.msk $0xffff, v20  }
0x54: {  	[tilespmem:v37+s13+$0x0] =	vst.idx.msk $0xffff, v30  }
0x55: {  	[tilespmem:v54+s13+$0x0] =	vst.idx.msk $0xffff, v33  }
0x56: {  	[tilespmem:v16+s13+$0x0] =	vst.idx.msk $0xffff, v23  }
0x57: {  	v56 =	vor.u32 v7, v28;
	v18 =	vld.idx.msk [tilespmem:v55+s3+$0x0], $0xffff  }
0x58: {  	v57 =	vor.u32 v8, v28;
	v23 =	vld.idx.msk [tilespmem:v24+s3+$0x0], $0xffff  }
0x59: {  	v58 =	vor.u32 v3, v17;
	v16 =	vor.u32 v6, v28;
	v25 =	vld.idx.msk [tilespmem:v25+s3+$0x0], $0xffff  }
0x5a: {  	v59 =	vor.u32 v9, v17;
	v21 =	vld.idx.msk [tilespmem:v21+s3+$0x0], $0xffff  }
0x5b: {  	v60 =	vor.u32 v10, v17;
	v22 =	vld.idx.msk [tilespmem:v22+s3+$0x0], $0xffff  }
0x5c: {  	v61 =	vor.u32 v11, v17;
	v20 =	vld.idx.msk [tilespmem:v56+s3+$0x0], $0xffff  }
0x5d: {  	v24 =	vld.idx.msk [tilespmem:v57+s3+$0x0], $0xffff  }
0x5e: {  	v62 =	vor.u32 v13, v17;
	v16 =	vld.idx.msk [tilespmem:v16+s3+$0x0], $0xffff;
	[tilespmem:v58+s13+$0x0] =	vst.idx.msk $0xffff, v23  }
0x5f: {  	v63 =	vor.u32 v14, v17;
	[tilespmem:v59+s13+$0x0] =	vst.idx.msk $0xffff, v21  }
0x60: {  	v17 =	vor.u32 v15, v17;
	[tilespmem:v60+s13+$0x0] =	vst.idx.msk $0xffff, v25  }
0x61: {  	[tilespmem:v61+s13+$0x0] =	vst.idx.msk $0xffff, v22  }
0x62: {  	[tilespmem:v19+s13+$0x0] =	vst.idx.msk $0xffff, v18  }
0x63: {  	[tilespmem:v62+s13+$0x0] =	vst.idx.msk $0xffff, v16  }
0x64: {  	s21 =	sshll.u32 s21, $0xA;
	[tilespmem:v63+s13+$0x0] =	vst.idx.msk $0xffff, v20  }
0x65: {  	s21 =	sadd.s32 s6, s21;
	[tilespmem:v17+s13+$0x0] =	vst.idx.msk $0xffff, v24  }
0x66: {  	[hbm4b:s21+s3] =	stream.linear.scatter [tilespmem:s13], [sflag:$0x3], $0x2000, $0x38;
	[tilespmem:$0x8000] =	vst v63  }
.LBB2_6:
0x67: {  	s19 =	sadd.s32 s8, s19  }
0x68: {  	p4 =	sgt.u32 s19, $0x1E83  }
0x69: {  	s19 =	sshll.u32 @!p4 s19, $0x7;
	s21 =	simm.s32 @!p4 $0x400  }
0x6a: {  	s22 =	simm.s32 @!p4 $0x7A1400;
	s23 =	simm.s32 @!p4 $0x0;
	s19 =	sadd.s32 @!p4 s1, s19  }
0x6b: {  	[tilespmem:s23], [sflag:$0x1] =	stream.strided.gather @!p4 [hbm4b:s19+s21], $0x2000, s22, s21, $0x38;
	[tilespmem:$0x8000] =	vst v63  }
0x6c: {  	s19 =	simm.s32 @!p2 $0x2  }
0x6d: {  	_ =	swait.ge @!p2 [sflag:s19], $0x2000  }
.Ltmp6:
0x6e: {  	[sflag:s19] =	ssyncset.done @!p2 $0x0;
	(pc) =	sbr.rel @p2 .LBB2_10-.Ltmp6, $4  }
0x6f: {  	[sflag:s19] =	ssyncadd.s32 @!p2 $0xFFFFE000;
	s19 =	simm.s32 @!p3 $0x4  }
0x70: {  	_ =	swait.ge @!p3 [sflag:s19], $0x2000  }
0x71: {  	[sflag:s19] =	ssyncset.done @!p3 $0x0  }
0x72: {  	[sflag:s19] =	ssyncadd.s32 @!p3 $0xFFFFE000  }
0x73: {  	v16 =	vadd.s32 s20, v0  }
0x74: {  	v16 =	vand.u32 $0x3F, v16  }
0x75: {  	v17 =	vshll.u32 v16, $0x7  }
0x76: {  	v18 =	vor.u32 v5, v17  }
0x77: {  	v19 =	vor.u32 v0, v17  }
0x78: {  	v21 =	vor.u32 v2, v17  }
0x79: {  	v22 =	vor.u32 v1, v17  }
0x7a: {  	v24 =	vor.u32 v4, v17  }
0x7b: {  	v25 =	vor.u32 v6, v17;
	v20 =	vld.idx.msk [tilespmem:v18+s14+$0x0], $0xffff  }
0x7c: {  	s19 =	simm.s32 $0x1;
	v33 =	vor.u32 v7, v17;
	v27 =	vld.idx.msk [tilespmem:v19+s14+$0x0], $0xffff  }
0x7d: {  	v23 =	vor.u32 v8, v17;
	v19 =	vadd.s32 s19, v0;
	v26 =	vld.idx.msk [tilespmem:v21+s14+$0x0], $0xffff  }
0x7e: {  	v32 =	vor.u32 v3, v16;
	v34 =	vor.u32 v9, v16;
	v31 =	vld.idx.msk [tilespmem:v22+s14+$0x0], $0xffff;
	v17 =	vand.u32 $0x3F, v19  }
0x7f: {  	v35 =	vor.u32 v10, v16;
	v36 =	vor.u32 v11, v16;
	v29 =	vld.idx.msk [tilespmem:v24+s14+$0x0], $0xffff;
	v28 =	vshll.u32 v17, $0x7  }
0x80: {  	v18 =	vor.u32 v12, v16;
	v30 =	vld.idx.msk [tilespmem:v25+s14+$0x0], $0xffff;
	v19 =	vor.u32 v12, v17;
	v24 =	vor.u32 v0, v28  }
0x81: {  	s19 =	simm.s32 $0x2;
	v33 =	vld.idx.msk [tilespmem:v33+s14+$0x0], $0xffff;
	v21 =	vor.u32 v1, v28;
	v25 =	vor.u32 v2, v28;
	v22 =	vor.u32 v4, v28  }
.LBB2_8:
0x82: {  	p2 =	sne.s32 s19, $0x3F;
	v37 =	vor.u32 v5, v28;
	v38 =	vor.u32 v6, v28;
	v39 =	vld.idx.msk [tilespmem:v23+s14+$0x0], $0xffff;
	v40 =	vor.u32 v13, v16;
	s20 =	smov.u32 s19;
	s19 =	sadd.s32 $0x1, s19  }
0x83: {  	v41 =	vor.u32 v7, v28;
	v23 =	vor.u32 v8, v28;
	[tilespmem:v32+s15+$0x0] =	vst.idx.msk $0xffff, v27  }
0x84: {  	v27 =	vor.u32 v14, v16;
	[tilespmem:v34+s15+$0x0] =	vst.idx.msk $0xffff, v31  }
0x85: {  	[tilespmem:v35+s15+$0x0] =	vst.idx.msk $0xffff, v26;
	v26 =	vor.u32 v15, v16;
	v16 =	vmov v17  }
0x86: {  	[tilespmem:v36+s15+$0x0] =	vst.idx.msk $0xffff, v29  }
0x87: {  	[tilespmem:v18+s15+$0x0] =	vst.idx.msk $0xffff, v20;
	v18 =	vmov v19  }
0x88: {  	[tilespmem:v40+s15+$0x0] =	vst.idx.msk $0xffff, v30  }
0x89: {  	[tilespmem:v27+s15+$0x0] =	vst.idx.msk $0xffff, v33  }
0x8a: {  	[tilespmem:v26+s15+$0x0] =	vst.idx.msk $0xffff, v39  }
0x8b: {  	v20 =	vld.idx.msk [tilespmem:v37+s14+$0x0], $0xffff  }
0x8c: {  	v27 =	vld.idx.msk [tilespmem:v24+s14+$0x0], $0xffff  }
.Ltmp7:
0x8d: {  	v17 =	vadd.s32 s20, v0;
	v26 =	vld.idx.msk [tilespmem:v25+s14+$0x0], $0xffff;
	(pc) =	sbr.rel @p2 .LBB2_8-.Ltmp7, $4  }
0x8e: {  	v17 =	vand.u32 $0x3F, v17;
	v32 =	vor.u32 v3, v16;
	v31 =	vld.idx.msk [tilespmem:v21+s14+$0x0], $0xffff  }
0x8f: {  	v34 =	vor.u32 v9, v16;
	v28 =	vshll.u32 v17, $0x7;
	v19 =	vor.u32 v12, v17;
	v29 =	vld.idx.msk [tilespmem:v22+s14+$0x0], $0xffff  }
0x90: {  	v35 =	vor.u32 v10, v16;
	v24 =	vor.u32 v0, v28;
	v21 =	vor.u32 v1, v28;
	v30 =	vld.idx.msk [tilespmem:v38+s14+$0x0], $0xffff  }
0x91: {  	v36 =	vor.u32 v11, v16;
	v25 =	vor.u32 v2, v28;
	v22 =	vor.u32 v4, v28;
	v33 =	vld.idx.msk [tilespmem:v41+s14+$0x0], $0xffff  }
0x92: {  	_ =	sdelay $0x3  }
0x93: {  	v23 =	vld.idx.msk [tilespmem:v23+s14+$0x0], $0xffff;
	v37 =	vor.u32 v13, v16;
	[tilespmem:v32+s15+$0x0] =	vst.idx.msk $0xffff, v27  }
0x94: {  	v54 =	vor.u32 v14, v16;
	[tilespmem:v34+s15+$0x0] =	vst.idx.msk $0xffff, v31  }
0x95: {  	v16 =	vor.u32 v15, v16;
	[tilespmem:v35+s15+$0x0] =	vst.idx.msk $0xffff, v26  }
0x96: {  	v55 =	vor.u32 v5, v28;
	[tilespmem:v36+s15+$0x0] =	vst.idx.msk $0xffff, v29  }
0x97: {  	[tilespmem:v18+s15+$0x0] =	vst.idx.msk $0xffff, v20  }
0x98: {  	[tilespmem:v37+s15+$0x0] =	vst.idx.msk $0xffff, v30  }
0x99: {  	[tilespmem:v54+s15+$0x0] =	vst.idx.msk $0xffff, v33  }
0x9a: {  	[tilespmem:v16+s15+$0x0] =	vst.idx.msk $0xffff, v23  }
0x9b: {  	v56 =	vor.u32 v7, v28;
	v18 =	vld.idx.msk [tilespmem:v55+s14+$0x0], $0xffff  }
0x9c: {  	v57 =	vor.u32 v8, v28;
	v23 =	vld.idx.msk [tilespmem:v24+s14+$0x0], $0xffff  }
0x9d: {  	v58 =	vor.u32 v3, v17;
	v16 =	vor.u32 v6, v28;
	v25 =	vld.idx.msk [tilespmem:v25+s14+$0x0], $0xffff  }
0x9e: {  	v59 =	vor.u32 v9, v17;
	v21 =	vld.idx.msk [tilespmem:v21+s14+$0x0], $0xffff  }
0x9f: {  	v60 =	vor.u32 v10, v17;
	v22 =	vld.idx.msk [tilespmem:v22+s14+$0x0], $0xffff  }
0xa0: {  	v61 =	vor.u32 v11, v17;
	v20 =	vld.idx.msk [tilespmem:v56+s14+$0x0], $0xffff  }
0xa1: {  	v24 =	vld.idx.msk [tilespmem:v57+s14+$0x0], $0xffff  }
0xa2: {  	v62 =	vor.u32 v13, v17;
	v16 =	vld.idx.msk [tilespmem:v16+s14+$0x0], $0xffff;
	[tilespmem:v58+s15+$0x0] =	vst.idx.msk $0xffff, v23  }
0xa3: {  	v63 =	vor.u32 v14, v17;
	[tilespmem:v59+s15+$0x0] =	vst.idx.msk $0xffff, v21  }
0xa4: {  	v17 =	vor.u32 v15, v17;
	[tilespmem:v60+s15+$0x0] =	vst.idx.msk $0xffff, v25  }
0xa5: {  	[tilespmem:v61+s15+$0x0] =	vst.idx.msk $0xffff, v22  }
.Ltmp8:
0xa6: {  	[tilespmem:v19+s15+$0x0] =	vst.idx.msk $0xffff, v18;
	(pc) =	sbr.rel .LBB2_10-.Ltmp8, $4  }
0xa7: {  	[tilespmem:v62+s15+$0x0] =	vst.idx.msk $0xffff, v16  }
0xa8: {  	s18 =	sshll.u32 s18, $0xA;
	[tilespmem:v63+s15+$0x0] =	vst.idx.msk $0xffff, v20  }
0xa9: {  	s18 =	sadd.s32 s6, s18;
	[tilespmem:v17+s15+$0x0] =	vst.idx.msk $0xffff, v24  }
0xaa: {  	[hbm4b:s18+s3] =	stream.linear.scatter [tilespmem:s15], [sflag:$0x4], $0x2000, $0x38;
	[tilespmem:$0x8000] =	vst v63  }
.LBB2_12:
0xab: {  	_ =	sfence.sel $0x180000  }
0xac: {  	[bflag:$0x0] =	sbarrier.arrive $0xFFFF  }
0xad: {  	p0 =	sne.s32 s2, $0x0;
	_ =	strace $0x90000047  }
0xae: {  	s0 =	sadd.s32 @!p0 $0x100000, s0;
	[bflag:$0x2] =	sbarrier.arrive $0xFFFF  }
0xaf: {  	[sflag:s0] =	ssyncadd.tile.s32 @!p0 $0x1;
	_ =	shalt  }
.Lfunc_end2:
_tile_overlayer_lowered:
.L_overlay_start_2:
0xb0: {  	(tag) =	ssettag $0x2  }
0xb1: {  	s0 =	rddreg [dreg:$0x0];
	s2 =	stileid.u32  }
0xb2: {  	s1 =	rddreg [dreg:$0x1];
	p0 =	sne.s32 s2, $0x0  }
0xb3: {  	s3 =	rddreg [dreg:$0x2];
	[bflag:$0x3] =	sbarrier.arrive $0xFFFF;
	s2 =	simm.s32 @!p0 $0x1C05  }
0xb4: {  	[timem:s3], [sflag:s2] =	dma.local @!p0 [hbm:s0], s1  }
0xb5: {  	s0 =	simm.s32 @!p0 $0x5  }
0xb6: {  	_ =	swait.ge @!p0 [sflag:s0], s1  }
0xb7: {  	s1 =	ssub.s32 @!p0 $0x0, s1;
	[sflag:s0] =	ssyncset.done @!p0 $0x0  }
0xb8: {  	[sflag:s0] =	ssyncadd.s32 @!p0 s1  }
0xb9: {  	[bflag:$0x3] =	sbarrier.arrive $0xFFFF  }
0xba: {  	_ =	shalt  }

// kernel: kernel.7.cloned.1.call-start
scs
__scs_entry_jumppad:
0x0: {  	(pc) =	sbr.rel $0x88, $3  }
0x1: {  	(tag) =	ssettag $0x0;
	lr =	simm.s32 $0x1  }
0x2: {  	[smem:$0x3F9F] =	sst lr;
	_ =	strace $0xD0000000  }
0x3: {  	_ = 	snop  }
0x4: {  	_ = 	snop  }
0x5: {  	_ = 	snop  }
0x6: {  	_ = 	snop  }
0x7: {  	_ = 	snop  }
__scs_overlays_trampoline_lowered:
0x8: {  	[smem:$0x3FAE] =	sst s0  }
0x9: {  	[smem:$0x3FAF] =	sst s1  }
0xa: {  	[smem:$0x3FB0] =	sst s2  }
0xb: {  	[smem:$0x3FB1] =	sst s3  }
0xc: {  	[smem:$0x3FB2] =	sst s4  }
0xd: {  	[smem:$0x3FB3] =	sst s5  }
0xe: {  	[smem:$0x3FB4] =	sst s6  }
0xf: {  	[smem:$0x3FB5] =	sst s7  }
0x10: {  	[smem:$0x3FB6] =	sst s8  }
0x11: {  	[smem:$0x3FB7] =	sst s9;
	s0 =	simm.s32 @!p0 $0x0  }
0x12: {  	s1 =	sld [smem:$0x3F9D];
	s0 =	simm.s32 @p0 $0x1  }
0x13: {  	[smem:$0x3FB8] =	sst s0;
	s0 =	simm.s32 @!p1 $0x0  }
0x14: {  	s2 =	sld [smem:$0x3F9C];
	s0 =	simm.s32 @p1 $0x1  }
0x15: {  	[smem:$0x3FB9] =	sst s0;
	s0 =	simm.s32 @!p2 $0x0  }
0x16: {  	s3 =	sld [smem:$0x3FDB];
	s0 =	simm.s32 @p2 $0x1  }
0x17: {  	s4 =	simm.s32 $0x1BF5;
	[smem:$0x3FBB] =	sst s0  }
0x18: {  	s0 =	sld [smem:$0x3F9E];
	_ =	swait.ge [sflag:s4], $0x0  }
0x19: {  	s7 =	sld [smem:$0x3F9F]  }
0x1a: {  	s8 =	sadd.s32 $0xFFFFE003, lr  }
0x1b: {  	s9 =	sadd.s32 $0xFFFFFEF7, lr;
	s5 =	simm.s32 $0xFFFFFFFF;
	p2 =	slt.u32 s8, $0xFFFFF086  }
0x1c: {  	p1 =	slt.u32 s9, $0xF7A;
	s5 =	simm.s32 @!p2 $0x0  }
0x1d: {  	s5 =	simm.s32 @p1 $0x1;
	p0 =	seq.s32 s7, s2  }
0x1e: {  	s7 =	smul.u32 @!p0 $0xF7A, s2;
	p2 =	seq.s32 @!p0 s5, $0x0  }
0x1f: {  	s9 =	smul.u32 $0xF7A, s1;
	s8 =	simm.s32 @!p0 $0x1BF5;
	p2 =	por !p2, p0  }
0x20: {  	[sflag:s8] =	ssyncset.s32 @!p0 $0xFFFFF086;
	s6 =	sadd.s32 @!p0 s3, s7;
	s7 =	simm.s32 @!p0 $0x108  }
0x21: {  	s3 =	sadd.s32 s3, s9;
	s6 =	sadd.s32 @!p0 $0x88, s6;
	s7 =	simm.s32 @p2 $0x1082  }
0x22: {  	[simem:s7], [sflag:s8] =	dma.local @!p0 [hbm:s6], $0xF7A  }
0x23: {  	s9 =	sor.u32 $0xD0000000, s2;
	s6 =	simm.s32 $0x108;
	_ =	swait.ge @!p0 [sflag:s8], $0x0  }
0x24: {  	s3 =	sadd.s32 $0x88, s3;
	s6 =	simm.s32 @!p1 $0x1082;
	[sflag:s4] =	ssyncset.s32 $0xFFFFF086  }
0x25: {  	[simem:s6], [sflag:s4] =	dma.local [hbm:s3], $0xF7A  }
0x26: {  	[smem:$0x3F9F] =	sst s1;
	(tag) =	ssettag s2;
	_ =	strace s9  }
0x27: {  	s1 =	sld [smem:$0x3FAF]  }
0x28: {  	s2 =	sld [smem:$0x3FB0]  }
0x29: {  	s4 =	sld [smem:$0x3FB2]  }
0x2a: {  	p0 =	seq.s32 s5, $0x0;
	s5 =	sld [smem:$0x3FB3]  }
0x2b: {  	s6 =	sld [smem:$0x3FB4]  }
0x2c: {  	s7 =	sld [smem:$0x3FB5]  }
0x2d: {  	s3 =	simm.s32 $0x108;
	s8 =	sld [smem:$0x3FB6]  }
0x2e: {  	s3 =	simm.s32 @!p0 $0x1082;
	s9 =	sld [smem:$0x3FB7]  }
0x2f: {  	lr =	sadd.s32 s0, s3;
	s0 =	sld [smem:$0x3FAE]  }
0x30: {  	s3 =	sld [smem:$0x3FB1]  }
0x31: {  	[smem:$0x3FBA] =	sst s10  }
0x32: {  	s10 =	sld [smem:$0x3FB8];
	_ =	sdelay $0x3  }
0x33: {  	p0 =	seq.s32 s10, $0x1;
	s10 =	sld [smem:$0x3FBA];
	_ =	sdelay $0x3  }
0x34: {  	[smem:$0x3FBA] =	sst s10  }
0x35: {  	s10 =	sld [smem:$0x3FB9];
	_ =	sdelay $0x3  }
0x36: {  	p1 =	seq.s32 s10, $0x1;
	s10 =	sld [smem:$0x3FBA];
	_ =	sdelay $0x3  }
0x37: {  	[smem:$0x3FBA] =	sst s10  }
0x38: {  	s10 =	sld [smem:$0x3FBB]  }
0x39: {  	_ = 	snop;
	(pc) =	sbr.ind lr, $3  }
0x3a: {  	_ = 	snop  }
0x3b: {  	_ = 	snop  }
0x3c: {  	p2 =	seq.s32 s10, $0x1;
	s10 =	sld [smem:$0x3FBA]  }
0x3d: {  	_ =	shalt  }
0x3e: {  	_ =	shalt  }
0x3f: {  	_ =	shalt  }
0x40: {  	_ =	shalt  }
0x41: {  	_ =	shalt  }
0x42: {  	_ =	shalt  }
0x43: {  	_ =	shalt  }
0x44: {  	_ =	shalt  }
0x45: {  	_ =	shalt  }
0x46: {  	_ =	shalt  }
0x47: {  	_ =	shalt  }
0x48: {  	_ =	shalt  }
0x49: {  	_ =	shalt  }
0x4a: {  	_ =	shalt  }
0x4b: {  	_ =	shalt  }
0x4c: {  	_ =	shalt  }
0x4d: {  	_ =	shalt  }
0x4e: {  	_ =	shalt  }
0x4f: {  	_ =	shalt  }
0x50: {  	_ =	shalt  }
0x51: {  	_ =	shalt  }
0x52: {  	_ =	shalt  }
0x53: {  	_ =	shalt  }
0x54: {  	_ =	shalt  }
0x55: {  	_ =	shalt  }
0x56: {  	_ =	shalt  }
0x57: {  	_ =	shalt  }
0x58: {  	_ =	shalt  }
0x59: {  	_ =	shalt  }
0x5a: {  	_ =	shalt  }
0x5b: {  	_ =	shalt  }
0x5c: {  	_ =	shalt  }
0x5d: {  	_ =	shalt  }
0x5e: {  	_ =	shalt  }
0x5f: {  	_ =	shalt  }
0x60: {  	_ =	shalt  }
0x61: {  	_ =	shalt  }
0x62: {  	_ =	shalt  }
0x63: {  	_ =	shalt  }
0x64: {  	_ =	shalt  }
0x65: {  	_ =	shalt  }
0x66: {  	_ =	shalt  }
0x67: {  	_ =	shalt  }
0x68: {  	_ =	shalt  }
0x69: {  	_ =	shalt  }
0x6a: {  	_ =	shalt  }
0x6b: {  	_ =	shalt  }
0x6c: {  	_ =	shalt  }
0x6d: {  	_ =	shalt  }
0x6e: {  	_ =	shalt  }
0x6f: {  	_ =	shalt  }
0x70: {  	_ =	shalt  }
0x71: {  	_ =	shalt  }
0x72: {  	_ =	shalt  }
0x73: {  	_ =	shalt  }
0x74: {  	_ =	shalt  }
0x75: {  	_ =	shalt  }
0x76: {  	_ =	shalt  }
0x77: {  	_ =	shalt  }
0x78: {  	_ =	shalt  }
0x79: {  	_ =	shalt  }
0x7a: {  	_ =	shalt  }
0x7b: {  	_ =	shalt  }
0x7c: {  	_ =	shalt  }
0x7d: {  	_ =	shalt  }
0x7e: {  	_ =	shalt  }
0x7f: {  	_ =	shalt  }
0x80: {  	_ =	shalt  }
0x81: {  	_ =	shalt  }
0x82: {  	_ =	shalt  }
0x83: {  	_ =	shalt  }
0x84: {  	_ =	shalt  }
0x85: {  	_ =	shalt  }
0x86: {  	_ =	shalt  }
0x87: {  	_ =	shalt  }
.Lfunc_end0:
.L_simem_size_0:
called_computation.1_lowered:
.L_overlay_start_0:
0x88: {  	s2 =	sld [smem:$0x3FD9]  }
0x89: {  	s3 =	sld [smem:$0x3FFE];
	_ =	sdelay $0x1  }
0x8a: {  	s1 =	srdreg.scid  }
0x8b: {  	s0 =	sand.u32 $0x1, s1  }
0x8c: {  	s17 =	sshll.u32 s0, $0xA;
	s2 =	sadd.s32 s3, s2  }
0x8d: {  	s2 =	sadd.s32 s2, s17  }
0x8e: {  	[smem:$0x3FC6] =	sst s2  }
0x8f: {  	_ = 	snop  }
0x90: {  	s2 =	sld [smem:$0x3FD0];
	(tm) =	ssettm $0x1  }
0x91: {  	s18 =	sld [smem:$0x3FFB];
	_ =	sdelay $0x3  }
0x92: {  	_ =	strace s18  }
0x93: {  	s3 =	sld [smem:$0x3FFC];
	_ =	sdelay $0x3  }
0x94: {  	_ =	strace s3  }
0x95: {  	s3 =	sld [smem:$0x3FFD];
	_ =	sdelay $0x3  }
0x96: {  	_ =	strace s3  }
0x97: {  	_ =	strace $0x8FFFFFFF  }
0x98: {  	s19 =	sld [smem:$0x3FDB];
	_ =	sdelay $0x1  }
0x99: {  	s4 =	simm.s32 $_scs_section_size  }
0x9a: {  	s5 =	simm.s32 $_size__tile_overlayer_lowered;
	s6 =	simm.s32 $_tile_overlayer_lowered  }
0x9b: {  	s22 =	simm.s32 $0x1BFF;
	s21 =	sshll.u32 s6, $0x1;
	s3 =	sadd.s32 s4, s19  }
0x9c: {  	s7 =	simm.s32 $0x0;
	s20 =	sshll.u32 s5, $0x1;
	s5 =	sadd.s32 s21, s3  }
0x9d: {  	[timem:s7], [sflag:s22] =	dma.local [hbm:s5], s20  }
0x9e: {  	_ =	swait.ge [sflag:s22], s20  }
0x9f: {  	s4 =	ssub.s32 $0x0, s20;
	[sflag:s22] =	ssyncset.done $0x0  }
0xa0: {  	[sflag:s22] =	ssyncadd.s32 s4;
	_ =	sdelay $0x1  }
0xa1: {  	s23 =	simm.s32 $0x1B8B  }
0xa2: {  	_ =	swait.ge [sflag:s23], $0x1  }
0xa3: {  	[sflag:s23] =	ssyncset.done $0x0  }
0xa4: {  	s25 =	simm.s32 $0x1B8E;
	s24 =	sld [smem:$0x3FFE];
	[sflag:s23] =	ssyncadd.s32 $0xFFFFFFFF  }
0xa5: {  	s26 =	simm.s32 $execute0_lowered;
	[smem:$0x3FD2] =	sst s25  }
0xa6: {  	s5 =	sshll.u32 s26, $0x1;
	_ =	strace $0x80000049;
	[dreg:$0x1] =	wrdreg $0xFFFFFFFF  }
0xa7: {  	s28 =	simm.s32 $_size_execute0_lowered;
	s3 =	sadd.s32 s3, s5;
	[dreg:$0x0] =	wrdreg $0x0  }
0xa8: {  	s5 =	sshll.u32 s28, $0x1;
	[dreg:$0x2] =	wrdreg s3  }
0xa9: {  	[dreg:$0x3] =	wrdreg s5  }
0xaa: {  	[dreg:$0x4] =	wrdreg $0xC0  }
0xab: {  	_ =	task [dreg:s7], $0x5FFFF  }
0xac: {  	[dreg:$0x1] =	wrdreg $0xFFFFFFFF  }
0xad: {  	[dreg:$0x0] =	wrdreg $0x60  }
0xae: {  	[dreg:$0x2] =	wrdreg s2  }
0xaf: {  	[dreg:$0x3] =	wrdreg s24  }
0xb0: {  	[dreg:$0x4] =	wrdreg $0x9  }
0xb1: {  	_ =	task.clear_ibuf [dreg:s7], $0x5FFFF;
	_ =	strace $0x90000049  }
0xb2: {  	s29 =	simm.s32 $0x9;
	_ =	strace $0x8000004B  }
0xb3: {  	_ =	swait.ge [sflag:s29], $0x1  }
0xb4: {  	[sflag:s29] =	ssyncadd.s32 $0xFFFFFFFF  }
0xb5: {  	_ =	strace $0x9000004B  }
0xb6: {  	_ =	sfence  }
0xb7: {  	s30 =	sld [smem:$0x0];
	_ =	sdelay $0x2  }
0xb8: {  	s31 =	sshll.u32 s1, $0xD;
	s1 =	sshrl.u32 s1, $0x2  }
0xb9: {  	s3 =	sand.u32 $0x4000, s31;
	s1 =	sadd.s32 s1, s30  }
0xba: {  	s0 =	sor.u32 s3, s0;
	s1 =	sshll.u32 s1, $0x11  }
0xbb: {  	s0 =	sor.u32 s1, s0  }
0xbc: {  	s0 =	sadd.s32 $0x8F2B, s0  }
0xbd: {  	[sflag:s0] =	ssyncadd.remote.s32 $0x1  }
0xbe: {  	_ =	sfence.sel $0xFFFF  }
0xbf: {  	[dreg:$0x0] =	wrdreg $0xFFFFFFFF;
	(pc) =	sbr.abs _section_cstart, $3  }
0xc0: {  	[dreg:$0x1] =	wrdreg $0xFFFFFFFF  }
0xc1: {  	_ =	task.clear_ibuf [dreg:s7], $0x2FFFF;
	_ =	strace $0x9FFFFFFF  }
0xc2: {  	(tm) =	ssettm $0x7FFFFFFF  }
0xc3: {  	_ =	shalt  }
tec
execute0_lowered:
.L_overlay_start_1:
0x0: {  	(tag) =	ssettag $0x1  }
0x1: {  	s0 =	rddreg [dreg:$0x0]  }
0x2: {  	s1 =	rddreg [dreg:$0x1];
	s2 =	simm.s32 $0x0  }
0x3: {  	s3 =	srdreg.scid;
	s9 =	stileid.u32;
	s28 =	simm.s32 $0x1  }
0x4: {  	s30 =	simm.s32 $0xC800;
	s5 =	sand.u32 $0x1, s3;
	s17 =	sshll.u32 s9, $0x1  }
0x5: {  	s31 =	simm.s32 $0x14800;
	s20 =	smul.u32 $0x140000, s9;
	s6 =	sor.u32 s5, s17  }
0x6: {  	s29 =	simm.s32 $0x4;
	[smem:$0x7FF] =	sst s2;
	s8 =	smul.u32 $0xA0000, s6  }
0x7: {  	s3 =	sadd.s32 $0xC00, s1;
	s4 =	sadd.s32 $0x7A2000, s1;
	s6 =	smul.u32 $0x500, s6  }
0x8: {  	_ =	strace $0x8000004A;
	s7 =	ssub.s32 $0x2, s5;
	s21 =	smul.u32 $0xA0000, s5  }
0x9: {  	s18 =	sshrl.u32 s7, $0x1;
	s19 =	sshrl.u32 s8, $0x3;
	s0 =	sadd.s32 s0, s6  }
0xa: {  	s1 =	ssub.s32 s7, s18;
	[dreg:$0xd] =	wrdreg s0;
	s6 =	sadd.s32 s4, s19  }
0xb: {  	s0 =	sadd.s32 s21, s20;
	s22 =	sadd.s32 $0x400, s6;
	s23 =	sadd.s32 $0x800, s6  }
0xc: {  	s24 =	sadd.s32 $0xC00, s6;
	s25 =	sadd.s32 $0x1000, s6;
	[dreg:$0xe] =	wrdreg s22  }
0xd: {  	s26 =	sadd.s32 $0x12C00, s6;
	s7 =	sadd.s32 $0x13000, s6;
	[dreg:$0xf] =	wrdreg s23  }
0xe: {  	s8 =	sadd.s32 $0x13400, s6;
	s9 =	sor.u32 $0x12000, s0;
	[dreg:$0x10] =	wrdreg s24  }
0xf: {  	s10 =	sor.u32 $0x10000, s0;
	s12 =	sor.u32 $0xE000, s0;
	[dreg:$0x11] =	wrdreg s25  }
0x10: {  	s14 =	sor.u32 $0xC000, s0;
	s16 =	sor.u32 $0xA000, s0;
	[dreg:$0x12] =	wrdreg s26  }
0x11: {  	s18 =	sor.u32 $0x1C000, s0;
	s20 =	sor.u32 $0x1A000, s0;
	[dreg:$0x13] =	wrdreg s7  }
0x12: {  	[dreg:$0x14] =	wrdreg s8;
	s7 =	sadd.s32 $0x13800, s6;
	s5 =	sshrl.u32 s9, $0x3  }
0x13: {  	s11 =	sshrl.u32 s10, $0x3;
	s13 =	sshrl.u32 s12, $0x3;
	[dreg:$0x15] =	wrdreg s7  }
0x14: {  	s15 =	sshrl.u32 s14, $0x3;
	s17 =	sshrl.u32 s16, $0x3;
	[dreg:$0x3] =	wrdreg s5  }
0x15: {  	s19 =	sshrl.u32 s18, $0x3;
	s21 =	sshrl.u32 s20, $0x3;
	[dreg:$0x4] =	wrdreg s11  }
0x16: {  	s22 =	sor.u32 $0x18000, s0;
	s24 =	sor.u32 $0x16000, s0;
	[dreg:$0x5] =	wrdreg s13  }
0x17: {  	s0 =	sor.u32 $0x14000, s0;
	s26 =	sadd.s32 $0x13C00, s6;
	[dreg:$0x6] =	wrdreg s15  }
0x18: {  	s16 =	smax.u32 s1, $0x1;
	s18 =	simm.s32 $0x80;
	[dreg:$0x7] =	wrdreg s17  }
0x19: {  	s20 =	simm.s32 $0x4800;
	s1 =	simm.s32 $0x2;
	[dreg:$0x8] =	wrdreg s19  }
0x1a: {  	[dreg:$0x9] =	wrdreg s21;
	s23 =	sshrl.u32 s22, $0x3;
	s25 =	sshrl.u32 s24, $0x3  }
0x1b: {  	[dreg:$0x16] =	wrdreg s26;
	s0 =	sshrl.u32 s0, $0x3;
	s17 =	simm.s32 $0x5  }
0x1c: {  	s19 =	simm.s32 $0x2800;
	s22 =	simm.s32 $0x6800;
	[dreg:$0xa] =	wrdreg s23  }
0x1d: {  	s24 =	simm.s32 $0x8800;
	s26 =	simm.s32 $0xA800;
	[dreg:$0xb] =	wrdreg s25  }
0x1e: {  	s21 =	simm.s32 $0x10800;
	s5 =	simm.s32 $0x0;
	[dreg:$0xc] =	wrdreg s0  }
0x1f: {  	s0 =	simm.s32 $0xE800;
	s25 =	simm.s32 $0x12800;
	s23 =	simm.s32 $0x3  }
.LBB2_1:
0x20: {  	s7 =	rddreg [dreg:$0xd]  }
0x21: {  	[tilespmem:s2], [sflag:$0x5] =	stream.linear.gather [hbm4b:s7+s2], $0x2800, $0x38;
	[tilespmem:$0x16800] =	vst v63  }
0x22: {  	_ =	swait.ge [sflag:s17], $0x2800  }
0x23: {  	[sflag:s17] =	ssyncset.done $0x0  }
0x24: {  	[sflag:s17] =	ssyncadd.s32 $0xFFFFD800  }
0x25: {  	[tilespmem:s19], [sflag:$0x1] =	stream.indirect.gather [hbm4b:s3+s18], $0x40, s2, s18, $0xb8;
	[tilespmem:$0x16800] =	vst v63  }
0x26: {  	_ = 	snop  }
0x27: {  	[tilespmem:s20], [sflag:$0x1] =	stream.indirect.gather [hbm4b:s3+s18], $0x40, s18, s18, $0xb8;
	[tilespmem:$0x16800] =	vst v63  }
0x28: {  	s15 =	simm.s32 $0x100  }
0x29: {  	[tilespmem:s22], [sflag:$0x1] =	stream.indirect.gather [hbm4b:s3+s18], $0x40, s15, s18, $0xb8;
	[tilespmem:$0x16800] =	vst v63  }
0x2a: {  	s8 =	simm.s32 $0x180  }
0x2b: {  	[tilespmem:s24], [sflag:$0x1] =	stream.indirect.gather [hbm4b:s3+s18], $0x40, s8, s18, $0xb8;
	[tilespmem:$0x16800] =	vst v63  }
0x2c: {  	s9 =	simm.s32 $0x200  }
0x2d: {  	[tilespmem:s26], [sflag:$0x1] =	stream.indirect.gather [hbm4b:s3+s18], $0x40, s9, s18, $0xb8;
	[tilespmem:$0x16800] =	vst v63  }
0x2e: {  	_ =	swait.ge [sflag:s28], $0x2000  }
0x2f: {  	[sflag:s28] =	ssyncset.done $0x0  }
0x30: {  	[sflag:s28] =	ssyncadd.s32 $0xFFFFE000  }
0x31: {  	_ =	swait.ge [sflag:s28], $0x2000  }
0x32: {  	[sflag:s28] =	ssyncset.done $0x0  }
0x33: {  	[sflag:s28] =	ssyncadd.s32 $0xFFFFE000  }
0x34: {  	_ =	swait.ge [sflag:s28], $0x2000  }
0x35: {  	[sflag:s28] =	ssyncset.done $0x0  }
0x36: {  	[sflag:s28] =	ssyncadd.s32 $0xFFFFE000  }
0x37: {  	_ =	swait.ge [sflag:s28], $0x2000  }
0x38: {  	[sflag:s28] =	ssyncset.done $0x0  }
0x39: {  	[sflag:s28] =	ssyncadd.s32 $0xFFFFE000  }
0x3a: {  	_ =	swait.ge [sflag:s28], $0x2000  }
0x3b: {  	[sflag:s28] =	ssyncset.done $0x0  }
0x3c: {  	s10 =	simm.s32 $0x280;
	[sflag:s28] =	ssyncadd.s32 $0xFFFFE000  }
0x3d: {  	[tilespmem:s30], [sflag:$0x2] =	stream.indirect.gather [hbm4b:s3+s18], $0x40, s10, s18, $0xb8;
	[tilespmem:$0x16800] =	vst v63  }
0x3e: {  	s11 =	simm.s32 $0x300  }
0x3f: {  	[tilespmem:s0], [sflag:$0x2] =	stream.indirect.gather [hbm4b:s3+s18], $0x40, s11, s18, $0xb8;
	[tilespmem:$0x16800] =	vst v63  }
0x40: {  	s12 =	simm.s32 $0x380  }
0x41: {  	[tilespmem:s21], [sflag:$0x2] =	stream.indirect.gather [hbm4b:s3+s18], $0x40, s12, s18, $0xb8;
	[tilespmem:$0x16800] =	vst v63  }
0x42: {  	s13 =	simm.s32 $0x400  }
0x43: {  	[tilespmem:s25], [sflag:$0x2] =	stream.indirect.gather [hbm4b:s3+s18], $0x40, s13, s18, $0xb8;
	[tilespmem:$0x16800] =	vst v63  }
0x44: {  	s14 =	simm.s32 $0x480  }
0x45: {  	[tilespmem:s31], [sflag:$0x2] =	stream.indirect.gather [hbm4b:s3+s18], $0x40, s14, s18, $0xb8;
	[tilespmem:$0x16800] =	vst v63  }
0x46: {  	_ = 	snop  }
0x47: {  	[hbm4b:s6+s2] =	stream.linear.scatter [tilespmem:s19], [sflag:$0x3], $0x2000, $0x38;
	[tilespmem:$0x16800] =	vst v63  }
0x48: {  	s15 =	rddreg [dreg:$0xe]  }
0x49: {  	[hbm4b:s15+s2] =	stream.linear.scatter [tilespmem:s20], [sflag:$0x3], $0x2000, $0x38;
	[tilespmem:$0x16800] =	vst v63  }
0x4a: {  	s8 =	rddreg [dreg:$0xf]  }
0x4b: {  	[hbm4b:s8+s2] =	stream.linear.scatter [tilespmem:s22], [sflag:$0x3], $0x2000, $0x38;
	[tilespmem:$0x16800] =	vst v63  }
0x4c: {  	s9 =	rddreg [dreg:$0x10]  }
0x4d: {  	[hbm4b:s9+s2] =	stream.linear.scatter [tilespmem:s24], [sflag:$0x3], $0x2000, $0x38;
	[tilespmem:$0x16800] =	vst v63  }
0x4e: {  	s10 =	rddreg [dreg:$0x11]  }
0x4f: {  	[hbm4b:s10+s2] =	stream.linear.scatter [tilespmem:s26], [sflag:$0x3], $0x2000, $0x38;
	[tilespmem:$0x16800] =	vst v63  }
0x50: {  	_ =	swait.ge [sflag:s1], $0x2000  }
0x51: {  	[sflag:s1] =	ssyncset.done $0x0  }
0x52: {  	[sflag:s1] =	ssyncadd.s32 $0xFFFFE000  }
0x53: {  	_ =	swait.ge [sflag:s1], $0x2000  }
0x54: {  	[sflag:s1] =	ssyncset.done $0x0  }
0x55: {  	[sflag:s1] =	ssyncadd.s32 $0xFFFFE000  }
0x56: {  	_ =	swait.ge [sflag:s1], $0x2000  }
0x57: {  	[sflag:s1] =	ssyncset.done $0x0  }
0x58: {  	[sflag:s1] =	ssyncadd.s32 $0xFFFFE000  }
0x59: {  	_ =	swait.ge [sflag:s1], $0x2000  }
0x5a: {  	[sflag:s1] =	ssyncset.done $0x0  }
0x5b: {  	[sflag:s1] =	ssyncadd.s32 $0xFFFFE000  }
0x5c: {  	_ =	swait.ge [sflag:s1], $0x2000  }
0x5d: {  	[sflag:s1] =	ssyncset.done $0x0  }
0x5e: {  	[sflag:s1] =	ssyncadd.s32 $0xFFFFE000  }
0x5f: {  	_ =	swait.ge [sflag:s23], $0x2000  }
0x60: {  	[sflag:s23] =	ssyncset.done $0x0  }
0x61: {  	[sflag:s23] =	ssyncadd.s32 $0xFFFFE000  }
0x62: {  	_ =	swait.ge [sflag:s23], $0x2000  }
0x63: {  	[sflag:s23] =	ssyncset.done $0x0  }
0x64: {  	[sflag:s23] =	ssyncadd.s32 $0xFFFFE000  }
0x65: {  	_ =	swait.ge [sflag:s23], $0x2000  }
0x66: {  	[sflag:s23] =	ssyncset.done $0x0  }
0x67: {  	[sflag:s23] =	ssyncadd.s32 $0xFFFFE000  }
0x68: {  	_ =	swait.ge [sflag:s23], $0x2000  }
0x69: {  	[sflag:s23] =	ssyncset.done $0x0  }
0x6a: {  	[sflag:s23] =	ssyncadd.s32 $0xFFFFE000  }
0x6b: {  	_ =	swait.ge [sflag:s23], $0x2000  }
0x6c: {  	[sflag:s23] =	ssyncset.done $0x0  }
0x6d: {  	s11 =	simm.s32 $0x500;
	[sflag:s23] =	ssyncadd.s32 $0xFFFFE000  }
0x6e: {  	[tilespmem:s19], [sflag:$0x1] =	stream.indirect.gather [hbm4b:s3+s18], $0x40, s11, s18, $0xb8;
	[tilespmem:$0x16800] =	vst v63  }
0x6f: {  	s12 =	simm.s32 $0x580  }
0x70: {  	[tilespmem:s20], [sflag:$0x1] =	stream.indirect.gather [hbm4b:s3+s18], $0x40, s12, s18, $0xb8;
	[tilespmem:$0x16800] =	vst v63  }
0x71: {  	s13 =	simm.s32 $0x600  }
0x72: {  	[tilespmem:s22], [sflag:$0x1] =	stream.indirect.gather [hbm4b:s3+s18], $0x40, s13, s18, $0xb8;
	[tilespmem:$0x16800] =	vst v63  }
0x73: {  	s14 =	simm.s32 $0x680  }
0x74: {  	[tilespmem:s24], [sflag:$0x1] =	stream.indirect.gather [hbm4b:s3+s18], $0x40, s14, s18, $0xb8;
	[tilespmem:$0x16800] =	vst v63  }
0x75: {  	s15 =	simm.s32 $0x700;
	s8 =	rddreg [dreg:$0x7]  }
0x76: {  	[tilespmem:s26], [sflag:$0x1] =	stream.indirect.gather [hbm4b:s3+s18], $0x40, s15, s18, $0xb8;
	[tilespmem:$0x16800] =	vst v63  }
0x77: {  	s9 =	rddreg [dreg:$0x6];
	s10 =	sadd.s32 s4, s8  }
0x78: {  	[hbm4b:s10+s2] =	stream.linear.scatter [tilespmem:s30], [sflag:$0x4], $0x2000, $0x38;
	[tilespmem:$0x16800] =	vst v63  }
0x79: {  	s11 =	rddreg [dreg:$0x5];
	s12 =	sadd.s32 s4, s9  }
0x7a: {  	[hbm4b:s12+s2] =	stream.linear.scatter [tilespmem:s0], [sflag:$0x4], $0x2000, $0x38;
	[tilespmem:$0x16800] =	vst v63  }
0x7b: {  	s13 =	rddreg [dreg:$0x4];
	s14 =	sadd.s32 s4, s11  }
0x7c: {  	[hbm4b:s14+s2] =	stream.linear.scatter [tilespmem:s21], [sflag:$0x4], $0x2000, $0x38;
	[tilespmem:$0x16800] =	vst v63  }
0x7d: {  	s15 =	rddreg [dreg:$0x3];
	s10 =	sadd.s32 s4, s13  }
0x7e: {  	[hbm4b:s10+s2] =	stream.linear.scatter [tilespmem:s25], [sflag:$0x4], $0x2000, $0x38;
	[tilespmem:$0x16800] =	vst v63  }
0x7f: {  	s11 =	sadd.s32 s4, s15  }
0x80: {  	[hbm4b:s11+s2] =	stream.linear.scatter [tilespmem:s31], [sflag:$0x4], $0x2000, $0x38;
	[tilespmem:$0x16800] =	vst v63  }
0x81: {  	_ =	swait.ge [sflag:s28], $0x2000  }
0x82: {  	[sflag:s28] =	ssyncset.done $0x0  }
0x83: {  	[sflag:s28] =	ssyncadd.s32 $0xFFFFE000  }
0x84: {  	_ =	swait.ge [sflag:s28], $0x2000  }
0x85: {  	[sflag:s28] =	ssyncset.done $0x0  }
0x86: {  	[sflag:s28] =	ssyncadd.s32 $0xFFFFE000  }
0x87: {  	_ =	swait.ge [sflag:s28], $0x2000  }
0x88: {  	[sflag:s28] =	ssyncset.done $0x0  }
0x89: {  	[sflag:s28] =	ssyncadd.s32 $0xFFFFE000  }
0x8a: {  	_ =	swait.ge [sflag:s28], $0x2000  }
0x8b: {  	[sflag:s28] =	ssyncset.done $0x0  }
0x8c: {  	[sflag:s28] =	ssyncadd.s32 $0xFFFFE000  }
0x8d: {  	_ =	swait.ge [sflag:s28], $0x2000  }
0x8e: {  	[sflag:s28] =	ssyncset.done $0x0  }
0x8f: {  	[sflag:s28] =	ssyncadd.s32 $0xFFFFE000  }
0x90: {  	_ =	swait.ge [sflag:s29], $0x2000  }
0x91: {  	[sflag:s29] =	ssyncset.done $0x0  }
0x92: {  	[sflag:s29] =	ssyncadd.s32 $0xFFFFE000  }
0x93: {  	_ =	swait.ge [sflag:s29], $0x2000  }
0x94: {  	[sflag:s29] =	ssyncset.done $0x0  }
0x95: {  	[sflag:s29] =	ssyncadd.s32 $0xFFFFE000  }
0x96: {  	_ =	swait.ge [sflag:s29], $0x2000  }
0x97: {  	[sflag:s29] =	ssyncset.done $0x0  }
0x98: {  	[sflag:s29] =	ssyncadd.s32 $0xFFFFE000  }
0x99: {  	_ =	swait.ge [sflag:s29], $0x2000  }
0x9a: {  	[sflag:s29] =	ssyncset.done $0x0  }
0x9b: {  	[sflag:s29] =	ssyncadd.s32 $0xFFFFE000  }
0x9c: {  	_ =	swait.ge [sflag:s29], $0x2000  }
0x9d: {  	[sflag:s29] =	ssyncset.done $0x0  }
0x9e: {  	s12 =	simm.s32 $0x780;
	[sflag:s29] =	ssyncadd.s32 $0xFFFFE000  }
0x9f: {  	[tilespmem:s30], [sflag:$0x2] =	stream.indirect.gather [hbm4b:s3+s18], $0x40, s12, s18, $0xb8;
	[tilespmem:$0x16800] =	vst v63  }
0xa0: {  	s13 =	simm.s32 $0x800  }
0xa1: {  	[tilespmem:s0], [sflag:$0x2] =	stream.indirect.gather [hbm4b:s3+s18], $0x40, s13, s18, $0xb8;
	[tilespmem:$0x16800] =	vst v63  }
0xa2: {  	s14 =	simm.s32 $0x880  }
0xa3: {  	[tilespmem:s21], [sflag:$0x2] =	stream.indirect.gather [hbm4b:s3+s18], $0x40, s14, s18, $0xb8;
	[tilespmem:$0x16800] =	vst v63  }
0xa4: {  	s9 =	simm.s32 $0x900  }
0xa5: {  	[tilespmem:s25], [sflag:$0x2] =	stream.indirect.gather [hbm4b:s3+s18], $0x40, s9, s18, $0xb8;
	[tilespmem:$0x16800] =	vst v63  }
0xa6: {  	s11 =	simm.s32 $0x980;
	s15 =	rddreg [dreg:$0xc]  }
0xa7: {  	[tilespmem:s31], [sflag:$0x2] =	stream.indirect.gather [hbm4b:s3+s18], $0x40, s11, s18, $0xb8;
	[tilespmem:$0x16800] =	vst v63  }
0xa8: {  	s10 =	rddreg [dreg:$0xb];
	s7 =	sadd.s32 s4, s15  }
0xa9: {  	[hbm4b:s7+s2] =	stream.linear.scatter [tilespmem:s19], [sflag:$0x3], $0x2000, $0x38;
	[tilespmem:$0x16800] =	vst v63  }
0xaa: {  	s8 =	sadd.s32 s4, s10;
	s12 =	rddreg [dreg:$0xa]  }
0xab: {  	[hbm4b:s8+s2] =	stream.linear.scatter [tilespmem:s20], [sflag:$0x3], $0x2000, $0x38;
	[tilespmem:$0x16800] =	vst v63  }
0xac: {  	s13 =	rddreg [dreg:$0x9];
	s14 =	sadd.s32 s4, s12  }
0xad: {  	[hbm4b:s14+s2] =	stream.linear.scatter [tilespmem:s22], [sflag:$0x3], $0x2000, $0x38;
	[tilespmem:$0x16800] =	vst v63  }
0xae: {  	s15 =	rddreg [dreg:$0x8];
	s7 =	sadd.s32 s4, s13  }
0xaf: {  	[hbm4b:s7+s2] =	stream.linear.scatter [tilespmem:s24], [sflag:$0x3], $0x2000, $0x38;
	[tilespmem:$0x16800] =	vst v63  }
0xb0: {  	s9 =	sadd.s32 s4, s15;
	s8 =	sadd.s32 $0x2800, s4;
	s7 =	simm.s32 $0x1400  }
.LBB2_2:
0xb1: {  	[hbm4b:s9+s2] =	stream.linear.scatter [tilespmem:s26], [sflag:$0x3], $0x2000, $0x38;
	[tilespmem:$0x16800] =	vst v63  }
0xb2: {  	_ =	swait.ge [sflag:s1], $0x2000  }
0xb3: {  	[sflag:s1] =	ssyncset.done $0x0  }
0xb4: {  	[sflag:s1] =	ssyncadd.s32 $0xFFFFE000  }
0xb5: {  	_ =	swait.ge [sflag:s1], $0x2000  }
0xb6: {  	[sflag:s1] =	ssyncset.done $0x0  }
0xb7: {  	[sflag:s1] =	ssyncadd.s32 $0xFFFFE000  }
0xb8: {  	_ =	swait.ge [sflag:s1], $0x2000  }
0xb9: {  	[sflag:s1] =	ssyncset.done $0x0  }
0xba: {  	[sflag:s1] =	ssyncadd.s32 $0xFFFFE000  }
0xbb: {  	_ =	swait.ge [sflag:s1], $0x2000  }
0xbc: {  	[sflag:s1] =	ssyncset.done $0x0  }
0xbd: {  	[sflag:s1] =	ssyncadd.s32 $0xFFFFE000  }
0xbe: {  	_ =	swait.ge [sflag:s1], $0x2000  }
0xbf: {  	[sflag:s1] =	ssyncset.done $0x0  }
0xc0: {  	[sflag:s1] =	ssyncadd.s32 $0xFFFFE000  }
0xc1: {  	_ =	swait.ge [sflag:s23], $0x2000  }
0xc2: {  	[sflag:s23] =	ssyncset.done $0x0  }
0xc3: {  	[sflag:s23] =	ssyncadd.s32 $0xFFFFE000  }
0xc4: {  	_ =	swait.ge [sflag:s23], $0x2000  }
0xc5: {  	[sflag:s23] =	ssyncset.done $0x0  }
0xc6: {  	[sflag:s23] =	ssyncadd.s32 $0xFFFFE000  }
0xc7: {  	_ =	swait.ge [sflag:s23], $0x2000  }
0xc8: {  	[sflag:s23] =	ssyncset.done $0x0  }
0xc9: {  	[sflag:s23] =	ssyncadd.s32 $0xFFFFE000  }
0xca: {  	_ =	swait.ge [sflag:s23], $0x2000  }
0xcb: {  	[sflag:s23] =	ssyncset.done $0x0  }
0xcc: {  	[sflag:s23] =	ssyncadd.s32 $0xFFFFE000  }
0xcd: {  	s11 =	smov.u32 s7;
	_ =	swait.ge [sflag:s23], $0x2000  }
0xce: {  	s9 =	sshra.s32 s11, $0x2;
	[sflag:s23] =	ssyncset.done $0x0  }
0xcf: {  	s10 =	sadd.s32 $0x500, s9;
	[sflag:s23] =	ssyncadd.s32 $0xFFFFE000  }
0xd0: {  	[tilespmem:s19], [sflag:$0x1] =	stream.indirect.gather [hbm4b:s3+s18], $0x40, s10, s18, $0xb8;
	[tilespmem:$0x16800] =	vst v63  }
0xd1: {  	s12 =	sadd.s32 $0x580, s9  }
0xd2: {  	[tilespmem:s20], [sflag:$0x1] =	stream.indirect.gather [hbm4b:s3+s18], $0x40, s12, s18, $0xb8;
	[tilespmem:$0x16800] =	vst v63  }
0xd3: {  	s13 =	sadd.s32 $0x600, s9  }
0xd4: {  	[tilespmem:s22], [sflag:$0x1] =	stream.indirect.gather [hbm4b:s3+s18], $0x40, s13, s18, $0xb8;
	[tilespmem:$0x16800] =	vst v63  }
0xd5: {  	s14 =	sadd.s32 $0x680, s9  }
0xd6: {  	[tilespmem:s24], [sflag:$0x1] =	stream.indirect.gather [hbm4b:s3+s18], $0x40, s14, s18, $0xb8;
	[tilespmem:$0x16800] =	vst v63  }
0xd7: {  	s15 =	sadd.s32 $0x700, s9;
	s11 =	rddreg [dreg:$0x7]  }
0xd8: {  	[tilespmem:s26], [sflag:$0x1] =	stream.indirect.gather [hbm4b:s3+s18], $0x40, s15, s18, $0xb8;
	[tilespmem:$0x16800] =	vst v63  }
0xd9: {  	s11 =	sadd.s32 s8, s11;
	s12 =	rddreg [dreg:$0x6]  }
0xda: {  	[hbm4b:s11+s2] =	stream.linear.scatter [tilespmem:s30], [sflag:$0x4], $0x2000, $0x38;
	[tilespmem:$0x16800] =	vst v63  }
0xdb: {  	s13 =	rddreg [dreg:$0x5];
	s14 =	sadd.s32 s8, s12  }
0xdc: {  	[hbm4b:s14+s2] =	stream.linear.scatter [tilespmem:s0], [sflag:$0x4], $0x2000, $0x38;
	[tilespmem:$0x16800] =	vst v63  }
0xdd: {  	s13 =	sadd.s32 s8, s13;
	s15 =	rddreg [dreg:$0x4]  }
0xde: {  	[hbm4b:s13+s2] =	stream.linear.scatter [tilespmem:s21], [sflag:$0x4], $0x2000, $0x38;
	[tilespmem:$0x16800] =	vst v63  }
0xdf: {  	s15 =	sadd.s32 s8, s15;
	s14 =	rddreg [dreg:$0x3]  }
0xe0: {  	[hbm4b:s15+s2] =	stream.linear.scatter [tilespmem:s25], [sflag:$0x4], $0x2000, $0x38;
	[tilespmem:$0x16800] =	vst v63  }
0xe1: {  	s12 =	sadd.s32 s8, s14  }
0xe2: {  	[hbm4b:s12+s2] =	stream.linear.scatter [tilespmem:s31], [sflag:$0x4], $0x2000, $0x38;
	[tilespmem:$0x16800] =	vst v63  }
0xe3: {  	_ =	swait.ge [sflag:s28], $0x2000  }
0xe4: {  	[sflag:s28] =	ssyncset.done $0x0  }
0xe5: {  	[sflag:s28] =	ssyncadd.s32 $0xFFFFE000  }
0xe6: {  	_ =	swait.ge [sflag:s28], $0x2000  }
0xe7: {  	[sflag:s28] =	ssyncset.done $0x0  }
0xe8: {  	[sflag:s28] =	ssyncadd.s32 $0xFFFFE000  }
0xe9: {  	_ =	swait.ge [sflag:s28], $0x2000  }
0xea: {  	[sflag:s28] =	ssyncset.done $0x0  }
0xeb: {  	[sflag:s28] =	ssyncadd.s32 $0xFFFFE000  }
0xec: {  	_ =	swait.ge [sflag:s28], $0x2000  }
0xed: {  	[sflag:s28] =	ssyncset.done $0x0  }
0xee: {  	[sflag:s28] =	ssyncadd.s32 $0xFFFFE000  }
0xef: {  	_ =	swait.ge [sflag:s28], $0x2000  }
0xf0: {  	[sflag:s28] =	ssyncset.done $0x0  }
0xf1: {  	[sflag:s28] =	ssyncadd.s32 $0xFFFFE000  }
0xf2: {  	_ =	swait.ge [sflag:s29], $0x2000  }
0xf3: {  	[sflag:s29] =	ssyncset.done $0x0  }
0xf4: {  	[sflag:s29] =	ssyncadd.s32 $0xFFFFE000  }
0xf5: {  	_ =	swait.ge [sflag:s29], $0x2000  }
0xf6: {  	[sflag:s29] =	ssyncset.done $0x0  }
0xf7: {  	[sflag:s29] =	ssyncadd.s32 $0xFFFFE000  }
0xf8: {  	_ =	swait.ge [sflag:s29], $0x2000  }
0xf9: {  	[sflag:s29] =	ssyncset.done $0x0  }
0xfa: {  	[sflag:s29] =	ssyncadd.s32 $0xFFFFE000  }
0xfb: {  	_ =	swait.ge [sflag:s29], $0x2000  }
0xfc: {  	[sflag:s29] =	ssyncset.done $0x0  }
0xfd: {  	[sflag:s29] =	ssyncadd.s32 $0xFFFFE000  }
0xfe: {  	_ =	swait.ge [sflag:s29], $0x2000  }
0xff: {  	[sflag:s29] =	ssyncset.done $0x0  }
0x100: {  	s13 =	sadd.s32 $0x780, s9;
	[sflag:s29] =	ssyncadd.s32 $0xFFFFE000  }
0x101: {  	[tilespmem:s30], [sflag:$0x2] =	stream.indirect.gather [hbm4b:s3+s18], $0x40, s13, s18, $0xb8;
	[tilespmem:$0x16800] =	vst v63  }
0x102: {  	s14 =	sadd.s32 $0x800, s9  }
0x103: {  	[tilespmem:s0], [sflag:$0x2] =	stream.indirect.gather [hbm4b:s3+s18], $0x40, s14, s18, $0xb8;
	[tilespmem:$0x16800] =	vst v63  }
0x104: {  	s15 =	sadd.s32 $0x880, s9  }
0x105: {  	[tilespmem:s21], [sflag:$0x2] =	stream.indirect.gather [hbm4b:s3+s18], $0x40, s15, s18, $0xb8;
	[tilespmem:$0x16800] =	vst v63  }
0x106: {  	s11 =	sadd.s32 $0x900, s9  }
0x107: {  	[tilespmem:s25], [sflag:$0x2] =	stream.indirect.gather [hbm4b:s3+s18], $0x40, s11, s18, $0xb8;
	[tilespmem:$0x16800] =	vst v63  }
0x108: {  	s9 =	sadd.s32 $0x980, s9;
	s10 =	rddreg [dreg:$0xc]  }
0x109: {  	[tilespmem:s31], [sflag:$0x2] =	stream.indirect.gather [hbm4b:s3+s18], $0x40, s9, s18, $0xb8;
	[tilespmem:$0x16800] =	vst v63  }
0x10a: {  	s12 =	rddreg [dreg:$0xb];
	s11 =	sadd.s32 s8, s10  }
0x10b: {  	[hbm4b:s11+s2] =	stream.linear.scatter [tilespmem:s19], [sflag:$0x3], $0x2000, $0x38;
	[tilespmem:$0x16800] =	vst v63  }
0x10c: {  	p0 =	sne.s32 s7, $0x7800;
	s12 =	sadd.s32 s8, s12;
	s13 =	rddreg [dreg:$0xa]  }
0x10d: {  	[hbm4b:s12+s2] =	stream.linear.scatter [tilespmem:s20], [sflag:$0x3], $0x2000, $0x38;
	[tilespmem:$0x16800] =	vst v63  }
.Ltmp0:
0x10e: {  	s14 =	rddreg [dreg:$0x9];
	(pc) =	sbr.rel @p0 .LBB2_2-.Ltmp0, $4  }
0x10f: {  	s7 =	sadd.s32 $0x1400, s7;
	s13 =	sadd.s32 s8, s13;
	s15 =	rddreg [dreg:$0x8]  }
0x110: {  	[hbm4b:s13+s2] =	stream.linear.scatter [tilespmem:s22], [sflag:$0x3], $0x2000, $0x38;
	[tilespmem:$0x16800] =	vst v63  }
0x111: {  	s14 =	sadd.s32 s8, s14;
	s9 =	sadd.s32 s8, s15;
	s8 =	sadd.s32 $0x2800, s8  }
0x112: {  	[hbm4b:s14+s2] =	stream.linear.scatter [tilespmem:s24], [sflag:$0x3], $0x2000, $0x38;
	[tilespmem:$0x16800] =	vst v63  }
0x113: {  	[hbm4b:s9+s2] =	stream.linear.scatter [tilespmem:s26], [sflag:$0x3], $0x2000, $0x38;
	[tilespmem:$0x16800] =	vst v63  }
0x114: {  	_ =	swait.ge [sflag:s1], $0x2000  }
0x115: {  	[sflag:s1] =	ssyncset.done $0x0  }
0x116: {  	[sflag:s1] =	ssyncadd.s32 $0xFFFFE000  }
0x117: {  	_ =	swait.ge [sflag:s1], $0x2000  }
0x118: {  	[sflag:s1] =	ssyncset.done $0x0  }
0x119: {  	[sflag:s1] =	ssyncadd.s32 $0xFFFFE000  }
0x11a: {  	_ =	swait.ge [sflag:s1], $0x2000  }
0x11b: {  	[sflag:s1] =	ssyncset.done $0x0  }
0x11c: {  	[sflag:s1] =	ssyncadd.s32 $0xFFFFE000  }
0x11d: {  	_ =	swait.ge [sflag:s1], $0x2000  }
0x11e: {  	[sflag:s1] =	ssyncset.done $0x0  }
0x11f: {  	[sflag:s1] =	ssyncadd.s32 $0xFFFFE000  }
0x120: {  	_ =	swait.ge [sflag:s1], $0x2000  }
0x121: {  	[sflag:s1] =	ssyncset.done $0x0  }
0x122: {  	[sflag:s1] =	ssyncadd.s32 $0xFFFFE000  }
0x123: {  	_ =	swait.ge [sflag:s23], $0x2000  }
0x124: {  	[sflag:s23] =	ssyncset.done $0x0  }
0x125: {  	[sflag:s23] =	ssyncadd.s32 $0xFFFFE000  }
0x126: {  	_ =	swait.ge [sflag:s23], $0x2000  }
0x127: {  	[sflag:s23] =	ssyncset.done $0x0  }
0x128: {  	[sflag:s23] =	ssyncadd.s32 $0xFFFFE000  }
0x129: {  	_ =	swait.ge [sflag:s23], $0x2000  }
0x12a: {  	[sflag:s23] =	ssyncset.done $0x0  }
0x12b: {  	[sflag:s23] =	ssyncadd.s32 $0xFFFFE000  }
0x12c: {  	_ =	swait.ge [sflag:s23], $0x2000  }
0x12d: {  	[sflag:s23] =	ssyncset.done $0x0  }
0x12e: {  	[sflag:s23] =	ssyncadd.s32 $0xFFFFE000  }
0x12f: {  	_ =	swait.ge [sflag:s23], $0x2000  }
0x130: {  	[sflag:s23] =	ssyncset.done $0x0  }
0x131: {  	s7 =	rddreg [dreg:$0x12];
	[sflag:s23] =	ssyncadd.s32 $0xFFFFE000  }
0x132: {  	[hbm4b:s7+s2] =	stream.linear.scatter [tilespmem:s30], [sflag:$0x4], $0x2000, $0x38;
	[tilespmem:$0x16800] =	vst v63  }
0x133: {  	s12 =	rddreg [dreg:$0x13]  }
0x134: {  	[hbm4b:s12+s2] =	stream.linear.scatter [tilespmem:s0], [sflag:$0x4], $0x2000, $0x38;
	[tilespmem:$0x16800] =	vst v63  }
0x135: {  	s13 =	rddreg [dreg:$0x14]  }
0x136: {  	[hbm4b:s13+s2] =	stream.linear.scatter [tilespmem:s21], [sflag:$0x4], $0x2000, $0x38;
	[tilespmem:$0x16800] =	vst v63  }
0x137: {  	s14 =	rddreg [dreg:$0x15]  }
0x138: {  	[hbm4b:s14+s2] =	stream.linear.scatter [tilespmem:s25], [sflag:$0x4], $0x2000, $0x38;
	[tilespmem:$0x16800] =	vst v63  }
0x139: {  	s15 =	rddreg [dreg:$0x16]  }
0x13a: {  	[hbm4b:s15+s2] =	stream.linear.scatter [tilespmem:s31], [sflag:$0x4], $0x2000, $0x38;
	[tilespmem:$0x16800] =	vst v63  }
0x13b: {  	_ =	swait.ge [sflag:s29], $0x2000  }
0x13c: {  	[sflag:s29] =	ssyncset.done $0x0  }
0x13d: {  	[sflag:s29] =	ssyncadd.s32 $0xFFFFE000  }
0x13e: {  	_ =	swait.ge [sflag:s29], $0x2000  }
0x13f: {  	[sflag:s29] =	ssyncset.done $0x0  }
0x140: {  	[sflag:s29] =	ssyncadd.s32 $0xFFFFE000  }
0x141: {  	_ =	swait.ge [sflag:s29], $0x2000  }
0x142: {  	[sflag:s29] =	ssyncset.done $0x0  }
0x143: {  	s5 =	sadd.s32 $0x1, s5;
	[sflag:s29] =	ssyncadd.s32 $0xFFFFE000  }
0x144: {  	p0 =	sne.s32 s5, s16;
	_ =	swait.ge [sflag:s29], $0x2000  }
.Ltmp1:
0x145: {  	[sflag:s29] =	ssyncset.done $0x0;
	(pc) =	sbr.rel @p0 .LBB2_1-.Ltmp1, $4  }
0x146: {  	[sflag:s29] =	ssyncadd.s32 $0xFFFFE000  }
0x147: {  	_ =	swait.ge [sflag:s29], $0x2000  }
0x148: {  	[sflag:s29] =	ssyncset.done $0x0  }
0x149: {  	[sflag:s29] =	ssyncadd.s32 $0xFFFFE000  }
0x14a: {  	_ =	sfence.sel $0x180000  }
0x14b: {  	[bflag:$0x0] =	sbarrier.arrive $0xFFFF  }
0x14c: {  	_ =	strace $0x9000004A  }
0x14d: {  	s0 =	stileid.u32;
	[bflag:$0x2] =	sbarrier.arrive $0xFFFF  }
0x14e: {  	p0 =	sne.s32 s0, $0x0;
	s0 =	rddreg [dreg:$0x2]  }
0x14f: {  	s0 =	sadd.s32 @!p0 $0x100000, s0  }
0x150: {  	[sflag:s0] =	ssyncadd.tile.s32 @!p0 $0x1;
	_ =	shalt  }
.Lfunc_end2:
_tile_overlayer_lowered:
.L_overlay_start_2:
0x151: {  	(tag) =	ssettag $0x2  }
0x152: {  	s0 =	rddreg [dreg:$0x0];
	s2 =	stileid.u32  }
0x153: {  	s1 =	rddreg [dreg:$0x1];
	p0 =	sne.s32 s2, $0x0  }
0x154: {  	s3 =	rddreg [dreg:$0x2];
	[bflag:$0x3] =	sbarrier.arrive $0xFFFF;
	s2 =	simm.s32 @!p0 $0x1C05  }
0x155: {  	[timem:s3], [sflag:s2] =	dma.local @!p0 [hbm:s0], s1  }
0x156: {  	s0 =	simm.s32 @!p0 $0x5  }
0x157: {  	_ =	swait.ge @!p0 [sflag:s0], s1  }
0x158: {  	s1 =	ssub.s32 @!p0 $0x0, s1;
	[sflag:s0] =	ssyncset.done @!p0 $0x0  }
0x159: {  	[sflag:s0] =	ssyncadd.s32 @!p0 s1  }
0x15a: {  	[bflag:$0x3] =	sbarrier.arrive $0xFFFF  }
0x15b: {  	_ =	shalt  }

</sc_bundles>
